<compile_context>
chip_gen: v7x
topology: tpu7x:2x2x1
jax: 0.10.2.dev20260603
libtpu: 0.0.44.dev20260713+nightly
codegen_flags: <defaults>
</compile_context>

<pallas_src>
import functools

import jax
import jax.numpy as jnp
from jax import lax
from jax.experimental import pallas as pl
from jax.experimental.pallas import tpu as pltpu, tpu_sc as plsc

_NW = 32
_L = 16
_U = 8
_LAG = 8


def _embedding_sc(B, b_per_w, D):
    n_iters = b_per_w // _U
    pack = 128 // D
    mesh = plsc.VectorSubcoreMesh(core_axis_name="c", subcore_axis_name="s")

    @functools.partial(
        pl.kernel,
        mesh=mesh,
        out_type=jax.ShapeDtypeStruct((_NW, b_per_w // (128 // D), 128), jnp.float32),
        scratch_types=[
            pltpu.VMEM((b_per_w,), jnp.int32),
            pltpu.SMEM((b_per_w,), jnp.int32),
            pltpu.VMEM((b_per_w // (128 // D), 128), jnp.float32),
            pltpu.SemaphoreType.DMA,
        ],
    )
    def k(ids_hbm, table_hbm, out_hbm, ids_v, ids_s, rows_v, sem):
        nc = lax.axis_size("c")
        wid = lax.axis_index("s") * nc + lax.axis_index("c")
        pltpu.sync_copy(ids_hbm.at[wid], ids_v)

        def unpack_body(c, _):
            vec = ids_v[pl.ds(c * _L, _L)]
            for u in range(_L):
                ids_s[c * _L + u] = vec[u]
            return ()

        lax.fori_loop(0, b_per_w // _L, unpack_body, ())

        def row_copy(i):
            v = ids_s[i]
            return pltpu.make_async_copy(
                table_hbm.at[v],
                rows_v.at[i // pack, pl.ds((i % pack) * D, D)],
                sem,
            )

        def issue_body(it, _):
            for u in range(_U):
                row_copy(it * _U + u).start()

            @pl.when(it >= _LAG)
            def _():
                for u in range(_U):
                    row_copy((it - _LAG) * _U + u).wait()

            return ()

        lax.fori_loop(0, n_iters, issue_body, ())
        for t in range(_LAG):
            for u in range(_U):
                row_copy((n_iters - _LAG + t) * _U + u).wait()
        pltpu.sync_copy(rows_v, out_hbm.at[wid])

    return k


def kernel(input_ids, table):
    B = input_ids.shape[0]
    D = table.shape[1]
    b_per_w = B // _NW
    ids2 = input_ids.astype(jnp.int32).reshape(_NW, b_per_w)
    out = _embedding_sc(B, b_per_w, D)(ids2, table)
    return out.reshape(B, 1, D)

# --- scband reference (transcript-rebuilt; emitter-appended) ---
"""Pipeline reference for scband-embedding-11605001633924 (READ-ONLY COPY).

The authoritative reference and input builder live on the scoring server;
editing this copy changes nothing except your own understanding.
"""

import jax, jax.numpy as jnp
import numpy as np

NUM_EMBEDDINGS = 1000000
EMBED_DIM = 32

def setup_inputs(seed: int = 0) -> dict:
    key = jax.random.key(seed)
    k_idx, k_tab = jax.random.split(key)
    input_ids = jax.random.randint(k_idx, (16384,), 0, NUM_EMBEDDINGS, dtype=jnp.int64 if jax.config.jax_enable_x64 else jnp.int32)
    table = jax.random.normal(k_tab, (NUM_EMBEDDINGS, EMBED_DIM), dtype=jnp.float32)
    return {"input_ids": input_ids, "table": table}

def reference(input_ids, table):
    # Embedding lookup: res = embed(input_ids)
    res = jnp.take(table, input_ids, axis=0)
    # res.view(-1, 1, embed_dim)
    embed_dim = table.shape[-1]
    return res.reshape(-1, 1, embed_dim)

if __name__ == "__main__":
    import jax
    _d = setup_inputs()
    print(jax.jit(kernel)(*tuple(_d.values())))

</pallas_src>

<mosaic_0001>
#map = affine_map<(d0, d1) -> (0, 0)>
#map1 = affine_map<(d0, d1) -> (0, 0, 0)>
module attributes {stable_mosaic.version = 14 : i64} {
  func.func @k(%arg0: i32, %arg1: i32, %arg2: memref<32x512xi32, #tpu.memory_space<hbm>>, %arg3: memref<1000000x32xf32, #tpu.memory_space<hbm>>, %arg4: memref<32x128x128xf32, #tpu.memory_space<hbm>>, %arg5: memref<512xi32, #tpu.memory_space<vmem>>, %arg6: memref<512xi32, #tpu.memory_space<smem>>, %arg7: memref<128x128xf32, #tpu.memory_space<vmem>>, %arg8: memref<!tpu.dma_semaphore, #tpu.memory_space<semaphore_mem>>) attributes {dimension_semantics = [#tpu.dimension_semantics<core_parallel>, #tpu.dimension_semantics<subcore_parallel>], iteration_bounds = array<i64: 2, 16>, scalar_prefetch = 0 : i64, scratch_operands = 4 : i64, tpu.core_type = #tpu.core_type<sc_vector_subcore>, window_params = [{transform_indices = #map}, {transform_indices = #map}, {transform_indices = #map1}]} {
    %mul3A = arith.constant 2 : i32
    %mul3A_0 = arith.muli %arg1, %mul3A : i32
    %add3A = arith.addi %mul3A_0, %arg0 : i32
    "tpu.region"() ({
      %run_scoped3A = tpu.sem_alloc : memref<!tpu.dma_semaphore, #tpu.memory_space<semaphore_mem>>
      %dma_start3A = arith.constant 0 : i32
      %dma_start3A_1032 = tpu.memref_slice %arg2[%add3A, %dma_start3A] : memref<32x512xi32, #tpu.memory_space<hbm>> -> memref<1x512xi32, #tpu.memory_space<hbm>>
      %dma_start3A_1033 = tpu.memref_squeeze %dma_start3A_1032 : memref<1x512xi32, #tpu.memory_space<hbm>> -> memref<512xi32, #tpu.memory_space<hbm>>
      %dma_start3A_1034 = arith.constant 0 : i32
      %dma_start3A_1035 = tpu.memref_slice %arg2[%add3A, %dma_start3A_1034] : memref<32x512xi32, #tpu.memory_space<hbm>> -> memref<1x512xi32, #tpu.memory_space<hbm>>
      %dma_start3A_1036 = tpu.memref_squeeze %dma_start3A_1035 : memref<1x512xi32, #tpu.memory_space<hbm>> -> memref<512xi32, #tpu.memory_space<hbm>>
      tpu.enqueue_dma source(%dma_start3A_1036 : memref<512xi32, #tpu.memory_space<hbm>>) target(%arg5 : memref<512xi32, #tpu.memory_space<vmem>>) target_semaphore(%run_scoped3A : memref<!tpu.dma_semaphore, #tpu.memory_space<semaphore_mem>>)
      %dma_wait3A_1037 = arith.constant 0 : i32
      %dma_wait3A_1038 = tpu.memref_slice %arg2[%add3A, %dma_wait3A_1037] : memref<32x512xi32, #tpu.memory_space<hbm>> -> memref<1x512xi32, #tpu.memory_space<hbm>>
      %dma_wait3A_1039 = tpu.memref_squeeze %dma_wait3A_1038 : memref<1x512xi32, #tpu.memory_space<hbm>> -> memref<512xi32, #tpu.memory_space<hbm>>
      %dma_wait3A_1040 = arith.constant 0 : i32
      %dma_wait3A_1041 = tpu.memref_slice %arg2[%add3A, %dma_wait3A_1040] : memref<32x512xi32, #tpu.memory_space<hbm>> -> memref<1x512xi32, #tpu.memory_space<hbm>>
      %dma_wait3A_1042 = tpu.memref_squeeze %dma_wait3A_1041 : memref<1x512xi32, #tpu.memory_space<hbm>> -> memref<512xi32, #tpu.memory_space<hbm>>
      tpu.wait_dma2 semaphore(%run_scoped3A : memref<!tpu.dma_semaphore, #tpu.memory_space<semaphore_mem>>) src(%dma_wait3A_1042 : memref<512xi32, #tpu.memory_space<hbm>>) dst(%arg5 : memref<512xi32, #tpu.memory_space<vmem>>)
      tpu.yield
    }) : () -> ()
    %scan3A = arith.constant 0 : i32
    %scan3A_1 = arith.constant 32 : i32
    %scan3A_2 = arith.addi %scan3A, %scan3A_1 : i32
    %scan3A_3 = arith.constant 1 : i32
    scf.for %scan3A_1032 = %scan3A to %scan3A_2 step %scan3A_3  : i32 {
      %mul3A_1033 = arith.constant 16 : i32
      %mul3A_1034 = arith.muli %scan3A_1032, %mul3A_1033 : i32
      %get3A_1035 = arith.index_cast %mul3A_1034 : i32 to index
      %get3A_1036 = tpu.vector_load %arg5[%get3A_1035] {strides = array<i32>} : memref<512xi32, #tpu.memory_space<vmem>>, vector<16xi32>,
      %get3A_1037 = vector.shape_cast %get3A_1036 : vector<16xi32> to vector<16xi32>
      %slice3A = vector.extract_strided_slice %get3A_1037 {offsets = [0], sizes = [1], strides = [1]} : vector<16xi32> to vector<1xi32>
      %squeeze3A = vector.extract %slice3A[0] : i32 from vector<1xi32>
      %mul3A_1038 = arith.constant 16 : i32
      %mul3A_1039 = arith.muli %scan3A_1032, %mul3A_1038 : i32
      %add3A_1040 = arith.constant 0 : i32
      %add3A_1041 = arith.addi %mul3A_1039, %add3A_1040 : i32
      %swap3A = arith.index_cast %add3A_1041 : i32 to index
      %swap3A_1042 = memref.load %arg6[%swap3A] : memref<512xi32, #tpu.memory_space<smem>>
      memref.store %squeeze3A, %arg6[%swap3A] : memref<512xi32, #tpu.memory_space<smem>>
      %slice3A_1043 = vector.extract_strided_slice %get3A_1037 {offsets = [1], sizes = [1], strides = [1]} : vector<16xi32> to vector<1xi32>
      %squeeze3A_1044 = vector.extract %slice3A_1043[0] : i32 from vector<1xi32>
      %mul3A_1045 = arith.constant 16 : i32
      %mul3A_1046 = arith.muli %scan3A_1032, %mul3A_1045 : i32
      %add3A_1047 = arith.constant 1 : i32
      %add3A_1048 = arith.addi %mul3A_1046, %add3A_1047 : i32
      %swap3A_1049 = arith.index_cast %add3A_1048 : i32 to index
      %swap3A_1050 = memref.load %arg6[%swap3A_1049] : memref<512xi32, #tpu.memory_space<smem>>
      memref.store %squeeze3A_1044, %arg6[%swap3A_1049] : memref<512xi32, #tpu.memory_space<smem>>
      %slice3A_1051 = vector.extract_strided_slice %get3A_1037 {offsets = [2], sizes = [1], strides = [1]} : vector<16xi32> to vector<1xi32>
      %squeeze3A_1052 = vector.extract %slice3A_1051[0] : i32 from vector<1xi32>
      %mul3A_1053 = arith.constant 16 : i32
      %mul3A_1054 = arith.muli %scan3A_1032, %mul3A_1053 : i32
      %add3A_1055 = arith.constant 2 : i32
      %add3A_1056 = arith.addi %mul3A_1054, %add3A_1055 : i32
      %swap3A_1057 = arith.index_cast %add3A_1056 : i32 to index
      %swap3A_1058 = memref.load %arg6[%swap3A_1057] : memref<512xi32, #tpu.memory_space<smem>>
      memref.store %squeeze3A_1052, %arg6[%swap3A_1057] : memref<512xi32, #tpu.memory_space<smem>>
      %slice3A_1059 = vector.extract_strided_slice %get3A_1037 {offsets = [3], sizes = [1], strides = [1]} : vector<16xi32> to vector<1xi32>
      %squeeze3A_1060 = vector.extract %slice3A_1059[0] : i32 from vector<1xi32>
      %mul3A_1061 = arith.constant 16 : i32
      %mul3A_1062 = arith.muli %scan3A_1032, %mul3A_1061 : i32
      %add3A_1063 = arith.constant 3 : i32
      %add3A_1064 = arith.addi %mul3A_1062, %add3A_1063 : i32
      %swap3A_1065 = arith.index_cast %add3A_1064 : i32 to index
      %swap3A_1066 = memref.load %arg6[%swap3A_1065] : memref<512xi32, #tpu.memory_space<smem>>
      memref.store %squeeze3A_1060, %arg6[%swap3A_1065] : memref<512xi32, #tpu.memory_space<smem>>
      %slice3A_1067 = vector.extract_strided_slice %get3A_1037 {offsets = [4], sizes = [1], strides = [1]} : vector<16xi32> to vector<1xi32>
      %squeeze3A_1068 = vector.extract %slice3A_1067[0] : i32 from vector<1xi32>
      %mul3A_1069 = arith.constant 16 : i32
      %mul3A_1070 = arith.muli %scan3A_1032, %mul3A_1069 : i32
      %add3A_1071 = arith.constant 4 : i32
      %add3A_1072 = arith.addi %mul3A_1070, %add3A_1071 : i32
      %swap3A_1073 = arith.index_cast %add3A_1072 : i32 to index
      %swap3A_1074 = memref.load %arg6[%swap3A_1073] : memref<512xi32, #tpu.memory_space<smem>>
      memref.store %squeeze3A_1068, %arg6[%swap3A_1073] : memref<512xi32, #tpu.memory_space<smem>>
      %slice3A_1075 = vector.extract_strided_slice %get3A_1037 {offsets = [5], sizes = [1], strides = [1]} : vector<16xi32> to vector<1xi32>
      %squeeze3A_1076 = vector.extract %slice3A_1075[0] : i32 from vector<1xi32>
      %mul3A_1077 = arith.constant 16 : i32
      %mul3A_1078 = arith.muli %scan3A_1032, %mul3A_1077 : i32
      %add3A_1079 = arith.constant 5 : i32
      %add3A_1080 = arith.addi %mul3A_1078, %add3A_1079 : i32
      %swap3A_1081 = arith.index_cast %add3A_1080 : i32 to index
      %swap3A_1082 = memref.load %arg6[%swap3A_1081] : memref<512xi32, #tpu.memory_space<smem>>
      memref.store %squeeze3A_1076, %arg6[%swap3A_1081] : memref<512xi32, #tpu.memory_space<smem>>
      %slice3A_1083 = vector.extract_strided_slice %get3A_1037 {offsets = [6], sizes = [1], strides = [1]} : vector<16xi32> to vector<1xi32>
      %squeeze3A_1084 = vector.extract %slice3A_1083[0] : i32 from vector<1xi32>
      %mul3A_1085 = arith.constant 16 : i32
      %mul3A_1086 = arith.muli %scan3A_1032, %mul3A_1085 : i32
      %add3A_1087 = arith.constant 6 : i32
      %add3A_1088 = arith.addi %mul3A_1086, %add3A_1087 : i32
      %swap3A_1089 = arith.index_cast %add3A_1088 : i32 to index
      %swap3A_1090 = memref.load %arg6[%swap3A_1089] : memref<512xi32, #tpu.memory_space<smem>>
      memref.store %squeeze3A_1084, %arg6[%swap3A_1089] : memref<512xi32, #tpu.memory_space<smem>>
      %slice3A_1091 = vector.extract_strided_slice %get3A_1037 {offsets = [7], sizes = [1], strides = [1]} : vector<16xi32> to vector<1xi32>
      %squeeze3A_1092 = vector.extract %slice3A_1091[0] : i32 from vector<1xi32>
      %mul3A_1093 = arith.constant 16 : i32
      %mul3A_1094 = arith.muli %scan3A_1032, %mul3A_1093 : i32
      %add3A_1095 = arith.constant 7 : i32
      %add3A_1096 = arith.addi %mul3A_1094, %add3A_1095 : i32
      %swap3A_1097 = arith.index_cast %add3A_1096 : i32 to index
      %swap3A_1098 = memref.load %arg6[%swap3A_1097] : memref<512xi32, #tpu.memory_space<smem>>
      memref.store %squeeze3A_1092, %arg6[%swap3A_1097] : memref<512xi32, #tpu.memory_space<smem>>
      %slice3A_1099 = vector.extract_strided_slice %get3A_1037 {offsets = [8], sizes = [1], strides = [1]} : vector<16xi32> to vector<1xi32>
      %squeeze3A_1100 = vector.extract %slice3A_1099[0] : i32 from vector<1xi32>
      %mul3A_1101 = arith.constant 16 : i32
      %mul3A_1102 = arith.muli %scan3A_1032, %mul3A_1101 : i32
      %add3A_1103 = arith.constant 8 : i32
      %add3A_1104 = arith.addi %mul3A_1102, %add3A_1103 : i32
      %swap3A_1105 = arith.index_cast %add3A_1104 : i32 to index
      %swap3A_1106 = memref.load %arg6[%swap3A_1105] : memref<512xi32, #tpu.memory_space<smem>>
      memref.store %squeeze3A_1100, %arg6[%swap3A_1105] : memref<512xi32, #tpu.memory_space<smem>>
      %slice3A_1107 = vector.extract_strided_slice %get3A_1037 {offsets = [9], sizes = [1], strides = [1]} : vector<16xi32> to vector<1xi32>
      %squeeze3A_1108 = vector.extract %slice3A_1107[0] : i32 from vector<1xi32>
      %mul3A_1109 = arith.constant 16 : i32
      %mul3A_1110 = arith.muli %scan3A_1032, %mul3A_1109 : i32
      %add3A_1111 = arith.constant 9 : i32
      %add3A_1112 = arith.addi %mul3A_1110, %add3A_1111 : i32
      %swap3A_1113 = arith.index_cast %add3A_1112 : i32 to index
      %swap3A_1114 = memref.load %arg6[%swap3A_1113] : memref<512xi32, #tpu.memory_space<smem>>
      memref.store %squeeze3A_1108, %arg6[%swap3A_1113] : memref<512xi32, #tpu.memory_space<smem>>
      %slice3A_1115 = vector.extract_strided_slice %get3A_1037 {offsets = [10], sizes = [1], strides = [1]} : vector<16xi32> to vector<1xi32>
      %squeeze3A_1116 = vector.extract %slice3A_1115[0] : i32 from vector<1xi32>
      %mul3A_1117 = arith.constant 16 : i32
      %mul3A_1118 = arith.muli %scan3A_1032, %mul3A_1117 : i32
      %add3A_1119 = arith.constant 10 : i32
      %add3A_1120 = arith.addi %mul3A_1118, %add3A_1119 : i32
      %swap3A_1121 = arith.index_cast %add3A_1120 : i32 to index
      %swap3A_1122 = memref.load %arg6[%swap3A_1121] : memref<512xi32, #tpu.memory_space<smem>>
      memref.store %squeeze3A_1116, %arg6[%swap3A_1121] : memref<512xi32, #tpu.memory_space<smem>>
      %slice3A_1123 = vector.extract_strided_slice %get3A_1037 {offsets = [11], sizes = [1], strides = [1]} : vector<16xi32> to vector<1xi32>
      %squeeze3A_1124 = vector.extract %slice3A_1123[0] : i32 from vector<1xi32>
      %mul3A_1125 = arith.constant 16 : i32
      %mul3A_1126 = arith.muli %scan3A_1032, %mul3A_1125 : i32
      %add3A_1127 = arith.constant 11 : i32
      %add3A_1128 = arith.addi %mul3A_1126, %add3A_1127 : i32
      %swap3A_1129 = arith.index_cast %add3A_1128 : i32 to index
      %swap3A_1130 = memref.load %arg6[%swap3A_1129] : memref<512xi32, #tpu.memory_space<smem>>
      memref.store %squeeze3A_1124, %arg6[%swap3A_1129] : memref<512xi32, #tpu.memory_space<smem>>
      %slice3A_1131 = vector.extract_strided_slice %get3A_1037 {offsets = [12], sizes = [1], strides = [1]} : vector<16xi32> to vector<1xi32>
      %squeeze3A_1132 = vector.extract %slice3A_1131[0] : i32 from vector<1xi32>
      %mul3A_1133 = arith.constant 16 : i32
      %mul3A_1134 = arith.muli %scan3A_1032, %mul3A_1133 : i32
      %add3A_1135 = arith.constant 12 : i32
      %add3A_1136 = arith.addi %mul3A_1134, %add3A_1135 : i32
      %swap3A_1137 = arith.index_cast %add3A_1136 : i32 to index
      %swap3A_1138 = memref.load %arg6[%swap3A_1137] : memref<512xi32, #tpu.memory_space<smem>>
      memref.store %squeeze3A_1132, %arg6[%swap3A_1137] : memref<512xi32, #tpu.memory_space<smem>>
      %slice3A_1139 = vector.extract_strided_slice %get3A_1037 {offsets = [13], sizes = [1], strides = [1]} : vector<16xi32> to vector<1xi32>
      %squeeze3A_1140 = vector.extract %slice3A_1139[0] : i32 from vector<1xi32>
      %mul3A_1141 = arith.constant 16 : i32
      %mul3A_1142 = arith.muli %scan3A_1032, %mul3A_1141 : i32
      %add3A_1143 = arith.constant 13 : i32
      %add3A_1144 = arith.addi %mul3A_1142, %add3A_1143 : i32
      %swap3A_1145 = arith.index_cast %add3A_1144 : i32 to index
      %swap3A_1146 = memref.load %arg6[%swap3A_1145] : memref<512xi32, #tpu.memory_space<smem>>
      memref.store %squeeze3A_1140, %arg6[%swap3A_1145] : memref<512xi32, #tpu.memory_space<smem>>
      %slice3A_1147 = vector.extract_strided_slice %get3A_1037 {offsets = [14], sizes = [1], strides = [1]} : vector<16xi32> to vector<1xi32>
      %squeeze3A_1148 = vector.extract %slice3A_1147[0] : i32 from vector<1xi32>
      %mul3A_1149 = arith.constant 16 : i32
      %mul3A_1150 = arith.muli %scan3A_1032, %mul3A_1149 : i32
      %add3A_1151 = arith.constant 14 : i32
      %add3A_1152 = arith.addi %mul3A_1150, %add3A_1151 : i32
      %swap3A_1153 = arith.index_cast %add3A_1152 : i32 to index
      %swap3A_1154 = memref.load %arg6[%swap3A_1153] : memref<512xi32, #tpu.memory_space<smem>>
      memref.store %squeeze3A_1148, %arg6[%swap3A_1153] : memref<512xi32, #tpu.memory_space<smem>>
      %slice3A_1155 = vector.extract_strided_slice %get3A_1037 {offsets = [15], sizes = [1], strides = [1]} : vector<16xi32> to vector<1xi32>
      %squeeze3A_1156 = vector.extract %slice3A_1155[0] : i32 from vector<1xi32>
      %mul3A_1157 = arith.constant 16 : i32
      %mul3A_1158 = arith.muli %scan3A_1032, %mul3A_1157 : i32
      %add3A_1159 = arith.constant 15 : i32
      %add3A_1160 = arith.addi %mul3A_1158, %add3A_1159 : i32
      %swap3A_1161 = arith.index_cast %add3A_1160 : i32 to index
      %swap3A_1162 = memref.load %arg6[%swap3A_1161] : memref<512xi32, #tpu.memory_space<smem>>
      memref.store %squeeze3A_1156, %arg6[%swap3A_1161] : memref<512xi32, #tpu.memory_space<smem>>
    }
    %scan3A_4 = arith.constant 32 : i32
    %scan3A_5 = arith.constant 0 : i32
    %scan3A_6 = arith.constant 64 : i32
    %scan3A_7 = arith.addi %scan3A_5, %scan3A_6 : i32
    %scan3A_8 = arith.constant 1 : i32
    scf.for %scan3A_1032 = %scan3A_5 to %scan3A_7 step %scan3A_8  : i32 {
      %mul3A_1033 = arith.constant 8 : i32
      %mul3A_1034 = arith.muli %scan3A_1032, %mul3A_1033 : i32
      %add3A_1035 = arith.constant 0 : i32
      %add3A_1036 = arith.addi %mul3A_1034, %add3A_1035 : i32
      %get3A_1037 = arith.index_cast %add3A_1036 : i32 to index
      %get3A_1038 = memref.load %arg6[%get3A_1037] : memref<512xi32, #tpu.memory_space<smem>>
      %jit3A = arith.constant 4 : i32
      %div3A = arith.divsi %add3A_1036, %jit3A : i32
      %sign3A = arith.constant 0 : i32
      %sign3A_1039 = arith.cmpi sgt, %add3A_1036, %sign3A : i32
      %sign3A_1040 = arith.extui %sign3A_1039 : i1 to i32
      %sign3A_1041 = arith.constant 0 : i32
      %sign3A_1042 = arith.cmpi slt, %add3A_1036, %sign3A_1041 : i32
      %sign3A_1043 = arith.extui %sign3A_1042 : i1 to i32
      %sign3A_1044 = arith.subi %sign3A_1040, %sign3A_1043 : i32
      %sign3A_1045 = arith.constant 0 : i32
      %sign3A_1046 = arith.cmpi sgt, %jit3A, %sign3A_1045 : i32
      %sign3A_1047 = arith.extui %sign3A_1046 : i1 to i32
      %sign3A_1048 = arith.constant 0 : i32
      %sign3A_1049 = arith.cmpi slt, %jit3A, %sign3A_1048 : i32
      %sign3A_1050 = arith.extui %sign3A_1049 : i1 to i32
      %sign3A_1051 = arith.subi %sign3A_1047, %sign3A_1050 : i32
      %ne3A = arith.cmpi ne, %sign3A_1044, %sign3A_1051 : i32
      %rem3A = arith.remsi %add3A_1036, %jit3A : i32
      %ne3A_1052 = arith.constant 0 : i32
      %ne3A_1053 = arith.cmpi ne, %rem3A, %ne3A_1052 : i32
      %and3A = arith.andi %ne3A, %ne3A_1053 : i1
      %sub3A = arith.constant 1 : i32
      %sub3A_1054 = arith.subi %div3A, %sub3A : i32
      %select_n3A = arith.select %and3A, %sub3A_1054, %div3A : i32
      %jit3A_1055 = arith.constant 4 : i32
      %eq3A = arith.constant 0 : i32
      %eq3A_1056 = arith.cmpi eq, %jit3A_1055, %eq3A : i32
      %jit3A_1057 = arith.constant 1 : i32
      %select_n3A_1058 = arith.select %eq3A_1056, %jit3A_1057, %jit3A_1055 : i32
      %rem3A_1059 = arith.remsi %add3A_1036, %select_n3A_1058 : i32
      %ne3A_1060 = arith.constant 0 : i32
      %ne3A_1061 = arith.cmpi ne, %rem3A_1059, %ne3A_1060 : i32
      %lt3A = arith.constant 0 : i32
      %lt3A_1062 = arith.cmpi slt, %rem3A_1059, %lt3A : i32
      %lt3A_1063 = arith.constant 0 : i32
      %lt3A_1064 = arith.cmpi slt, %select_n3A_1058, %lt3A_1063 : i32
      %ne3A_1065 = arith.xori %lt3A_1062, %lt3A_1064 : i1
      %and3A_1066 = arith.andi %ne3A_1065, %ne3A_1061 : i1
      %add3A_1067 = arith.addi %rem3A_1059, %select_n3A_1058 : i32
      %select_n3A_1068 = arith.select %and3A_1066, %add3A_1067, %rem3A_1059 : i32
      %mul3A_1069 = arith.constant 32 : i32
      %mul3A_1070 = arith.muli %select_n3A_1068, %mul3A_1069 : i32
      %dma_start3A = tpu.memref_slice %arg7[%select_n3A, %mul3A_1070] : memref<128x128xf32, #tpu.memory_space<vmem>> -> memref<1x32xf32, #tpu.memory_space<vmem>>
      %dma_start3A_1071 = tpu.memref_squeeze %dma_start3A : memref<1x32xf32, #tpu.memory_space<vmem>> -> memref<32xf32, #tpu.memory_space<vmem>>
      %dma_start3A_1072 = arith.constant 0 : i32
      %dma_start3A_1073 = tpu.memref_slice %arg3[%get3A_1038, %dma_start3A_1072] : memref<1000000x32xf32, #tpu.memory_space<hbm>> -> memref<1x32xf32, #tpu.memory_space<hbm>>
      %dma_start3A_1074 = tpu.memref_squeeze %dma_start3A_1073 : memref<1x32xf32, #tpu.memory_space<hbm>> -> memref<32xf32, #tpu.memory_space<hbm>>
      %dma_start3A_1075 = tpu.memref_slice %arg7[%select_n3A, %mul3A_1070] : memref<128x128xf32, #tpu.memory_space<vmem>> -> memref<1x32xf32, #tpu.memory_space<vmem>>
      %dma_start3A_1076 = tpu.memref_squeeze %dma_start3A_1075 : memref<1x32xf32, #tpu.memory_space<vmem>> -> memref<32xf32, #tpu.memory_space<vmem>>
      %dma_start3A_1077 = arith.constant 0 : i32
      %dma_start3A_1078 = tpu.memref_slice %arg3[%get3A_1038, %dma_start3A_1077] : memref<1000000x32xf32, #tpu.memory_space<hbm>> -> memref<1x32xf32, #tpu.memory_space<hbm>>
      %dma_start3A_1079 = tpu.memref_squeeze %dma_start3A_1078 : memref<1x32xf32, #tpu.memory_space<hbm>> -> memref<32xf32, #tpu.memory_space<hbm>>
      tpu.enqueue_dma source(%dma_start3A_1079 : memref<32xf32, #tpu.memory_space<hbm>>) target(%dma_start3A_1076 : memref<32xf32, #tpu.memory_space<vmem>>) target_semaphore(%arg8 : memref<!tpu.dma_semaphore, #tpu.memory_space<semaphore_mem>>)
      %mul3A_1080 = arith.constant 8 : i32
      %mul3A_1081 = arith.muli %scan3A_1032, %mul3A_1080 : i32
      %add3A_1082 = arith.constant 1 : i32
      %add3A_1083 = arith.addi %mul3A_1081, %add3A_1082 : i32
      %get3A_1084 = arith.index_cast %add3A_1083 : i32 to index
      %get3A_1085 = memref.load %arg6[%get3A_1084] : memref<512xi32, #tpu.memory_space<smem>>
      %jit3A_1086 = arith.constant 4 : i32
      %div3A_1087 = arith.divsi %add3A_1083, %jit3A_1086 : i32
      %sign3A_1088 = arith.constant 0 : i32
      %sign3A_1089 = arith.cmpi sgt, %add3A_1083, %sign3A_1088 : i32
      %sign3A_1090 = arith.extui %sign3A_1089 : i1 to i32
      %sign3A_1091 = arith.constant 0 : i32
      %sign3A_1092 = arith.cmpi slt, %add3A_1083, %sign3A_1091 : i32
      %sign3A_1093 = arith.extui %sign3A_1092 : i1 to i32
      %sign3A_1094 = arith.subi %sign3A_1090, %sign3A_1093 : i32
      %sign3A_1095 = arith.constant 0 : i32
      %sign3A_1096 = arith.cmpi sgt, %jit3A_1086, %sign3A_1095 : i32
      %sign3A_1097 = arith.extui %sign3A_1096 : i1 to i32
      %sign3A_1098 = arith.constant 0 : i32
      %sign3A_1099 = arith.cmpi slt, %jit3A_1086, %sign3A_1098 : i32
      %sign3A_1100 = arith.extui %sign3A_1099 : i1 to i32
      %sign3A_1101 = arith.subi %sign3A_1097, %sign3A_1100 : i32
      %ne3A_1102 = arith.cmpi ne, %sign3A_1094, %sign3A_1101 : i32
      %rem3A_1103 = arith.remsi %add3A_1083, %jit3A_1086 : i32
      %ne3A_1104 = arith.constant 0 : i32
      %ne3A_1105 = arith.cmpi ne, %rem3A_1103, %ne3A_1104 : i32
      %and3A_1106 = arith.andi %ne3A_1102, %ne3A_1105 : i1
      %sub3A_1107 = arith.constant 1 : i32
      %sub3A_1108 = arith.subi %div3A_1087, %sub3A_1107 : i32
      %select_n3A_1109 = arith.select %and3A_1106, %sub3A_1108, %div3A_1087 : i32
      %jit3A_1110 = arith.constant 4 : i32
      %eq3A_1111 = arith.constant 0 : i32
      %eq3A_1112 = arith.cmpi eq, %jit3A_1110, %eq3A_1111 : i32
      %jit3A_1113 = arith.constant 1 : i32
      %select_n3A_1114 = arith.select %eq3A_1112, %jit3A_1113, %jit3A_1110 : i32
      %rem3A_1115 = arith.remsi %add3A_1083, %select_n3A_1114 : i32
      %ne3A_1116 = arith.constant 0 : i32
      %ne3A_1117 = arith.cmpi ne, %rem3A_1115, %ne3A_1116 : i32
      %lt3A_1118 = arith.constant 0 : i32
      %lt3A_1119 = arith.cmpi slt, %rem3A_1115, %lt3A_1118 : i32
      %lt3A_1120 = arith.constant 0 : i32
      %lt3A_1121 = arith.cmpi slt, %select_n3A_1114, %lt3A_1120 : i32
      %ne3A_1122 = arith.xori %lt3A_1119, %lt3A_1121 : i1
      %and3A_1123 = arith.andi %ne3A_1122, %ne3A_1117 : i1
      %add3A_1124 = arith.addi %rem3A_1115, %select_n3A_1114 : i32
      %select_n3A_1125 = arith.select %and3A_1123, %add3A_1124, %rem3A_1115 : i32
      %mul3A_1126 = arith.constant 32 : i32
      %mul3A_1127 = arith.muli %select_n3A_1125, %mul3A_1126 : i32
      %dma_start3A_1128 = tpu.memref_slice %arg7[%select_n3A_1109, %mul3A_1127] : memref<128x128xf32, #tpu.memory_space<vmem>> -> memref<1x32xf32, #tpu.memory_space<vmem>>
      %dma_start3A_1129 = tpu.memref_squeeze %dma_start3A_1128 : memref<1x32xf32, #tpu.memory_space<vmem>> -> memref<32xf32, #tpu.memory_space<vmem>>
      %dma_start3A_1130 = arith.constant 0 : i32
      %dma_start3A_1131 = tpu.memref_slice %arg3[%get3A_1085, %dma_start3A_1130] : memref<1000000x32xf32, #tpu.memory_space<hbm>> -> memref<1x32xf32, #tpu.memory_space<hbm>>
      %dma_start3A_1132 = tpu.memref_squeeze %dma_start3A_1131 : memref<1x32xf32, #tpu.memory_space<hbm>> -> memref<32xf32, #tpu.memory_space<hbm>>
      %dma_start3A_1133 = tpu.memref_slice %arg7[%select_n3A_1109, %mul3A_1127] : memref<128x128xf32, #tpu.memory_space<vmem>> -> memref<1x32xf32, #tpu.memory_space<vmem>>
      %dma_start3A_1134 = tpu.memref_squeeze %dma_start3A_1133 : memref<1x32xf32, #tpu.memory_space<vmem>> -> memref<32xf32, #tpu.memory_space<vmem>>
      %dma_start3A_1135 = arith.constant 0 : i32
      %dma_start3A_1136 = tpu.memref_slice %arg3[%get3A_1085, %dma_start3A_1135] : memref<1000000x32xf32, #tpu.memory_space<hbm>> -> memref<1x32xf32, #tpu.memory_space<hbm>>
      %dma_start3A_1137 = tpu.memref_squeeze %dma_start3A_1136 : memref<1x32xf32, #tpu.memory_space<hbm>> -> memref<32xf32, #tpu.memory_space<hbm>>
      tpu.enqueue_dma source(%dma_start3A_1137 : memref<32xf32, #tpu.memory_space<hbm>>) target(%dma_start3A_1134 : memref<32xf32, #tpu.memory_space<vmem>>) target_semaphore(%arg8 : memref<!tpu.dma_semaphore, #tpu.memory_space<semaphore_mem>>)
      %mul3A_1138 = arith.constant 8 : i32
      %mul3A_1139 = arith.muli %scan3A_1032, %mul3A_1138 : i32
      %add3A_1140 = arith.constant 2 : i32
      %add3A_1141 = arith.addi %mul3A_1139, %add3A_1140 : i32
      %get3A_1142 = arith.index_cast %add3A_1141 : i32 to index
      %get3A_1143 = memref.load %arg6[%get3A_1142] : memref<512xi32, #tpu.memory_space<smem>>
      %jit3A_1144 = arith.constant 4 : i32
      %div3A_1145 = arith.divsi %add3A_1141, %jit3A_1144 : i32
      %sign3A_1146 = arith.constant 0 : i32
      %sign3A_1147 = arith.cmpi sgt, %add3A_1141, %sign3A_1146 : i32
      %sign3A_1148 = arith.extui %sign3A_1147 : i1 to i32
      %sign3A_1149 = arith.constant 0 : i32
      %sign3A_1150 = arith.cmpi slt, %add3A_1141, %sign3A_1149 : i32
      %sign3A_1151 = arith.extui %sign3A_1150 : i1 to i32
      %sign3A_1152 = arith.subi %sign3A_1148, %sign3A_1151 : i32
      %sign3A_1153 = arith.constant 0 : i32
      %sign3A_1154 = arith.cmpi sgt, %jit3A_1144, %sign3A_1153 : i32
      %sign3A_1155 = arith.extui %sign3A_1154 : i1 to i32
      %sign3A_1156 = arith.constant 0 : i32
      %sign3A_1157 = arith.cmpi slt, %jit3A_1144, %sign3A_1156 : i32
      %sign3A_1158 = arith.extui %sign3A_1157 : i1 to i32
      %sign3A_1159 = arith.subi %sign3A_1155, %sign3A_1158 : i32
      %ne3A_1160 = arith.cmpi ne, %sign3A_1152, %sign3A_1159 : i32
      %rem3A_1161 = arith.remsi %add3A_1141, %jit3A_1144 : i32
      %ne3A_1162 = arith.constant 0 : i32
      %ne3A_1163 = arith.cmpi ne, %rem3A_1161, %ne3A_1162 : i32
      %and3A_1164 = arith.andi %ne3A_1160, %ne3A_1163 : i1
      %sub3A_1165 = arith.constant 1 : i32
      %sub3A_1166 = arith.subi %div3A_1145, %sub3A_1165 : i32
      %select_n3A_1167 = arith.select %and3A_1164, %sub3A_1166, %div3A_1145 : i32
      %jit3A_1168 = arith.constant 4 : i32
      %eq3A_1169 = arith.constant 0 : i32
      %eq3A_1170 = arith.cmpi eq, %jit3A_1168, %eq3A_1169 : i32
      %jit3A_1171 = arith.constant 1 : i32
      %select_n3A_1172 = arith.select %eq3A_1170, %jit3A_1171, %jit3A_1168 : i32
      %rem3A_1173 = arith.remsi %add3A_1141, %select_n3A_1172 : i32
      %ne3A_1174 = arith.constant 0 : i32
      %ne3A_1175 = arith.cmpi ne, %rem3A_1173, %ne3A_1174 : i32
      %lt3A_1176 = arith.constant 0 : i32
      %lt3A_1177 = arith.cmpi slt, %rem3A_1173, %lt3A_1176 : i32
      %lt3A_1178 = arith.constant 0 : i32
      %lt3A_1179 = arith.cmpi slt, %select_n3A_1172, %lt3A_1178 : i32
      %ne3A_1180 = arith.xori %lt3A_1177, %lt3A_1179 : i1
      %and3A_1181 = arith.andi %ne3A_1180, %ne3A_1175 : i1
      %add3A_1182 = arith.addi %rem3A_1173, %select_n3A_1172 : i32
      %select_n3A_1183 = arith.select %and3A_1181, %add3A_1182, %rem3A_1173 : i32
      %mul3A_1184 = arith.constant 32 : i32
      %mul3A_1185 = arith.muli %select_n3A_1183, %mul3A_1184 : i32
      %dma_start3A_1186 = tpu.memref_slice %arg7[%select_n3A_1167, %mul3A_1185] : memref<128x128xf32, #tpu.memory_space<vmem>> -> memref<1x32xf32, #tpu.memory_space<vmem>>
      %dma_start3A_1187 = tpu.memref_squeeze %dma_start3A_1186 : memref<1x32xf32, #tpu.memory_space<vmem>> -> memref<32xf32, #tpu.memory_space<vmem>>
      %dma_start3A_1188 = arith.constant 0 : i32
      %dma_start3A_1189 = tpu.memref_slice %arg3[%get3A_1143, %dma_start3A_1188] : memref<1000000x32xf32, #tpu.memory_space<hbm>> -> memref<1x32xf32, #tpu.memory_space<hbm>>
      %dma_start3A_1190 = tpu.memref_squeeze %dma_start3A_1189 : memref<1x32xf32, #tpu.memory_space<hbm>> -> memref<32xf32, #tpu.memory_space<hbm>>
      %dma_start3A_1191 = tpu.memref_slice %arg7[%select_n3A_1167, %mul3A_1185] : memref<128x128xf32, #tpu.memory_space<vmem>> -> memref<1x32xf32, #tpu.memory_space<vmem>>
      %dma_start3A_1192 = tpu.memref_squeeze %dma_start3A_1191 : memref<1x32xf32, #tpu.memory_space<vmem>> -> memref<32xf32, #tpu.memory_space<vmem>>
      %dma_start3A_1193 = arith.constant 0 : i32
      %dma_start3A_1194 = tpu.memref_slice %arg3[%get3A_1143, %dma_start3A_1193] : memref<1000000x32xf32, #tpu.memory_space<hbm>> -> memref<1x32xf32, #tpu.memory_space<hbm>>
      %dma_start3A_1195 = tpu.memref_squeeze %dma_start3A_1194 : memref<1x32xf32, #tpu.memory_space<hbm>> -> memref<32xf32, #tpu.memory_space<hbm>>
      tpu.enqueue_dma source(%dma_start3A_1195 : memref<32xf32, #tpu.memory_space<hbm>>) target(%dma_start3A_1192 : memref<32xf32, #tpu.memory_space<vmem>>) target_semaphore(%arg8 : memref<!tpu.dma_semaphore, #tpu.memory_space<semaphore_mem>>)
      %mul3A_1196 = arith.constant 8 : i32
      %mul3A_1197 = arith.muli %scan3A_1032, %mul3A_1196 : i32
      %add3A_1198 = arith.constant 3 : i32
      %add3A_1199 = arith.addi %mul3A_1197, %add3A_1198 : i32
      %get3A_1200 = arith.index_cast %add3A_1199 : i32 to index
      %get3A_1201 = memref.load %arg6[%get3A_1200] : memref<512xi32, #tpu.memory_space<smem>>
      %jit3A_1202 = arith.constant 4 : i32
      %div3A_1203 = arith.divsi %add3A_1199, %jit3A_1202 : i32
      %sign3A_1204 = arith.constant 0 : i32
      %sign3A_1205 = arith.cmpi sgt, %add3A_1199, %sign3A_1204 : i32
      %sign3A_1206 = arith.extui %sign3A_1205 : i1 to i32
      %sign3A_1207 = arith.constant 0 : i32
      %sign3A_1208 = arith.cmpi slt, %add3A_1199, %sign3A_1207 : i32
      %sign3A_1209 = arith.extui %sign3A_1208 : i1 to i32
      %sign3A_1210 = arith.subi %sign3A_1206, %sign3A_1209 : i32
      %sign3A_1211 = arith.constant 0 : i32
      %sign3A_1212 = arith.cmpi sgt, %jit3A_1202, %sign3A_1211 : i32
      %sign3A_1213 = arith.extui %sign3A_1212 : i1 to i32
      %sign3A_1214 = arith.constant 0 : i32
      %sign3A_1215 = arith.cmpi slt, %jit3A_1202, %sign3A_1214 : i32
      %sign3A_1216 = arith.extui %sign3A_1215 : i1 to i32
      %sign3A_1217 = arith.subi %sign3A_1213, %sign3A_1216 : i32
      %ne3A_1218 = arith.cmpi ne, %sign3A_1210, %sign3A_1217 : i32
      %rem3A_1219 = arith.remsi %add3A_1199, %jit3A_1202 : i32
      %ne3A_1220 = arith.constant 0 : i32
      %ne3A_1221 = arith.cmpi ne, %rem3A_1219, %ne3A_1220 : i32
      %and3A_1222 = arith.andi %ne3A_1218, %ne3A_1221 : i1
      %sub3A_1223 = arith.constant 1 : i32
      %sub3A_1224 = arith.subi %div3A_1203, %sub3A_1223 : i32
      %select_n3A_1225 = arith.select %and3A_1222, %sub3A_1224, %div3A_1203 : i32
      %jit3A_1226 = arith.constant 4 : i32
      %eq3A_1227 = arith.constant 0 : i32
      %eq3A_1228 = arith.cmpi eq, %jit3A_1226, %eq3A_1227 : i32
      %jit3A_1229 = arith.constant 1 : i32
      %select_n3A_1230 = arith.select %eq3A_1228, %jit3A_1229, %jit3A_1226 : i32
      %rem3A_1231 = arith.remsi %add3A_1199, %select_n3A_1230 : i32
      %ne3A_1232 = arith.constant 0 : i32
      %ne3A_1233 = arith.cmpi ne, %rem3A_1231, %ne3A_1232 : i32
      %lt3A_1234 = arith.constant 0 : i32
      %lt3A_1235 = arith.cmpi slt, %rem3A_1231, %lt3A_1234 : i32
      %lt3A_1236 = arith.constant 0 : i32
      %lt3A_1237 = arith.cmpi slt, %select_n3A_1230, %lt3A_1236 : i32
      %ne3A_1238 = arith.xori %lt3A_1235, %lt3A_1237 : i1
      %and3A_1239 = arith.andi %ne3A_1238, %ne3A_1233 : i1
      %add3A_1240 = arith.addi %rem3A_1231, %select_n3A_1230 : i32
      %select_n3A_1241 = arith.select %and3A_1239, %add3A_1240, %rem3A_1231 : i32
      %mul3A_1242 = arith.constant 32 : i32
      %mul3A_1243 = arith.muli %select_n3A_1241, %mul3A_1242 : i32
      %dma_start3A_1244 = tpu.memref_slice %arg7[%select_n3A_1225, %mul3A_1243] : memref<128x128xf32, #tpu.memory_space<vmem>> -> memref<1x32xf32, #tpu.memory_space<vmem>>
      %dma_start3A_1245 = tpu.memref_squeeze %dma_start3A_1244 : memref<1x32xf32, #tpu.memory_space<vmem>> -> memref<32xf32, #tpu.memory_space<vmem>>
      %dma_start3A_1246 = arith.constant 0 : i32
      %dma_start3A_1247 = tpu.memref_slice %arg3[%get3A_1201, %dma_start3A_1246] : memref<1000000x32xf32, #tpu.memory_space<hbm>> -> memref<1x32xf32, #tpu.memory_space<hbm>>
      %dma_start3A_1248 = tpu.memref_squeeze %dma_start3A_1247 : memref<1x32xf32, #tpu.memory_space<hbm>> -> memref<32xf32, #tpu.memory_space<hbm>>
      %dma_start3A_1249 = tpu.memref_slice %arg7[%select_n3A_1225, %mul3A_1243] : memref<128x128xf32, #tpu.memory_space<vmem>> -> memref<1x32xf32, #tpu.memory_space<vmem>>
      %dma_start3A_1250 = tpu.memref_squeeze %dma_start3A_1249 : memref<1x32xf32, #tpu.memory_space<vmem>> -> memref<32xf32, #tpu.memory_space<vmem>>
      %dma_start3A_1251 = arith.constant 0 : i32
      %dma_start3A_1252 = tpu.memref_slice %arg3[%get3A_1201, %dma_start3A_1251] : memref<1000000x32xf32, #tpu.memory_space<hbm>> -> memref<1x32xf32, #tpu.memory_space<hbm>>
      %dma_start3A_1253 = tpu.memref_squeeze %dma_start3A_1252 : memref<1x32xf32, #tpu.memory_space<hbm>> -> memref<32xf32, #tpu.memory_space<hbm>>
      tpu.enqueue_dma source(%dma_start3A_1253 : memref<32xf32, #tpu.memory_space<hbm>>) target(%dma_start3A_1250 : memref<32xf32, #tpu.memory_space<vmem>>) target_semaphore(%arg8 : memref<!tpu.dma_semaphore, #tpu.memory_space<semaphore_mem>>)
      %mul3A_1254 = arith.constant 8 : i32
      %mul3A_1255 = arith.muli %scan3A_1032, %mul3A_1254 : i32
      %add3A_1256 = arith.constant 4 : i32
      %add3A_1257 = arith.addi %mul3A_1255, %add3A_1256 : i32
      %get3A_1258 = arith.index_cast %add3A_1257 : i32 to index
      %get3A_1259 = memref.load %arg6[%get3A_1258] : memref<512xi32, #tpu.memory_space<smem>>
      %jit3A_1260 = arith.constant 4 : i32
      %div3A_1261 = arith.divsi %add3A_1257, %jit3A_1260 : i32
      %sign3A_1262 = arith.constant 0 : i32
      %sign3A_1263 = arith.cmpi sgt, %add3A_1257, %sign3A_1262 : i32
      %sign3A_1264 = arith.extui %sign3A_1263 : i1 to i32
      %sign3A_1265 = arith.constant 0 : i32
      %sign3A_1266 = arith.cmpi slt, %add3A_1257, %sign3A_1265 : i32
      %sign3A_1267 = arith.extui %sign3A_1266 : i1 to i32
      %sign3A_1268 = arith.subi %sign3A_1264, %sign3A_1267 : i32
      %sign3A_1269 = arith.constant 0 : i32
      %sign3A_1270 = arith.cmpi sgt, %jit3A_1260, %sign3A_1269 : i32
      %sign3A_1271 = arith.extui %sign3A_1270 : i1 to i32
      %sign3A_1272 = arith.constant 0 : i32
      %sign3A_1273 = arith.cmpi slt, %jit3A_1260, %sign3A_1272 : i32
      %sign3A_1274 = arith.extui %sign3A_1273 : i1 to i32
      %sign3A_1275 = arith.subi %sign3A_1271, %sign3A_1274 : i32
      %ne3A_1276 = arith.cmpi ne, %sign3A_1268, %sign3A_1275 : i32
      %rem3A_1277 = arith.remsi %add3A_1257, %jit3A_1260 : i32
      %ne3A_1278 = arith.constant 0 : i32
      %ne3A_1279 = arith.cmpi ne, %rem3A_1277, %ne3A_1278 : i32
      %and3A_1280 = arith.andi %ne3A_1276, %ne3A_1279 : i1
      %sub3A_1281 = arith.constant 1 : i32
      %sub3A_1282 = arith.subi %div3A_1261, %sub3A_1281 : i32
      %select_n3A_1283 = arith.select %and3A_1280, %sub3A_1282, %div3A_1261 : i32
      %jit3A_1284 = arith.constant 4 : i32
      %eq3A_1285 = arith.constant 0 : i32
      %eq3A_1286 = arith.cmpi eq, %jit3A_1284, %eq3A_1285 : i32
      %jit3A_1287 = arith.constant 1 : i32
      %select_n3A_1288 = arith.select %eq3A_1286, %jit3A_1287, %jit3A_1284 : i32
      %rem3A_1289 = arith.remsi %add3A_1257, %select_n3A_1288 : i32
      %ne3A_1290 = arith.constant 0 : i32
      %ne3A_1291 = arith.cmpi ne, %rem3A_1289, %ne3A_1290 : i32
      %lt3A_1292 = arith.constant 0 : i32
      %lt3A_1293 = arith.cmpi slt, %rem3A_1289, %lt3A_1292 : i32
      %lt3A_1294 = arith.constant 0 : i32
      %lt3A_1295 = arith.cmpi slt, %select_n3A_1288, %lt3A_1294 : i32
      %ne3A_1296 = arith.xori %lt3A_1293, %lt3A_1295 : i1
      %and3A_1297 = arith.andi %ne3A_1296, %ne3A_1291 : i1
      %add3A_1298 = arith.addi %rem3A_1289, %select_n3A_1288 : i32
      %select_n3A_1299 = arith.select %and3A_1297, %add3A_1298, %rem3A_1289 : i32
      %mul3A_1300 = arith.constant 32 : i32
      %mul3A_1301 = arith.muli %select_n3A_1299, %mul3A_1300 : i32
      %dma_start3A_1302 = tpu.memref_slice %arg7[%select_n3A_1283, %mul3A_1301] : memref<128x128xf32, #tpu.memory_space<vmem>> -> memref<1x32xf32, #tpu.memory_space<vmem>>
      %dma_start3A_1303 = tpu.memref_squeeze %dma_start3A_1302 : memref<1x32xf32, #tpu.memory_space<vmem>> -> memref<32xf32, #tpu.memory_space<vmem>>
      %dma_start3A_1304 = arith.constant 0 : i32
      %dma_start3A_1305 = tpu.memref_slice %arg3[%get3A_1259, %dma_start3A_1304] : memref<1000000x32xf32, #tpu.memory_space<hbm>> -> memref<1x32xf32, #tpu.memory_space<hbm>>
      %dma_start3A_1306 = tpu.memref_squeeze %dma_start3A_1305 : memref<1x32xf32, #tpu.memory_space<hbm>> -> memref<32xf32, #tpu.memory_space<hbm>>
      %dma_start3A_1307 = tpu.memref_slice %arg7[%select_n3A_1283, %mul3A_1301] : memref<128x128xf32, #tpu.memory_space<vmem>> -> memref<1x32xf32, #tpu.memory_space<vmem>>
      %dma_start3A_1308 = tpu.memref_squeeze %dma_start3A_1307 : memref<1x32xf32, #tpu.memory_space<vmem>> -> memref<32xf32, #tpu.memory_space<vmem>>
      %dma_start3A_1309 = arith.constant 0 : i32
      %dma_start3A_1310 = tpu.memref_slice %arg3[%get3A_1259, %dma_start3A_1309] : memref<1000000x32xf32, #tpu.memory_space<hbm>> -> memref<1x32xf32, #tpu.memory_space<hbm>>
      %dma_start3A_1311 = tpu.memref_squeeze %dma_start3A_1310 : memref<1x32xf32, #tpu.memory_space<hbm>> -> memref<32xf32, #tpu.memory_space<hbm>>
      tpu.enqueue_dma source(%dma_start3A_1311 : memref<32xf32, #tpu.memory_space<hbm>>) target(%dma_start3A_1308 : memref<32xf32, #tpu.memory_space<vmem>>) target_semaphore(%arg8 : memref<!tpu.dma_semaphore, #tpu.memory_space<semaphore_mem>>)
      %mul3A_1312 = arith.constant 8 : i32
      %mul3A_1313 = arith.muli %scan3A_1032, %mul3A_1312 : i32
      %add3A_1314 = arith.constant 5 : i32
      %add3A_1315 = arith.addi %mul3A_1313, %add3A_1314 : i32
      %get3A_1316 = arith.index_cast %add3A_1315 : i32 to index
      %get3A_1317 = memref.load %arg6[%get3A_1316] : memref<512xi32, #tpu.memory_space<smem>>
      %jit3A_1318 = arith.constant 4 : i32
      %div3A_1319 = arith.divsi %add3A_1315, %jit3A_1318 : i32
      %sign3A_1320 = arith.constant 0 : i32
      %sign3A_1321 = arith.cmpi sgt, %add3A_1315, %sign3A_1320 : i32
      %sign3A_1322 = arith.extui %sign3A_1321 : i1 to i32
      %sign3A_1323 = arith.constant 0 : i32
      %sign3A_1324 = arith.cmpi slt, %add3A_1315, %sign3A_1323 : i32
      %sign3A_1325 = arith.extui %sign3A_1324 : i1 to i32
      %sign3A_1326 = arith.subi %sign3A_1322, %sign3A_1325 : i32
      %sign3A_1327 = arith.constant 0 : i32
      %sign3A_1328 = arith.cmpi sgt, %jit3A_1318, %sign3A_1327 : i32
      %sign3A_1329 = arith.extui %sign3A_1328 : i1 to i32
      %sign3A_1330 = arith.constant 0 : i32
      %sign3A_1331 = arith.cmpi slt, %jit3A_1318, %sign3A_1330 : i32
      %sign3A_1332 = arith.extui %sign3A_1331 : i1 to i32
      %sign3A_1333 = arith.subi %sign3A_1329, %sign3A_1332 : i32
      %ne3A_1334 = arith.cmpi ne, %sign3A_1326, %sign3A_1333 : i32
      %rem3A_1335 = arith.remsi %add3A_1315, %jit3A_1318 : i32
      %ne3A_1336 = arith.constant 0 : i32
      %ne3A_1337 = arith.cmpi ne, %rem3A_1335, %ne3A_1336 : i32
      %and3A_1338 = arith.andi %ne3A_1334, %ne3A_1337 : i1
      %sub3A_1339 = arith.constant 1 : i32
      %sub3A_1340 = arith.subi %div3A_1319, %sub3A_1339 : i32
      %select_n3A_1341 = arith.select %and3A_1338, %sub3A_1340, %div3A_1319 : i32
      %jit3A_1342 = arith.constant 4 : i32
      %eq3A_1343 = arith.constant 0 : i32
      %eq3A_1344 = arith.cmpi eq, %jit3A_1342, %eq3A_1343 : i32
      %jit3A_1345 = arith.constant 1 : i32
      %select_n3A_1346 = arith.select %eq3A_1344, %jit3A_1345, %jit3A_1342 : i32
      %rem3A_1347 = arith.remsi %add3A_1315, %select_n3A_1346 : i32
      %ne3A_1348 = arith.constant 0 : i32
      %ne3A_1349 = arith.cmpi ne, %rem3A_1347, %ne3A_1348 : i32
      %lt3A_1350 = arith.constant 0 : i32
      %lt3A_1351 = arith.cmpi slt, %rem3A_1347, %lt3A_1350 : i32
      %lt3A_1352 = arith.constant 0 : i32
      %lt3A_1353 = arith.cmpi slt, %select_n3A_1346, %lt3A_1352 : i32
      %ne3A_1354 = arith.xori %lt3A_1351, %lt3A_1353 : i1
      %and3A_1355 = arith.andi %ne3A_1354, %ne3A_1349 : i1
      %add3A_1356 = arith.addi %rem3A_1347, %select_n3A_1346 : i32
      %select_n3A_1357 = arith.select %and3A_1355, %add3A_1356, %rem3A_1347 : i32
      %mul3A_1358 = arith.constant 32 : i32
      %mul3A_1359 = arith.muli %select_n3A_1357, %mul3A_1358 : i32
      %dma_start3A_1360 = tpu.memref_slice %arg7[%select_n3A_1341, %mul3A_1359] : memref<128x128xf32, #tpu.memory_space<vmem>> -> memref<1x32xf32, #tpu.memory_space<vmem>>
      %dma_start3A_1361 = tpu.memref_squeeze %dma_start3A_1360 : memref<1x32xf32, #tpu.memory_space<vmem>> -> memref<32xf32, #tpu.memory_space<vmem>>
      %dma_start3A_1362 = arith.constant 0 : i32
      %dma_start3A_1363 = tpu.memref_slice %arg3[%get3A_1317, %dma_start3A_1362] : memref<1000000x32xf32, #tpu.memory_space<hbm>> -> memref<1x32xf32, #tpu.memory_space<hbm>>
      %dma_start3A_1364 = tpu.memref_squeeze %dma_start3A_1363 : memref<1x32xf32, #tpu.memory_space<hbm>> -> memref<32xf32, #tpu.memory_space<hbm>>
      %dma_start3A_1365 = tpu.memref_slice %arg7[%select_n3A_1341, %mul3A_1359] : memref<128x128xf32, #tpu.memory_space<vmem>> -> memref<1x32xf32, #tpu.memory_space<vmem>>
      %dma_start3A_1366 = tpu.memref_squeeze %dma_start3A_1365 : memref<1x32xf32, #tpu.memory_space<vmem>> -> memref<32xf32, #tpu.memory_space<vmem>>
      %dma_start3A_1367 = arith.constant 0 : i32
      %dma_start3A_1368 = tpu.memref_slice %arg3[%get3A_1317, %dma_start3A_1367] : memref<1000000x32xf32, #tpu.memory_space<hbm>> -> memref<1x32xf32, #tpu.memory_space<hbm>>
      %dma_start3A_1369 = tpu.memref_squeeze %dma_start3A_1368 : memref<1x32xf32, #tpu.memory_space<hbm>> -> memref<32xf32, #tpu.memory_space<hbm>>
      tpu.enqueue_dma source(%dma_start3A_1369 : memref<32xf32, #tpu.memory_space<hbm>>) target(%dma_start3A_1366 : memref<32xf32, #tpu.memory_space<vmem>>) target_semaphore(%arg8 : memref<!tpu.dma_semaphore, #tpu.memory_space<semaphore_mem>>)
      %mul3A_1370 = arith.constant 8 : i32
      %mul3A_1371 = arith.muli %scan3A_1032, %mul3A_1370 : i32
      %add3A_1372 = arith.constant 6 : i32
      %add3A_1373 = arith.addi %mul3A_1371, %add3A_1372 : i32
      %get3A_1374 = arith.index_cast %add3A_1373 : i32 to index
      %get3A_1375 = memref.load %arg6[%get3A_1374] : memref<512xi32, #tpu.memory_space<smem>>
      %jit3A_1376 = arith.constant 4 : i32
      %div3A_1377 = arith.divsi %add3A_1373, %jit3A_1376 : i32
      %sign3A_1378 = arith.constant 0 : i32
      %sign3A_1379 = arith.cmpi sgt, %add3A_1373, %sign3A_1378 : i32
      %sign3A_1380 = arith.extui %sign3A_1379 : i1 to i32
      %sign3A_1381 = arith.constant 0 : i32
      %sign3A_1382 = arith.cmpi slt, %add3A_1373, %sign3A_1381 : i32
      %sign3A_1383 = arith.extui %sign3A_1382 : i1 to i32
      %sign3A_1384 = arith.subi %sign3A_1380, %sign3A_1383 : i32
      %sign3A_1385 = arith.constant 0 : i32
      %sign3A_1386 = arith.cmpi sgt, %jit3A_1376, %sign3A_1385 : i32
      %sign3A_1387 = arith.extui %sign3A_1386 : i1 to i32
      %sign3A_1388 = arith.constant 0 : i32
      %sign3A_1389 = arith.cmpi slt, %jit3A_1376, %sign3A_1388 : i32
      %sign3A_1390 = arith.extui %sign3A_1389 : i1 to i32
      %sign3A_1391 = arith.subi %sign3A_1387, %sign3A_1390 : i32
      %ne3A_1392 = arith.cmpi ne, %sign3A_1384, %sign3A_1391 : i32
      %rem3A_1393 = arith.remsi %add3A_1373, %jit3A_1376 : i32
      %ne3A_1394 = arith.constant 0 : i32
      %ne3A_1395 = arith.cmpi ne, %rem3A_1393, %ne3A_1394 : i32
      %and3A_1396 = arith.andi %ne3A_1392, %ne3A_1395 : i1
      %sub3A_1397 = arith.constant 1 : i32
      %sub3A_1398 = arith.subi %div3A_1377, %sub3A_1397 : i32
      %select_n3A_1399 = arith.select %and3A_1396, %sub3A_1398, %div3A_1377 : i32
      %jit3A_1400 = arith.constant 4 : i32
      %eq3A_1401 = arith.constant 0 : i32
      %eq3A_1402 = arith.cmpi eq, %jit3A_1400, %eq3A_1401 : i32
      %jit3A_1403 = arith.constant 1 : i32
      %select_n3A_1404 = arith.select %eq3A_1402, %jit3A_1403, %jit3A_1400 : i32
      %rem3A_1405 = arith.remsi %add3A_1373, %select_n3A_1404 : i32
      %ne3A_1406 = arith.constant 0 : i32
      %ne3A_1407 = arith.cmpi ne, %rem3A_1405, %ne3A_1406 : i32
      %lt3A_1408 = arith.constant 0 : i32
      %lt3A_1409 = arith.cmpi slt, %rem3A_1405, %lt3A_1408 : i32
      %lt3A_1410 = arith.constant 0 : i32
      %lt3A_1411 = arith.cmpi slt, %select_n3A_1404, %lt3A_1410 : i32
      %ne3A_1412 = arith.xori %lt3A_1409, %lt3A_1411 : i1
      %and3A_1413 = arith.andi %ne3A_1412, %ne3A_1407 : i1
      %add3A_1414 = arith.addi %rem3A_1405, %select_n3A_1404 : i32
      %select_n3A_1415 = arith.select %and3A_1413, %add3A_1414, %rem3A_1405 : i32
      %mul3A_1416 = arith.constant 32 : i32
      %mul3A_1417 = arith.muli %select_n3A_1415, %mul3A_1416 : i32
      %dma_start3A_1418 = tpu.memref_slice %arg7[%select_n3A_1399, %mul3A_1417] : memref<128x128xf32, #tpu.memory_space<vmem>> -> memref<1x32xf32, #tpu.memory_space<vmem>>
      %dma_start3A_1419 = tpu.memref_squeeze %dma_start3A_1418 : memref<1x32xf32, #tpu.memory_space<vmem>> -> memref<32xf32, #tpu.memory_space<vmem>>
      %dma_start3A_1420 = arith.constant 0 : i32
      %dma_start3A_1421 = tpu.memref_slice %arg3[%get3A_1375, %dma_start3A_1420] : memref<1000000x32xf32, #tpu.memory_space<hbm>> -> memref<1x32xf32, #tpu.memory_space<hbm>>
      %dma_start3A_1422 = tpu.memref_squeeze %dma_start3A_1421 : memref<1x32xf32, #tpu.memory_space<hbm>> -> memref<32xf32, #tpu.memory_space<hbm>>
      %dma_start3A_1423 = tpu.memref_slice %arg7[%select_n3A_1399, %mul3A_1417] : memref<128x128xf32, #tpu.memory_space<vmem>> -> memref<1x32xf32, #tpu.memory_space<vmem>>
      %dma_start3A_1424 = tpu.memref_squeeze %dma_start3A_1423 : memref<1x32xf32, #tpu.memory_space<vmem>> -> memref<32xf32, #tpu.memory_space<vmem>>
      %dma_start3A_1425 = arith.constant 0 : i32
      %dma_start3A_1426 = tpu.memref_slice %arg3[%get3A_1375, %dma_start3A_1425] : memref<1000000x32xf32, #tpu.memory_space<hbm>> -> memref<1x32xf32, #tpu.memory_space<hbm>>
      %dma_start3A_1427 = tpu.memref_squeeze %dma_start3A_1426 : memref<1x32xf32, #tpu.memory_space<hbm>> -> memref<32xf32, #tpu.memory_space<hbm>>
      tpu.enqueue_dma source(%dma_start3A_1427 : memref<32xf32, #tpu.memory_space<hbm>>) target(%dma_start3A_1424 : memref<32xf32, #tpu.memory_space<vmem>>) target_semaphore(%arg8 : memref<!tpu.dma_semaphore, #tpu.memory_space<semaphore_mem>>)
      %mul3A_1428 = arith.constant 8 : i32
      %mul3A_1429 = arith.muli %scan3A_1032, %mul3A_1428 : i32
      %add3A_1430 = arith.constant 7 : i32
      %add3A_1431 = arith.addi %mul3A_1429, %add3A_1430 : i32
      %get3A_1432 = arith.index_cast %add3A_1431 : i32 to index
      %get3A_1433 = memref.load %arg6[%get3A_1432] : memref<512xi32, #tpu.memory_space<smem>>
      %jit3A_1434 = arith.constant 4 : i32
      %div3A_1435 = arith.divsi %add3A_1431, %jit3A_1434 : i32
      %sign3A_1436 = arith.constant 0 : i32
      %sign3A_1437 = arith.cmpi sgt, %add3A_1431, %sign3A_1436 : i32
      %sign3A_1438 = arith.extui %sign3A_1437 : i1 to i32
      %sign3A_1439 = arith.constant 0 : i32
      %sign3A_1440 = arith.cmpi slt, %add3A_1431, %sign3A_1439 : i32
      %sign3A_1441 = arith.extui %sign3A_1440 : i1 to i32
      %sign3A_1442 = arith.subi %sign3A_1438, %sign3A_1441 : i32
      %sign3A_1443 = arith.constant 0 : i32
      %sign3A_1444 = arith.cmpi sgt, %jit3A_1434, %sign3A_1443 : i32
      %sign3A_1445 = arith.extui %sign3A_1444 : i1 to i32
      %sign3A_1446 = arith.constant 0 : i32
      %sign3A_1447 = arith.cmpi slt, %jit3A_1434, %sign3A_1446 : i32
      %sign3A_1448 = arith.extui %sign3A_1447 : i1 to i32
      %sign3A_1449 = arith.subi %sign3A_1445, %sign3A_1448 : i32
      %ne3A_1450 = arith.cmpi ne, %sign3A_1442, %sign3A_1449 : i32
      %rem3A_1451 = arith.remsi %add3A_1431, %jit3A_1434 : i32
      %ne3A_1452 = arith.constant 0 : i32
      %ne3A_1453 = arith.cmpi ne, %rem3A_1451, %ne3A_1452 : i32
      %and3A_1454 = arith.andi %ne3A_1450, %ne3A_1453 : i1
      %sub3A_1455 = arith.constant 1 : i32
      %sub3A_1456 = arith.subi %div3A_1435, %sub3A_1455 : i32
      %select_n3A_1457 = arith.select %and3A_1454, %sub3A_1456, %div3A_1435 : i32
      %jit3A_1458 = arith.constant 4 : i32
      %eq3A_1459 = arith.constant 0 : i32
      %eq3A_1460 = arith.cmpi eq, %jit3A_1458, %eq3A_1459 : i32
      %jit3A_1461 = arith.constant 1 : i32
      %select_n3A_1462 = arith.select %eq3A_1460, %jit3A_1461, %jit3A_1458 : i32
      %rem3A_1463 = arith.remsi %add3A_1431, %select_n3A_1462 : i32
      %ne3A_1464 = arith.constant 0 : i32
      %ne3A_1465 = arith.cmpi ne, %rem3A_1463, %ne3A_1464 : i32
      %lt3A_1466 = arith.constant 0 : i32
      %lt3A_1467 = arith.cmpi slt, %rem3A_1463, %lt3A_1466 : i32
      %lt3A_1468 = arith.constant 0 : i32
      %lt3A_1469 = arith.cmpi slt, %select_n3A_1462, %lt3A_1468 : i32
      %ne3A_1470 = arith.xori %lt3A_1467, %lt3A_1469 : i1
      %and3A_1471 = arith.andi %ne3A_1470, %ne3A_1465 : i1
      %add3A_1472 = arith.addi %rem3A_1463, %select_n3A_1462 : i32
      %select_n3A_1473 = arith.select %and3A_1471, %add3A_1472, %rem3A_1463 : i32
      %mul3A_1474 = arith.constant 32 : i32
      %mul3A_1475 = arith.muli %select_n3A_1473, %mul3A_1474 : i32
      %dma_start3A_1476 = tpu.memref_slice %arg7[%select_n3A_1457, %mul3A_1475] : memref<128x128xf32, #tpu.memory_space<vmem>> -> memref<1x32xf32, #tpu.memory_space<vmem>>
      %dma_start3A_1477 = tpu.memref_squeeze %dma_start3A_1476 : memref<1x32xf32, #tpu.memory_space<vmem>> -> memref<32xf32, #tpu.memory_space<vmem>>
      %dma_start3A_1478 = arith.constant 0 : i32
      %dma_start3A_1479 = tpu.memref_slice %arg3[%get3A_1433, %dma_start3A_1478] : memref<1000000x32xf32, #tpu.memory_space<hbm>> -> memref<1x32xf32, #tpu.memory_space<hbm>>
      %dma_start3A_1480 = tpu.memref_squeeze %dma_start3A_1479 : memref<1x32xf32, #tpu.memory_space<hbm>> -> memref<32xf32, #tpu.memory_space<hbm>>
      %dma_start3A_1481 = tpu.memref_slice %arg7[%select_n3A_1457, %mul3A_1475] : memref<128x128xf32, #tpu.memory_space<vmem>> -> memref<1x32xf32, #tpu.memory_space<vmem>>
      %dma_start3A_1482 = tpu.memref_squeeze %dma_start3A_1481 : memref<1x32xf32, #tpu.memory_space<vmem>> -> memref<32xf32, #tpu.memory_space<vmem>>
      %dma_start3A_1483 = arith.constant 0 : i32
      %dma_start3A_1484 = tpu.memref_slice %arg3[%get3A_1433, %dma_start3A_1483] : memref<1000000x32xf32, #tpu.memory_space<hbm>> -> memref<1x32xf32, #tpu.memory_space<hbm>>
      %dma_start3A_1485 = tpu.memref_squeeze %dma_start3A_1484 : memref<1x32xf32, #tpu.memory_space<hbm>> -> memref<32xf32, #tpu.memory_space<hbm>>
      tpu.enqueue_dma source(%dma_start3A_1485 : memref<32xf32, #tpu.memory_space<hbm>>) target(%dma_start3A_1482 : memref<32xf32, #tpu.memory_space<vmem>>) target_semaphore(%arg8 : memref<!tpu.dma_semaphore, #tpu.memory_space<semaphore_mem>>)
      %ge3A = arith.constant 8 : i32
      %ge3A_1486 = arith.cmpi sge, %scan3A_1032, %ge3A : i32
      %convert_element_type3A = arith.extui %ge3A_1486 : i1 to i32
      %cond3A = arith.constant 0 : i32
      %cond3A_1487 = arith.cmpi ne, %convert_element_type3A, %cond3A : i32
      scf.if %cond3A_1487 {
        %sub3A_1488 = arith.constant 8 : i32
        %sub3A_1489 = arith.subi %scan3A_1032, %sub3A_1488 : i32
        %mul3A_1490 = arith.constant 8 : i32
        %mul3A_1491 = arith.muli %sub3A_1489, %mul3A_1490 : i32
        %add3A_1492 = arith.constant 0 : i32
        %add3A_1493 = arith.addi %mul3A_1491, %add3A_1492 : i32
        %get3A_1494 = arith.index_cast %add3A_1493 : i32 to index
        %get3A_1495 = memref.load %arg6[%get3A_1494] : memref<512xi32, #tpu.memory_space<smem>>
        %jit3A_1496 = arith.constant 4 : i32
        %div3A_1497 = arith.divsi %add3A_1493, %jit3A_1496 : i32
        %sign3A_1498 = arith.constant 0 : i32
        %sign3A_1499 = arith.cmpi sgt, %add3A_1493, %sign3A_1498 : i32
        %sign3A_1500 = arith.extui %sign3A_1499 : i1 to i32
        %sign3A_1501 = arith.constant 0 : i32
        %sign3A_1502 = arith.cmpi slt, %add3A_1493, %sign3A_1501 : i32
        %sign3A_1503 = arith.extui %sign3A_1502 : i1 to i32
        %sign3A_1504 = arith.subi %sign3A_1500, %sign3A_1503 : i32
        %sign3A_1505 = arith.constant 0 : i32
        %sign3A_1506 = arith.cmpi sgt, %jit3A_1496, %sign3A_1505 : i32
        %sign3A_1507 = arith.extui %sign3A_1506 : i1 to i32
        %sign3A_1508 = arith.constant 0 : i32
        %sign3A_1509 = arith.cmpi slt, %jit3A_1496, %sign3A_1508 : i32
        %sign3A_1510 = arith.extui %sign3A_1509 : i1 to i32
        %sign3A_1511 = arith.subi %sign3A_1507, %sign3A_1510 : i32
        %ne3A_1512 = arith.cmpi ne, %sign3A_1504, %sign3A_1511 : i32
        %rem3A_1513 = arith.remsi %add3A_1493, %jit3A_1496 : i32
        %ne3A_1514 = arith.constant 0 : i32
        %ne3A_1515 = arith.cmpi ne, %rem3A_1513, %ne3A_1514 : i32
        %and3A_1516 = arith.andi %ne3A_1512, %ne3A_1515 : i1
        %sub3A_1517 = arith.constant 1 : i32
        %sub3A_1518 = arith.subi %div3A_1497, %sub3A_1517 : i32
        %select_n3A_1519 = arith.select %and3A_1516, %sub3A_1518, %div3A_1497 : i32
        %jit3A_1520 = arith.constant 4 : i32
        %eq3A_1521 = arith.constant 0 : i32
        %eq3A_1522 = arith.cmpi eq, %jit3A_1520, %eq3A_1521 : i32
        %jit3A_1523 = arith.constant 1 : i32
        %select_n3A_1524 = arith.select %eq3A_1522, %jit3A_1523, %jit3A_1520 : i32
        %rem3A_1525 = arith.remsi %add3A_1493, %select_n3A_1524 : i32
        %ne3A_1526 = arith.constant 0 : i32
        %ne3A_1527 = arith.cmpi ne, %rem3A_1525, %ne3A_1526 : i32
        %lt3A_1528 = arith.constant 0 : i32
        %lt3A_1529 = arith.cmpi slt, %rem3A_1525, %lt3A_1528 : i32
        %lt3A_1530 = arith.constant 0 : i32
        %lt3A_1531 = arith.cmpi slt, %select_n3A_1524, %lt3A_1530 : i32
        %ne3A_1532 = arith.xori %lt3A_1529, %lt3A_1531 : i1
        %and3A_1533 = arith.andi %ne3A_1532, %ne3A_1527 : i1
        %add3A_1534 = arith.addi %rem3A_1525, %select_n3A_1524 : i32
        %select_n3A_1535 = arith.select %and3A_1533, %add3A_1534, %rem3A_1525 : i32
        %mul3A_1536 = arith.constant 32 : i32
        %mul3A_1537 = arith.muli %select_n3A_1535, %mul3A_1536 : i32
        %dma_wait3A_1538 = tpu.memref_slice %arg7[%select_n3A_1519, %mul3A_1537] : memref<128x128xf32, #tpu.memory_space<vmem>> -> memref<1x32xf32, #tpu.memory_space<vmem>>
        %dma_wait3A_1539 = tpu.memref_squeeze %dma_wait3A_1538 : memref<1x32xf32, #tpu.memory_space<vmem>> -> memref<32xf32, #tpu.memory_space<vmem>>
        %dma_wait3A_1540 = arith.constant 0 : i32
        %dma_wait3A_1541 = tpu.memref_slice %arg3[%get3A_1495, %dma_wait3A_1540] : memref<1000000x32xf32, #tpu.memory_space<hbm>> -> memref<1x32xf32, #tpu.memory_space<hbm>>
        %dma_wait3A_1542 = tpu.memref_squeeze %dma_wait3A_1541 : memref<1x32xf32, #tpu.memory_space<hbm>> -> memref<32xf32, #tpu.memory_space<hbm>>
        %dma_wait3A_1543 = tpu.memref_slice %arg7[%select_n3A_1519, %mul3A_1537] : memref<128x128xf32, #tpu.memory_space<vmem>> -> memref<1x32xf32, #tpu.memory_space<vmem>>
        %dma_wait3A_1544 = tpu.memref_squeeze %dma_wait3A_1543 : memref<1x32xf32, #tpu.memory_space<vmem>> -> memref<32xf32, #tpu.memory_space<vmem>>
        %dma_wait3A_1545 = arith.constant 0 : i32
        %dma_wait3A_1546 = tpu.memref_slice %arg3[%get3A_1495, %dma_wait3A_1545] : memref<1000000x32xf32, #tpu.memory_space<hbm>> -> memref<1x32xf32, #tpu.memory_space<hbm>>
        %dma_wait3A_1547 = tpu.memref_squeeze %dma_wait3A_1546 : memref<1x32xf32, #tpu.memory_space<hbm>> -> memref<32xf32, #tpu.memory_space<hbm>>
        tpu.wait_dma2 semaphore(%arg8 : memref<!tpu.dma_semaphore, #tpu.memory_space<semaphore_mem>>) src(%dma_wait3A_1547 : memref<32xf32, #tpu.memory_space<hbm>>) dst(%dma_wait3A_1544 : memref<32xf32, #tpu.memory_space<vmem>>)
        %sub3A_1548 = arith.constant 8 : i32
        %sub3A_1549 = arith.subi %scan3A_1032, %sub3A_1548 : i32
        %mul3A_1550 = arith.constant 8 : i32
        %mul3A_1551 = arith.muli %sub3A_1549, %mul3A_1550 : i32
        %add3A_1552 = arith.constant 1 : i32
        %add3A_1553 = arith.addi %mul3A_1551, %add3A_1552 : i32
        %get3A_1554 = arith.index_cast %add3A_1553 : i32 to index
        %get3A_1555 = memref.load %arg6[%get3A_1554] : memref<512xi32, #tpu.memory_space<smem>>
        %jit3A_1556 = arith.constant 4 : i32
        %div3A_1557 = arith.divsi %add3A_1553, %jit3A_1556 : i32
        %sign3A_1558 = arith.constant 0 : i32
        %sign3A_1559 = arith.cmpi sgt, %add3A_1553, %sign3A_1558 : i32
        %sign3A_1560 = arith.extui %sign3A_1559 : i1 to i32
        %sign3A_1561 = arith.constant 0 : i32
        %sign3A_1562 = arith.cmpi slt, %add3A_1553, %sign3A_1561 : i32
        %sign3A_1563 = arith.extui %sign3A_1562 : i1 to i32
        %sign3A_1564 = arith.subi %sign3A_1560, %sign3A_1563 : i32
        %sign3A_1565 = arith.constant 0 : i32
        %sign3A_1566 = arith.cmpi sgt, %jit3A_1556, %sign3A_1565 : i32
        %sign3A_1567 = arith.extui %sign3A_1566 : i1 to i32
        %sign3A_1568 = arith.constant 0 : i32
        %sign3A_1569 = arith.cmpi slt, %jit3A_1556, %sign3A_1568 : i32
        %sign3A_1570 = arith.extui %sign3A_1569 : i1 to i32
        %sign3A_1571 = arith.subi %sign3A_1567, %sign3A_1570 : i32
        %ne3A_1572 = arith.cmpi ne, %sign3A_1564, %sign3A_1571 : i32
        %rem3A_1573 = arith.remsi %add3A_1553, %jit3A_1556 : i32
        %ne3A_1574 = arith.constant 0 : i32
        %ne3A_1575 = arith.cmpi ne, %rem3A_1573, %ne3A_1574 : i32
        %and3A_1576 = arith.andi %ne3A_1572, %ne3A_1575 : i1
        %sub3A_1577 = arith.constant 1 : i32
        %sub3A_1578 = arith.subi %div3A_1557, %sub3A_1577 : i32
        %select_n3A_1579 = arith.select %and3A_1576, %sub3A_1578, %div3A_1557 : i32
        %jit3A_1580 = arith.constant 4 : i32
        %eq3A_1581 = arith.constant 0 : i32
        %eq3A_1582 = arith.cmpi eq, %jit3A_1580, %eq3A_1581 : i32
        %jit3A_1583 = arith.constant 1 : i32
        %select_n3A_1584 = arith.select %eq3A_1582, %jit3A_1583, %jit3A_1580 : i32
        %rem3A_1585 = arith.remsi %add3A_1553, %select_n3A_1584 : i32
        %ne3A_1586 = arith.constant 0 : i32
        %ne3A_1587 = arith.cmpi ne, %rem3A_1585, %ne3A_1586 : i32
        %lt3A_1588 = arith.constant 0 : i32
        %lt3A_1589 = arith.cmpi slt, %rem3A_1585, %lt3A_1588 : i32
        %lt3A_1590 = arith.constant 0 : i32
        %lt3A_1591 = arith.cmpi slt, %select_n3A_1584, %lt3A_1590 : i32
        %ne3A_1592 = arith.xori %lt3A_1589, %lt3A_1591 : i1
        %and3A_1593 = arith.andi %ne3A_1592, %ne3A_1587 : i1
        %add3A_1594 = arith.addi %rem3A_1585, %select_n3A_1584 : i32
        %select_n3A_1595 = arith.select %and3A_1593, %add3A_1594, %rem3A_1585 : i32
        %mul3A_1596 = arith.constant 32 : i32
        %mul3A_1597 = arith.muli %select_n3A_1595, %mul3A_1596 : i32
        %dma_wait3A_1598 = tpu.memref_slice %arg7[%select_n3A_1579, %mul3A_1597] : memref<128x128xf32, #tpu.memory_space<vmem>> -> memref<1x32xf32, #tpu.memory_space<vmem>>
        %dma_wait3A_1599 = tpu.memref_squeeze %dma_wait3A_1598 : memref<1x32xf32, #tpu.memory_space<vmem>> -> memref<32xf32, #tpu.memory_space<vmem>>
        %dma_wait3A_1600 = arith.constant 0 : i32
        %dma_wait3A_1601 = tpu.memref_slice %arg3[%get3A_1555, %dma_wait3A_1600] : memref<1000000x32xf32, #tpu.memory_space<hbm>> -> memref<1x32xf32, #tpu.memory_space<hbm>>
        %dma_wait3A_1602 = tpu.memref_squeeze %dma_wait3A_1601 : memref<1x32xf32, #tpu.memory_space<hbm>> -> memref<32xf32, #tpu.memory_space<hbm>>
        %dma_wait3A_1603 = tpu.memref_slice %arg7[%select_n3A_1579, %mul3A_1597] : memref<128x128xf32, #tpu.memory_space<vmem>> -> memref<1x32xf32, #tpu.memory_space<vmem>>
        %dma_wait3A_1604 = tpu.memref_squeeze %dma_wait3A_1603 : memref<1x32xf32, #tpu.memory_space<vmem>> -> memref<32xf32, #tpu.memory_space<vmem>>
        %dma_wait3A_1605 = arith.constant 0 : i32
        %dma_wait3A_1606 = tpu.memref_slice %arg3[%get3A_1555, %dma_wait3A_1605] : memref<1000000x32xf32, #tpu.memory_space<hbm>> -> memref<1x32xf32, #tpu.memory_space<hbm>>
        %dma_wait3A_1607 = tpu.memref_squeeze %dma_wait3A_1606 : memref<1x32xf32, #tpu.memory_space<hbm>> -> memref<32xf32, #tpu.memory_space<hbm>>
        tpu.wait_dma2 semaphore(%arg8 : memref<!tpu.dma_semaphore, #tpu.memory_space<semaphore_mem>>) src(%dma_wait3A_1607 : memref<32xf32, #tpu.memory_space<hbm>>) dst(%dma_wait3A_1604 : memref<32xf32, #tpu.memory_space<vmem>>)
        %sub3A_1608 = arith.constant 8 : i32
        %sub3A_1609 = arith.subi %scan3A_1032, %sub3A_1608 : i32
        %mul3A_1610 = arith.constant 8 : i32
        %mul3A_1611 = arith.muli %sub3A_1609, %mul3A_1610 : i32
        %add3A_1612 = arith.constant 2 : i32
        %add3A_1613 = arith.addi %mul3A_1611, %add3A_1612 : i32
        %get3A_1614 = arith.index_cast %add3A_1613 : i32 to index
        %get3A_1615 = memref.load %arg6[%get3A_1614] : memref<512xi32, #tpu.memory_space<smem>>
        %jit3A_1616 = arith.constant 4 : i32
        %div3A_1617 = arith.divsi %add3A_1613, %jit3A_1616 : i32
        %sign3A_1618 = arith.constant 0 : i32
        %sign3A_1619 = arith.cmpi sgt, %add3A_1613, %sign3A_1618 : i32
        %sign3A_1620 = arith.extui %sign3A_1619 : i1 to i32
        %sign3A_1621 = arith.constant 0 : i32
        %sign3A_1622 = arith.cmpi slt, %add3A_1613, %sign3A_1621 : i32
        %sign3A_1623 = arith.extui %sign3A_1622 : i1 to i32
        %sign3A_1624 = arith.subi %sign3A_1620, %sign3A_1623 : i32
        %sign3A_1625 = arith.constant 0 : i32
        %sign3A_1626 = arith.cmpi sgt, %jit3A_1616, %sign3A_1625 : i32
        %sign3A_1627 = arith.extui %sign3A_1626 : i1 to i32
        %sign3A_1628 = arith.constant 0 : i32
        %sign3A_1629 = arith.cmpi slt, %jit3A_1616, %sign3A_1628 : i32
        %sign3A_1630 = arith.extui %sign3A_1629 : i1 to i32
        %sign3A_1631 = arith.subi %sign3A_1627, %sign3A_1630 : i32
        %ne3A_1632 = arith.cmpi ne, %sign3A_1624, %sign3A_1631 : i32
        %rem3A_1633 = arith.remsi %add3A_1613, %jit3A_1616 : i32
        %ne3A_1634 = arith.constant 0 : i32
        %ne3A_1635 = arith.cmpi ne, %rem3A_1633, %ne3A_1634 : i32
        %and3A_1636 = arith.andi %ne3A_1632, %ne3A_1635 : i1
        %sub3A_1637 = arith.constant 1 : i32
        %sub3A_1638 = arith.subi %div3A_1617, %sub3A_1637 : i32
        %select_n3A_1639 = arith.select %and3A_1636, %sub3A_1638, %div3A_1617 : i32
        %jit3A_1640 = arith.constant 4 : i32
        %eq3A_1641 = arith.constant 0 : i32
        %eq3A_1642 = arith.cmpi eq, %jit3A_1640, %eq3A_1641 : i32
        %jit3A_1643 = arith.constant 1 : i32
        %select_n3A_1644 = arith.select %eq3A_1642, %jit3A_1643, %jit3A_1640 : i32
        %rem3A_1645 = arith.remsi %add3A_1613, %select_n3A_1644 : i32
        %ne3A_1646 = arith.constant 0 : i32
        %ne3A_1647 = arith.cmpi ne, %rem3A_1645, %ne3A_1646 : i32
        %lt3A_1648 = arith.constant 0 : i32
        %lt3A_1649 = arith.cmpi slt, %rem3A_1645, %lt3A_1648 : i32
        %lt3A_1650 = arith.constant 0 : i32
        %lt3A_1651 = arith.cmpi slt, %select_n3A_1644, %lt3A_1650 : i32
        %ne3A_1652 = arith.xori %lt3A_1649, %lt3A_1651 : i1
        %and3A_1653 = arith.andi %ne3A_1652, %ne3A_1647 : i1
        %add3A_1654 = arith.addi %rem3A_1645, %select_n3A_1644 : i32
        %select_n3A_1655 = arith.select %and3A_1653, %add3A_1654, %rem3A_1645 : i32
        %mul3A_1656 = arith.constant 32 : i32
        %mul3A_1657 = arith.muli %select_n3A_1655, %mul3A_1656 : i32
        %dma_wait3A_1658 = tpu.memref_slice %arg7[%select_n3A_1639, %mul3A_1657] : memref<128x128xf32, #tpu.memory_space<vmem>> -> memref<1x32xf32, #tpu.memory_space<vmem>>
        %dma_wait3A_1659 = tpu.memref_squeeze %dma_wait3A_1658 : memref<1x32xf32, #tpu.memory_space<vmem>> -> memref<32xf32, #tpu.memory_space<vmem>>
        %dma_wait3A_1660 = arith.constant 0 : i32
        %dma_wait3A_1661 = tpu.memref_slice %arg3[%get3A_1615, %dma_wait3A_1660] : memref<1000000x32xf32, #tpu.memory_space<hbm>> -> memref<1x32xf32, #tpu.memory_space<hbm>>
        %dma_wait3A_1662 = tpu.memref_squeeze %dma_wait3A_1661 : memref<1x32xf32, #tpu.memory_space<hbm>> -> memref<32xf32, #tpu.memory_space<hbm>>
        %dma_wait3A_1663 = tpu.memref_slice %arg7[%select_n3A_1639, %mul3A_1657] : memref<128x128xf32, #tpu.memory_space<vmem>> -> memref<1x32xf32, #tpu.memory_space<vmem>>
        %dma_wait3A_1664 = tpu.memref_squeeze %dma_wait3A_1663 : memref<1x32xf32, #tpu.memory_space<vmem>> -> memref<32xf32, #tpu.memory_space<vmem>>
        %dma_wait3A_1665 = arith.constant 0 : i32
        %dma_wait3A_1666 = tpu.memref_slice %arg3[%get3A_1615, %dma_wait3A_1665] : memref<1000000x32xf32, #tpu.memory_space<hbm>> -> memref<1x32xf32, #tpu.memory_space<hbm>>
        %dma_wait3A_1667 = tpu.memref_squeeze %dma_wait3A_1666 : memref<1x32xf32, #tpu.memory_space<hbm>> -> memref<32xf32, #tpu.memory_space<hbm>>
        tpu.wait_dma2 semaphore(%arg8 : memref<!tpu.dma_semaphore, #tpu.memory_space<semaphore_mem>>) src(%dma_wait3A_1667 : memref<32xf32, #tpu.memory_space<hbm>>) dst(%dma_wait3A_1664 : memref<32xf32, #tpu.memory_space<vmem>>)
        %sub3A_1668 = arith.constant 8 : i32
        %sub3A_1669 = arith.subi %scan3A_1032, %sub3A_1668 : i32
        %mul3A_1670 = arith.constant 8 : i32
        %mul3A_1671 = arith.muli %sub3A_1669, %mul3A_1670 : i32
        %add3A_1672 = arith.constant 3 : i32
        %add3A_1673 = arith.addi %mul3A_1671, %add3A_1672 : i32
        %get3A_1674 = arith.index_cast %add3A_1673 : i32 to index
        %get3A_1675 = memref.load %arg6[%get3A_1674] : memref<512xi32, #tpu.memory_space<smem>>
        %jit3A_1676 = arith.constant 4 : i32
        %div3A_1677 = arith.divsi %add3A_1673, %jit3A_1676 : i32
        %sign3A_1678 = arith.constant 0 : i32
        %sign3A_1679 = arith.cmpi sgt, %add3A_1673, %sign3A_1678 : i32
        %sign3A_1680 = arith.extui %sign3A_1679 : i1 to i32
        %sign3A_1681 = arith.constant 0 : i32
        %sign3A_1682 = arith.cmpi slt, %add3A_1673, %sign3A_1681 : i32
        %sign3A_1683 = arith.extui %sign3A_1682 : i1 to i32
        %sign3A_1684 = arith.subi %sign3A_1680, %sign3A_1683 : i32
        %sign3A_1685 = arith.constant 0 : i32
        %sign3A_1686 = arith.cmpi sgt, %jit3A_1676, %sign3A_1685 : i32
        %sign3A_1687 = arith.extui %sign3A_1686 : i1 to i32
        %sign3A_1688 = arith.constant 0 : i32
        %sign3A_1689 = arith.cmpi slt, %jit3A_1676, %sign3A_1688 : i32
        %sign3A_1690 = arith.extui %sign3A_1689 : i1 to i32
        %sign3A_1691 = arith.subi %sign3A_1687, %sign3A_1690 : i32
        %ne3A_1692 = arith.cmpi ne, %sign3A_1684, %sign3A_1691 : i32
        %rem3A_1693 = arith.remsi %add3A_1673, %jit3A_1676 : i32
        %ne3A_1694 = arith.constant 0 : i32
        %ne3A_1695 = arith.cmpi ne, %rem3A_1693, %ne3A_1694 : i32
        %and3A_1696 = arith.andi %ne3A_1692, %ne3A_1695 : i1
        %sub3A_1697 = arith.constant 1 : i32
        %sub3A_1698 = arith.subi %div3A_1677, %sub3A_1697 : i32
        %select_n3A_1699 = arith.select %and3A_1696, %sub3A_1698, %div3A_1677 : i32
        %jit3A_1700 = arith.constant 4 : i32
        %eq3A_1701 = arith.constant 0 : i32
        %eq3A_1702 = arith.cmpi eq, %jit3A_1700, %eq3A_1701 : i32
        %jit3A_1703 = arith.constant 1 : i32
        %select_n3A_1704 = arith.select %eq3A_1702, %jit3A_1703, %jit3A_1700 : i32
        %rem3A_1705 = arith.remsi %add3A_1673, %select_n3A_1704 : i32
        %ne3A_1706 = arith.constant 0 : i32
        %ne3A_1707 = arith.cmpi ne, %rem3A_1705, %ne3A_1706 : i32
        %lt3A_1708 = arith.constant 0 : i32
        %lt3A_1709 = arith.cmpi slt, %rem3A_1705, %lt3A_1708 : i32
        %lt3A_1710 = arith.constant 0 : i32
        %lt3A_1711 = arith.cmpi slt, %select_n3A_1704, %lt3A_1710 : i32
        %ne3A_1712 = arith.xori %lt3A_1709, %lt3A_1711 : i1
        %and3A_1713 = arith.andi %ne3A_1712, %ne3A_1707 : i1
        %add3A_1714 = arith.addi %rem3A_1705, %select_n3A_1704 : i32
        %select_n3A_1715 = arith.select %and3A_1713, %add3A_1714, %rem3A_1705 : i32
        %mul3A_1716 = arith.constant 32 : i32
        %mul3A_1717 = arith.muli %select_n3A_1715, %mul3A_1716 : i32
        %dma_wait3A_1718 = tpu.memref_slice %arg7[%select_n3A_1699, %mul3A_1717] : memref<128x128xf32, #tpu.memory_space<vmem>> -> memref<1x32xf32, #tpu.memory_space<vmem>>
        %dma_wait3A_1719 = tpu.memref_squeeze %dma_wait3A_1718 : memref<1x32xf32, #tpu.memory_space<vmem>> -> memref<32xf32, #tpu.memory_space<vmem>>
        %dma_wait3A_1720 = arith.constant 0 : i32
        %dma_wait3A_1721 = tpu.memref_slice %arg3[%get3A_1675, %dma_wait3A_1720] : memref<1000000x32xf32, #tpu.memory_space<hbm>> -> memref<1x32xf32, #tpu.memory_space<hbm>>
        %dma_wait3A_1722 = tpu.memref_squeeze %dma_wait3A_1721 : memref<1x32xf32, #tpu.memory_space<hbm>> -> memref<32xf32, #tpu.memory_space<hbm>>
        %dma_wait3A_1723 = tpu.memref_slice %arg7[%select_n3A_1699, %mul3A_1717] : memref<128x128xf32, #tpu.memory_space<vmem>> -> memref<1x32xf32, #tpu.memory_space<vmem>>
        %dma_wait3A_1724 = tpu.memref_squeeze %dma_wait3A_1723 : memref<1x32xf32, #tpu.memory_space<vmem>> -> memref<32xf32, #tpu.memory_space<vmem>>
        %dma_wait3A_1725 = arith.constant 0 : i32
        %dma_wait3A_1726 = tpu.memref_slice %arg3[%get3A_1675, %dma_wait3A_1725] : memref<1000000x32xf32, #tpu.memory_space<hbm>> -> memref<1x32xf32, #tpu.memory_space<hbm>>
        %dma_wait3A_1727 = tpu.memref_squeeze %dma_wait3A_1726 : memref<1x32xf32, #tpu.memory_space<hbm>> -> memref<32xf32, #tpu.memory_space<hbm>>
        tpu.wait_dma2 semaphore(%arg8 : memref<!tpu.dma_semaphore, #tpu.memory_space<semaphore_mem>>) src(%dma_wait3A_1727 : memref<32xf32, #tpu.memory_space<hbm>>) dst(%dma_wait3A_1724 : memref<32xf32, #tpu.memory_space<vmem>>)
        %sub3A_1728 = arith.constant 8 : i32
        %sub3A_1729 = arith.subi %scan3A_1032, %sub3A_1728 : i32
        %mul3A_1730 = arith.constant 8 : i32
        %mul3A_1731 = arith.muli %sub3A_1729, %mul3A_1730 : i32
        %add3A_1732 = arith.constant 4 : i32
        %add3A_1733 = arith.addi %mul3A_1731, %add3A_1732 : i32
        %get3A_1734 = arith.index_cast %add3A_1733 : i32 to index
        %get3A_1735 = memref.load %arg6[%get3A_1734] : memref<512xi32, #tpu.memory_space<smem>>
        %jit3A_1736 = arith.constant 4 : i32
        %div3A_1737 = arith.divsi %add3A_1733, %jit3A_1736 : i32
        %sign3A_1738 = arith.constant 0 : i32
        %sign3A_1739 = arith.cmpi sgt, %add3A_1733, %sign3A_1738 : i32
        %sign3A_1740 = arith.extui %sign3A_1739 : i1 to i32
        %sign3A_1741 = arith.constant 0 : i32
        %sign3A_1742 = arith.cmpi slt, %add3A_1733, %sign3A_1741 : i32
        %sign3A_1743 = arith.extui %sign3A_1742 : i1 to i32
        %sign3A_1744 = arith.subi %sign3A_1740, %sign3A_1743 : i32
        %sign3A_1745 = arith.constant 0 : i32
        %sign3A_1746 = arith.cmpi sgt, %jit3A_1736, %sign3A_1745 : i32
        %sign3A_1747 = arith.extui %sign3A_1746 : i1 to i32
        %sign3A_1748 = arith.constant 0 : i32
        %sign3A_1749 = arith.cmpi slt, %jit3A_1736, %sign3A_1748 : i32
        %sign3A_1750 = arith.extui %sign3A_1749 : i1 to i32
        %sign3A_1751 = arith.subi %sign3A_1747, %sign3A_1750 : i32
        %ne3A_1752 = arith.cmpi ne, %sign3A_1744, %sign3A_1751 : i32
        %rem3A_1753 = arith.remsi %add3A_1733, %jit3A_1736 : i32
        %ne3A_1754 = arith.constant 0 : i32
        %ne3A_1755 = arith.cmpi ne, %rem3A_1753, %ne3A_1754 : i32
        %and3A_1756 = arith.andi %ne3A_1752, %ne3A_1755 : i1
        %sub3A_1757 = arith.constant 1 : i32
        %sub3A_1758 = arith.subi %div3A_1737, %sub3A_1757 : i32
        %select_n3A_1759 = arith.select %and3A_1756, %sub3A_1758, %div3A_1737 : i32
        %jit3A_1760 = arith.constant 4 : i32
        %eq3A_1761 = arith.constant 0 : i32
        %eq3A_1762 = arith.cmpi eq, %jit3A_1760, %eq3A_1761 : i32
        %jit3A_1763 = arith.constant 1 : i32
        %select_n3A_1764 = arith.select %eq3A_1762, %jit3A_1763, %jit3A_1760 : i32
        %rem3A_1765 = arith.remsi %add3A_1733, %select_n3A_1764 : i32
        %ne3A_1766 = arith.constant 0 : i32
        %ne3A_1767 = arith.cmpi ne, %rem3A_1765, %ne3A_1766 : i32
        %lt3A_1768 = arith.constant 0 : i32
        %lt3A_1769 = arith.cmpi slt, %rem3A_1765, %lt3A_1768 : i32
        %lt3A_1770 = arith.constant 0 : i32
        %lt3A_1771 = arith.cmpi slt, %select_n3A_1764, %lt3A_1770 : i32
        %ne3A_1772 = arith.xori %lt3A_1769, %lt3A_1771 : i1
        %and3A_1773 = arith.andi %ne3A_1772, %ne3A_1767 : i1
        %add3A_1774 = arith.addi %rem3A_1765, %select_n3A_1764 : i32
        %select_n3A_1775 = arith.select %and3A_1773, %add3A_1774, %rem3A_1765 : i32
        %mul3A_1776 = arith.constant 32 : i32
        %mul3A_1777 = arith.muli %select_n3A_1775, %mul3A_1776 : i32
        %dma_wait3A_1778 = tpu.memref_slice %arg7[%select_n3A_1759, %mul3A_1777] : memref<128x128xf32, #tpu.memory_space<vmem>> -> memref<1x32xf32, #tpu.memory_space<vmem>>
        %dma_wait3A_1779 = tpu.memref_squeeze %dma_wait3A_1778 : memref<1x32xf32, #tpu.memory_space<vmem>> -> memref<32xf32, #tpu.memory_space<vmem>>
        %dma_wait3A_1780 = arith.constant 0 : i32
        %dma_wait3A_1781 = tpu.memref_slice %arg3[%get3A_1735, %dma_wait3A_1780] : memref<1000000x32xf32, #tpu.memory_space<hbm>> -> memref<1x32xf32, #tpu.memory_space<hbm>>
        %dma_wait3A_1782 = tpu.memref_squeeze %dma_wait3A_1781 : memref<1x32xf32, #tpu.memory_space<hbm>> -> memref<32xf32, #tpu.memory_space<hbm>>
        %dma_wait3A_1783 = tpu.memref_slice %arg7[%select_n3A_1759, %mul3A_1777] : memref<128x128xf32, #tpu.memory_space<vmem>> -> memref<1x32xf32, #tpu.memory_space<vmem>>
        %dma_wait3A_1784 = tpu.memref_squeeze %dma_wait3A_1783 : memref<1x32xf32, #tpu.memory_space<vmem>> -> memref<32xf32, #tpu.memory_space<vmem>>
        %dma_wait3A_1785 = arith.constant 0 : i32
        %dma_wait3A_1786 = tpu.memref_slice %arg3[%get3A_1735, %dma_wait3A_1785] : memref<1000000x32xf32, #tpu.memory_space<hbm>> -> memref<1x32xf32, #tpu.memory_space<hbm>>
        %dma_wait3A_1787 = tpu.memref_squeeze %dma_wait3A_1786 : memref<1x32xf32, #tpu.memory_space<hbm>> -> memref<32xf32, #tpu.memory_space<hbm>>
        tpu.wait_dma2 semaphore(%arg8 : memref<!tpu.dma_semaphore, #tpu.memory_space<semaphore_mem>>) src(%dma_wait3A_1787 : memref<32xf32, #tpu.memory_space<hbm>>) dst(%dma_wait3A_1784 : memref<32xf32, #tpu.memory_space<vmem>>)
        %sub3A_1788 = arith.constant 8 : i32
        %sub3A_1789 = arith.subi %scan3A_1032, %sub3A_1788 : i32
        %mul3A_1790 = arith.constant 8 : i32
        %mul3A_1791 = arith.muli %sub3A_1789, %mul3A_1790 : i32
        %add3A_1792 = arith.constant 5 : i32
        %add3A_1793 = arith.addi %mul3A_1791, %add3A_1792 : i32
        %get3A_1794 = arith.index_cast %add3A_1793 : i32 to index
        %get3A_1795 = memref.load %arg6[%get3A_1794] : memref<512xi32, #tpu.memory_space<smem>>
        %jit3A_1796 = arith.constant 4 : i32
        %div3A_1797 = arith.divsi %add3A_1793, %jit3A_1796 : i32
        %sign3A_1798 = arith.constant 0 : i32
        %sign3A_1799 = arith.cmpi sgt, %add3A_1793, %sign3A_1798 : i32
        %sign3A_1800 = arith.extui %sign3A_1799 : i1 to i32
        %sign3A_1801 = arith.constant 0 : i32
        %sign3A_1802 = arith.cmpi slt, %add3A_1793, %sign3A_1801 : i32
        %sign3A_1803 = arith.extui %sign3A_1802 : i1 to i32
        %sign3A_1804 = arith.subi %sign3A_1800, %sign3A_1803 : i32
        %sign3A_1805 = arith.constant 0 : i32
        %sign3A_1806 = arith.cmpi sgt, %jit3A_1796, %sign3A_1805 : i32
        %sign3A_1807 = arith.extui %sign3A_1806 : i1 to i32
        %sign3A_1808 = arith.constant 0 : i32
        %sign3A_1809 = arith.cmpi slt, %jit3A_1796, %sign3A_1808 : i32
        %sign3A_1810 = arith.extui %sign3A_1809 : i1 to i32
        %sign3A_1811 = arith.subi %sign3A_1807, %sign3A_1810 : i32
        %ne3A_1812 = arith.cmpi ne, %sign3A_1804, %sign3A_1811 : i32
        %rem3A_1813 = arith.remsi %add3A_1793, %jit3A_1796 : i32
        %ne3A_1814 = arith.constant 0 : i32
        %ne3A_1815 = arith.cmpi ne, %rem3A_1813, %ne3A_1814 : i32
        %and3A_1816 = arith.andi %ne3A_1812, %ne3A_1815 : i1
        %sub3A_1817 = arith.constant 1 : i32
        %sub3A_1818 = arith.subi %div3A_1797, %sub3A_1817 : i32
        %select_n3A_1819 = arith.select %and3A_1816, %sub3A_1818, %div3A_1797 : i32
        %jit3A_1820 = arith.constant 4 : i32
        %eq3A_1821 = arith.constant 0 : i32
        %eq3A_1822 = arith.cmpi eq, %jit3A_1820, %eq3A_1821 : i32
        %jit3A_1823 = arith.constant 1 : i32
        %select_n3A_1824 = arith.select %eq3A_1822, %jit3A_1823, %jit3A_1820 : i32
        %rem3A_1825 = arith.remsi %add3A_1793, %select_n3A_1824 : i32
        %ne3A_1826 = arith.constant 0 : i32
        %ne3A_1827 = arith.cmpi ne, %rem3A_1825, %ne3A_1826 : i32
        %lt3A_1828 = arith.constant 0 : i32
        %lt3A_1829 = arith.cmpi slt, %rem3A_1825, %lt3A_1828 : i32
        %lt3A_1830 = arith.constant 0 : i32
        %lt3A_1831 = arith.cmpi slt, %select_n3A_1824, %lt3A_1830 : i32
        %ne3A_1832 = arith.xori %lt3A_1829, %lt3A_1831 : i1
        %and3A_1833 = arith.andi %ne3A_1832, %ne3A_1827 : i1
        %add3A_1834 = arith.addi %rem3A_1825, %select_n3A_1824 : i32
        %select_n3A_1835 = arith.select %and3A_1833, %add3A_1834, %rem3A_1825 : i32
        %mul3A_1836 = arith.constant 32 : i32
        %mul3A_1837 = arith.muli %select_n3A_1835, %mul3A_1836 : i32
        %dma_wait3A_1838 = tpu.memref_slice %arg7[%select_n3A_1819, %mul3A_1837] : memref<128x128xf32, #tpu.memory_space<vmem>> -> memref<1x32xf32, #tpu.memory_space<vmem>>
        %dma_wait3A_1839 = tpu.memref_squeeze %dma_wait3A_1838 : memref<1x32xf32, #tpu.memory_space<vmem>> -> memref<32xf32, #tpu.memory_space<vmem>>
        %dma_wait3A_1840 = arith.constant 0 : i32
        %dma_wait3A_1841 = tpu.memref_slice %arg3[%get3A_1795, %dma_wait3A_1840] : memref<1000000x32xf32, #tpu.memory_space<hbm>> -> memref<1x32xf32, #tpu.memory_space<hbm>>
        %dma_wait3A_1842 = tpu.memref_squeeze %dma_wait3A_1841 : memref<1x32xf32, #tpu.memory_space<hbm>> -> memref<32xf32, #tpu.memory_space<hbm>>
        %dma_wait3A_1843 = tpu.memref_slice %arg7[%select_n3A_1819, %mul3A_1837] : memref<128x128xf32, #tpu.memory_space<vmem>> -> memref<1x32xf32, #tpu.memory_space<vmem>>
        %dma_wait3A_1844 = tpu.memref_squeeze %dma_wait3A_1843 : memref<1x32xf32, #tpu.memory_space<vmem>> -> memref<32xf32, #tpu.memory_space<vmem>>
        %dma_wait3A_1845 = arith.constant 0 : i32
        %dma_wait3A_1846 = tpu.memref_slice %arg3[%get3A_1795, %dma_wait3A_1845] : memref<1000000x32xf32, #tpu.memory_space<hbm>> -> memref<1x32xf32, #tpu.memory_space<hbm>>
        %dma_wait3A_1847 = tpu.memref_squeeze %dma_wait3A_1846 : memref<1x32xf32, #tpu.memory_space<hbm>> -> memref<32xf32, #tpu.memory_space<hbm>>
        tpu.wait_dma2 semaphore(%arg8 : memref<!tpu.dma_semaphore, #tpu.memory_space<semaphore_mem>>) src(%dma_wait3A_1847 : memref<32xf32, #tpu.memory_space<hbm>>) dst(%dma_wait3A_1844 : memref<32xf32, #tpu.memory_space<vmem>>)
        %sub3A_1848 = arith.constant 8 : i32
        %sub3A_1849 = arith.subi %scan3A_1032, %sub3A_1848 : i32
        %mul3A_1850 = arith.constant 8 : i32
        %mul3A_1851 = arith.muli %sub3A_1849, %mul3A_1850 : i32
        %add3A_1852 = arith.constant 6 : i32
        %add3A_1853 = arith.addi %mul3A_1851, %add3A_1852 : i32
        %get3A_1854 = arith.index_cast %add3A_1853 : i32 to index
        %get3A_1855 = memref.load %arg6[%get3A_1854] : memref<512xi32, #tpu.memory_space<smem>>
        %jit3A_1856 = arith.constant 4 : i32
        %div3A_1857 = arith.divsi %add3A_1853, %jit3A_1856 : i32
        %sign3A_1858 = arith.constant 0 : i32
        %sign3A_1859 = arith.cmpi sgt, %add3A_1853, %sign3A_1858 : i32
        %sign3A_1860 = arith.extui %sign3A_1859 : i1 to i32
        %sign3A_1861 = arith.constant 0 : i32
        %sign3A_1862 = arith.cmpi slt, %add3A_1853, %sign3A_1861 : i32
        %sign3A_1863 = arith.extui %sign3A_1862 : i1 to i32
        %sign3A_1864 = arith.subi %sign3A_1860, %sign3A_1863 : i32
        %sign3A_1865 = arith.constant 0 : i32
        %sign3A_1866 = arith.cmpi sgt, %jit3A_1856, %sign3A_1865 : i32
        %sign3A_1867 = arith.extui %sign3A_1866 : i1 to i32
        %sign3A_1868 = arith.constant 0 : i32
        %sign3A_1869 = arith.cmpi slt, %jit3A_1856, %sign3A_1868 : i32
        %sign3A_1870 = arith.extui %sign3A_1869 : i1 to i32
        %sign3A_1871 = arith.subi %sign3A_1867, %sign3A_1870 : i32
        %ne3A_1872 = arith.cmpi ne, %sign3A_1864, %sign3A_1871 : i32
        %rem3A_1873 = arith.remsi %add3A_1853, %jit3A_1856 : i32
        %ne3A_1874 = arith.constant 0 : i32
        %ne3A_1875 = arith.cmpi ne, %rem3A_1873, %ne3A_1874 : i32
        %and3A_1876 = arith.andi %ne3A_1872, %ne3A_1875 : i1
        %sub3A_1877 = arith.constant 1 : i32
        %sub3A_1878 = arith.subi %div3A_1857, %sub3A_1877 : i32
        %select_n3A_1879 = arith.select %and3A_1876, %sub3A_1878, %div3A_1857 : i32
        %jit3A_1880 = arith.constant 4 : i32
        %eq3A_1881 = arith.constant 0 : i32
        %eq3A_1882 = arith.cmpi eq, %jit3A_1880, %eq3A_1881 : i32
        %jit3A_1883 = arith.constant 1 : i32
        %select_n3A_1884 = arith.select %eq3A_1882, %jit3A_1883, %jit3A_1880 : i32
        %rem3A_1885 = arith.remsi %add3A_1853, %select_n3A_1884 : i32
        %ne3A_1886 = arith.constant 0 : i32
        %ne3A_1887 = arith.cmpi ne, %rem3A_1885, %ne3A_1886 : i32
        %lt3A_1888 = arith.constant 0 : i32
        %lt3A_1889 = arith.cmpi slt, %rem3A_1885, %lt3A_1888 : i32
        %lt3A_1890 = arith.constant 0 : i32
        %lt3A_1891 = arith.cmpi slt, %select_n3A_1884, %lt3A_1890 : i32
        %ne3A_1892 = arith.xori %lt3A_1889, %lt3A_1891 : i1
        %and3A_1893 = arith.andi %ne3A_1892, %ne3A_1887 : i1
        %add3A_1894 = arith.addi %rem3A_1885, %select_n3A_1884 : i32
        %select_n3A_1895 = arith.select %and3A_1893, %add3A_1894, %rem3A_1885 : i32
        %mul3A_1896 = arith.constant 32 : i32
        %mul3A_1897 = arith.muli %select_n3A_1895, %mul3A_1896 : i32
        %dma_wait3A_1898 = tpu.memref_slice %arg7[%select_n3A_1879, %mul3A_1897] : memref<128x128xf32, #tpu.memory_space<vmem>> -> memref<1x32xf32, #tpu.memory_space<vmem>>
        %dma_wait3A_1899 = tpu.memref_squeeze %dma_wait3A_1898 : memref<1x32xf32, #tpu.memory_space<vmem>> -> memref<32xf32, #tpu.memory_space<vmem>>
        %dma_wait3A_1900 = arith.constant 0 : i32
        %dma_wait3A_1901 = tpu.memref_slice %arg3[%get3A_1855, %dma_wait3A_1900] : memref<1000000x32xf32, #tpu.memory_space<hbm>> -> memref<1x32xf32, #tpu.memory_space<hbm>>
        %dma_wait3A_1902 = tpu.memref_squeeze %dma_wait3A_1901 : memref<1x32xf32, #tpu.memory_space<hbm>> -> memref<32xf32, #tpu.memory_space<hbm>>
        %dma_wait3A_1903 = tpu.memref_slice %arg7[%select_n3A_1879, %mul3A_1897] : memref<128x128xf32, #tpu.memory_space<vmem>> -> memref<1x32xf32, #tpu.memory_space<vmem>>
        %dma_wait3A_1904 = tpu.memref_squeeze %dma_wait3A_1903 : memref<1x32xf32, #tpu.memory_space<vmem>> -> memref<32xf32, #tpu.memory_space<vmem>>
        %dma_wait3A_1905 = arith.constant 0 : i32
        %dma_wait3A_1906 = tpu.memref_slice %arg3[%get3A_1855, %dma_wait3A_1905] : memref<1000000x32xf32, #tpu.memory_space<hbm>> -> memref<1x32xf32, #tpu.memory_space<hbm>>
        %dma_wait3A_1907 = tpu.memref_squeeze %dma_wait3A_1906 : memref<1x32xf32, #tpu.memory_space<hbm>> -> memref<32xf32, #tpu.memory_space<hbm>>
        tpu.wait_dma2 semaphore(%arg8 : memref<!tpu.dma_semaphore, #tpu.memory_space<semaphore_mem>>) src(%dma_wait3A_1907 : memref<32xf32, #tpu.memory_space<hbm>>) dst(%dma_wait3A_1904 : memref<32xf32, #tpu.memory_space<vmem>>)
        %sub3A_1908 = arith.constant 8 : i32
        %sub3A_1909 = arith.subi %scan3A_1032, %sub3A_1908 : i32
        %mul3A_1910 = arith.constant 8 : i32
        %mul3A_1911 = arith.muli %sub3A_1909, %mul3A_1910 : i32
        %add3A_1912 = arith.constant 7 : i32
        %add3A_1913 = arith.addi %mul3A_1911, %add3A_1912 : i32
        %get3A_1914 = arith.index_cast %add3A_1913 : i32 to index
        %get3A_1915 = memref.load %arg6[%get3A_1914] : memref<512xi32, #tpu.memory_space<smem>>
        %jit3A_1916 = arith.constant 4 : i32
        %div3A_1917 = arith.divsi %add3A_1913, %jit3A_1916 : i32
        %sign3A_1918 = arith.constant 0 : i32
        %sign3A_1919 = arith.cmpi sgt, %add3A_1913, %sign3A_1918 : i32
        %sign3A_1920 = arith.extui %sign3A_1919 : i1 to i32
        %sign3A_1921 = arith.constant 0 : i32
        %sign3A_1922 = arith.cmpi slt, %add3A_1913, %sign3A_1921 : i32
        %sign3A_1923 = arith.extui %sign3A_1922 : i1 to i32
        %sign3A_1924 = arith.subi %sign3A_1920, %sign3A_1923 : i32
        %sign3A_1925 = arith.constant 0 : i32
        %sign3A_1926 = arith.cmpi sgt, %jit3A_1916, %sign3A_1925 : i32
        %sign3A_1927 = arith.extui %sign3A_1926 : i1 to i32
        %sign3A_1928 = arith.constant 0 : i32
        %sign3A_1929 = arith.cmpi slt, %jit3A_1916, %sign3A_1928 : i32
        %sign3A_1930 = arith.extui %sign3A_1929 : i1 to i32
        %sign3A_1931 = arith.subi %sign3A_1927, %sign3A_1930 : i32
        %ne3A_1932 = arith.cmpi ne, %sign3A_1924, %sign3A_1931 : i32
        %rem3A_1933 = arith.remsi %add3A_1913, %jit3A_1916 : i32
        %ne3A_1934 = arith.constant 0 : i32
        %ne3A_1935 = arith.cmpi ne, %rem3A_1933, %ne3A_1934 : i32
        %and3A_1936 = arith.andi %ne3A_1932, %ne3A_1935 : i1
        %sub3A_1937 = arith.constant 1 : i32
        %sub3A_1938 = arith.subi %div3A_1917, %sub3A_1937 : i32
        %select_n3A_1939 = arith.select %and3A_1936, %sub3A_1938, %div3A_1917 : i32
        %jit3A_1940 = arith.constant 4 : i32
        %eq3A_1941 = arith.constant 0 : i32
        %eq3A_1942 = arith.cmpi eq, %jit3A_1940, %eq3A_1941 : i32
        %jit3A_1943 = arith.constant 1 : i32
        %select_n3A_1944 = arith.select %eq3A_1942, %jit3A_1943, %jit3A_1940 : i32
        %rem3A_1945 = arith.remsi %add3A_1913, %select_n3A_1944 : i32
        %ne3A_1946 = arith.constant 0 : i32
        %ne3A_1947 = arith.cmpi ne, %rem3A_1945, %ne3A_1946 : i32
        %lt3A_1948 = arith.constant 0 : i32
        %lt3A_1949 = arith.cmpi slt, %rem3A_1945, %lt3A_1948 : i32
        %lt3A_1950 = arith.constant 0 : i32
        %lt3A_1951 = arith.cmpi slt, %select_n3A_1944, %lt3A_1950 : i32
        %ne3A_1952 = arith.xori %lt3A_1949, %lt3A_1951 : i1
        %and3A_1953 = arith.andi %ne3A_1952, %ne3A_1947 : i1
        %add3A_1954 = arith.addi %rem3A_1945, %select_n3A_1944 : i32
        %select_n3A_1955 = arith.select %and3A_1953, %add3A_1954, %rem3A_1945 : i32
        %mul3A_1956 = arith.constant 32 : i32
        %mul3A_1957 = arith.muli %select_n3A_1955, %mul3A_1956 : i32
        %dma_wait3A_1958 = tpu.memref_slice %arg7[%select_n3A_1939, %mul3A_1957] : memref<128x128xf32, #tpu.memory_space<vmem>> -> memref<1x32xf32, #tpu.memory_space<vmem>>
        %dma_wait3A_1959 = tpu.memref_squeeze %dma_wait3A_1958 : memref<1x32xf32, #tpu.memory_space<vmem>> -> memref<32xf32, #tpu.memory_space<vmem>>
        %dma_wait3A_1960 = arith.constant 0 : i32
        %dma_wait3A_1961 = tpu.memref_slice %arg3[%get3A_1915, %dma_wait3A_1960] : memref<1000000x32xf32, #tpu.memory_space<hbm>> -> memref<1x32xf32, #tpu.memory_space<hbm>>
        %dma_wait3A_1962 = tpu.memref_squeeze %dma_wait3A_1961 : memref<1x32xf32, #tpu.memory_space<hbm>> -> memref<32xf32, #tpu.memory_space<hbm>>
        %dma_wait3A_1963 = tpu.memref_slice %arg7[%select_n3A_1939, %mul3A_1957] : memref<128x128xf32, #tpu.memory_space<vmem>> -> memref<1x32xf32, #tpu.memory_space<vmem>>
        %dma_wait3A_1964 = tpu.memref_squeeze %dma_wait3A_1963 : memref<1x32xf32, #tpu.memory_space<vmem>> -> memref<32xf32, #tpu.memory_space<vmem>>
        %dma_wait3A_1965 = arith.constant 0 : i32
        %dma_wait3A_1966 = tpu.memref_slice %arg3[%get3A_1915, %dma_wait3A_1965] : memref<1000000x32xf32, #tpu.memory_space<hbm>> -> memref<1x32xf32, #tpu.memory_space<hbm>>
        %dma_wait3A_1967 = tpu.memref_squeeze %dma_wait3A_1966 : memref<1x32xf32, #tpu.memory_space<hbm>> -> memref<32xf32, #tpu.memory_space<hbm>>
        tpu.wait_dma2 semaphore(%arg8 : memref<!tpu.dma_semaphore, #tpu.memory_space<semaphore_mem>>) src(%dma_wait3A_1967 : memref<32xf32, #tpu.memory_space<hbm>>) dst(%dma_wait3A_1964 : memref<32xf32, #tpu.memory_space<vmem>>)
      } else {
      }
    }
    %scan3A_9 = arith.constant 64 : i32
    %get3A = arith.constant 448 : i32
    %get3A_10 = arith.index_cast %get3A : i32 to index
    %get3A_11 = memref.load %arg6[%get3A_10] : memref<512xi32, #tpu.memory_space<smem>>
    %dma_wait3A = arith.constant 112 : i32
    %dma_wait3A_12 = arith.constant 0 : i32
    %dma_wait3A_13 = tpu.memref_slice %arg7[%dma_wait3A, %dma_wait3A_12] : memref<128x128xf32, #tpu.memory_space<vmem>> -> memref<1x32xf32, #tpu.memory_space<vmem>>
    %dma_wait3A_14 = tpu.memref_squeeze %dma_wait3A_13 : memref<1x32xf32, #tpu.memory_space<vmem>> -> memref<32xf32, #tpu.memory_space<vmem>>
    %dma_wait3A_15 = arith.constant 0 : i32
    %dma_wait3A_16 = tpu.memref_slice %arg3[%get3A_11, %dma_wait3A_15] : memref<1000000x32xf32, #tpu.memory_space<hbm>> -> memref<1x32xf32, #tpu.memory_space<hbm>>
    %dma_wait3A_17 = tpu.memref_squeeze %dma_wait3A_16 : memref<1x32xf32, #tpu.memory_space<hbm>> -> memref<32xf32, #tpu.memory_space<hbm>>
    %dma_wait3A_18 = arith.constant 0 : i32
    %dma_wait3A_19 = tpu.memref_slice %arg7[%dma_wait3A, %dma_wait3A_18] : memref<128x128xf32, #tpu.memory_space<vmem>> -> memref<1x32xf32, #tpu.memory_space<vmem>>
    %dma_wait3A_20 = tpu.memref_squeeze %dma_wait3A_19 : memref<1x32xf32, #tpu.memory_space<vmem>> -> memref<32xf32, #tpu.memory_space<vmem>>
    %dma_wait3A_21 = arith.constant 0 : i32
    %dma_wait3A_22 = tpu.memref_slice %arg3[%get3A_11, %dma_wait3A_21] : memref<1000000x32xf32, #tpu.memory_space<hbm>> -> memref<1x32xf32, #tpu.memory_space<hbm>>
    %dma_wait3A_23 = tpu.memref_squeeze %dma_wait3A_22 : memref<1x32xf32, #tpu.memory_space<hbm>> -> memref<32xf32, #tpu.memory_space<hbm>>
    tpu.wait_dma2 semaphore(%arg8 : memref<!tpu.dma_semaphore, #tpu.memory_space<semaphore_mem>>) src(%dma_wait3A_23 : memref<32xf32, #tpu.memory_space<hbm>>) dst(%dma_wait3A_20 : memref<32xf32, #tpu.memory_space<vmem>>)
    %get3A_24 = arith.constant 449 : i32
    %get3A_25 = arith.index_cast %get3A_24 : i32 to index
    %get3A_26 = memref.load %arg6[%get3A_25] : memref<512xi32, #tpu.memory_space<smem>>
    %dma_wait3A_27 = arith.constant 112 : i32
    %dma_wait3A_28 = arith.constant 32 : i32
    %dma_wait3A_29 = tpu.memref_slice %arg7[%dma_wait3A_27, %dma_wait3A_28] : memref<128x128xf32, #tpu.memory_space<vmem>> -> memref<1x32xf32, #tpu.memory_space<vmem>>
    %dma_wait3A_30 = tpu.memref_squeeze %dma_wait3A_29 : memref<1x32xf32, #tpu.memory_space<vmem>> -> memref<32xf32, #tpu.memory_space<vmem>>
    %dma_wait3A_31 = arith.constant 0 : i32
    %dma_wait3A_32 = tpu.memref_slice %arg3[%get3A_26, %dma_wait3A_31] : memref<1000000x32xf32, #tpu.memory_space<hbm>> -> memref<1x32xf32, #tpu.memory_space<hbm>>
    %dma_wait3A_33 = tpu.memref_squeeze %dma_wait3A_32 : memref<1x32xf32, #tpu.memory_space<hbm>> -> memref<32xf32, #tpu.memory_space<hbm>>
    %dma_wait3A_34 = arith.constant 32 : i32
    %dma_wait3A_35 = tpu.memref_slice %arg7[%dma_wait3A_27, %dma_wait3A_34] : memref<128x128xf32, #tpu.memory_space<vmem>> -> memref<1x32xf32, #tpu.memory_space<vmem>>
    %dma_wait3A_36 = tpu.memref_squeeze %dma_wait3A_35 : memref<1x32xf32, #tpu.memory_space<vmem>> -> memref<32xf32, #tpu.memory_space<vmem>>
    %dma_wait3A_37 = arith.constant 0 : i32
    %dma_wait3A_38 = tpu.memref_slice %arg3[%get3A_26, %dma_wait3A_37] : memref<1000000x32xf32, #tpu.memory_space<hbm>> -> memref<1x32xf32, #tpu.memory_space<hbm>>
    %dma_wait3A_39 = tpu.memref_squeeze %dma_wait3A_38 : memref<1x32xf32, #tpu.memory_space<hbm>> -> memref<32xf32, #tpu.memory_space<hbm>>
    tpu.wait_dma2 semaphore(%arg8 : memref<!tpu.dma_semaphore, #tpu.memory_space<semaphore_mem>>) src(%dma_wait3A_39 : memref<32xf32, #tpu.memory_space<hbm>>) dst(%dma_wait3A_36 : memref<32xf32, #tpu.memory_space<vmem>>)
    %get3A_40 = arith.constant 450 : i32
    %get3A_41 = arith.index_cast %get3A_40 : i32 to index
    %get3A_42 = memref.load %arg6[%get3A_41] : memref<512xi32, #tpu.memory_space<smem>>
    %dma_wait3A_43 = arith.constant 112 : i32
    %dma_wait3A_44 = arith.constant 64 : i32
    %dma_wait3A_45 = tpu.memref_slice %arg7[%dma_wait3A_43, %dma_wait3A_44] : memref<128x128xf32, #tpu.memory_space<vmem>> -> memref<1x32xf32, #tpu.memory_space<vmem>>
    %dma_wait3A_46 = tpu.memref_squeeze %dma_wait3A_45 : memref<1x32xf32, #tpu.memory_space<vmem>> -> memref<32xf32, #tpu.memory_space<vmem>>
    %dma_wait3A_47 = arith.constant 0 : i32
    %dma_wait3A_48 = tpu.memref_slice %arg3[%get3A_42, %dma_wait3A_47] : memref<1000000x32xf32, #tpu.memory_space<hbm>> -> memref<1x32xf32, #tpu.memory_space<hbm>>
    %dma_wait3A_49 = tpu.memref_squeeze %dma_wait3A_48 : memref<1x32xf32, #tpu.memory_space<hbm>> -> memref<32xf32, #tpu.memory_space<hbm>>
    %dma_wait3A_50 = arith.constant 64 : i32
    %dma_wait3A_51 = tpu.memref_slice %arg7[%dma_wait3A_43, %dma_wait3A_50] : memref<128x128xf32, #tpu.memory_space<vmem>> -> memref<1x32xf32, #tpu.memory_space<vmem>>
    %dma_wait3A_52 = tpu.memref_squeeze %dma_wait3A_51 : memref<1x32xf32, #tpu.memory_space<vmem>> -> memref<32xf32, #tpu.memory_space<vmem>>
    %dma_wait3A_53 = arith.constant 0 : i32
    %dma_wait3A_54 = tpu.memref_slice %arg3[%get3A_42, %dma_wait3A_53] : memref<1000000x32xf32, #tpu.memory_space<hbm>> -> memref<1x32xf32, #tpu.memory_space<hbm>>
    %dma_wait3A_55 = tpu.memref_squeeze %dma_wait3A_54 : memref<1x32xf32, #tpu.memory_space<hbm>> -> memref<32xf32, #tpu.memory_space<hbm>>
    tpu.wait_dma2 semaphore(%arg8 : memref<!tpu.dma_semaphore, #tpu.memory_space<semaphore_mem>>) src(%dma_wait3A_55 : memref<32xf32, #tpu.memory_space<hbm>>) dst(%dma_wait3A_52 : memref<32xf32, #tpu.memory_space<vmem>>)
    %get3A_56 = arith.constant 451 : i32
    %get3A_57 = arith.index_cast %get3A_56 : i32 to index
    %get3A_58 = memref.load %arg6[%get3A_57] : memref<512xi32, #tpu.memory_space<smem>>
    %dma_wait3A_59 = arith.constant 112 : i32
    %dma_wait3A_60 = arith.constant 96 : i32
    %dma_wait3A_61 = tpu.memref_slice %arg7[%dma_wait3A_59, %dma_wait3A_60] : memref<128x128xf32, #tpu.memory_space<vmem>> -> memref<1x32xf32, #tpu.memory_space<vmem>>
    %dma_wait3A_62 = tpu.memref_squeeze %dma_wait3A_61 : memref<1x32xf32, #tpu.memory_space<vmem>> -> memref<32xf32, #tpu.memory_space<vmem>>
    %dma_wait3A_63 = arith.constant 0 : i32
    %dma_wait3A_64 = tpu.memref_slice %arg3[%get3A_58, %dma_wait3A_63] : memref<1000000x32xf32, #tpu.memory_space<hbm>> -> memref<1x32xf32, #tpu.memory_space<hbm>>
    %dma_wait3A_65 = tpu.memref_squeeze %dma_wait3A_64 : memref<1x32xf32, #tpu.memory_space<hbm>> -> memref<32xf32, #tpu.memory_space<hbm>>
    %dma_wait3A_66 = arith.constant 96 : i32
    %dma_wait3A_67 = tpu.memref_slice %arg7[%dma_wait3A_59, %dma_wait3A_66] : memref<128x128xf32, #tpu.memory_space<vmem>> -> memref<1x32xf32, #tpu.memory_space<vmem>>
    %dma_wait3A_68 = tpu.memref_squeeze %dma_wait3A_67 : memref<1x32xf32, #tpu.memory_space<vmem>> -> memref<32xf32, #tpu.memory_space<vmem>>
    %dma_wait3A_69 = arith.constant 0 : i32
    %dma_wait3A_70 = tpu.memref_slice %arg3[%get3A_58, %dma_wait3A_69] : memref<1000000x32xf32, #tpu.memory_space<hbm>> -> memref<1x32xf32, #tpu.memory_space<hbm>>
    %dma_wait3A_71 = tpu.memref_squeeze %dma_wait3A_70 : memref<1x32xf32, #tpu.memory_space<hbm>> -> memref<32xf32, #tpu.memory_space<hbm>>
    tpu.wait_dma2 semaphore(%arg8 : memref<!tpu.dma_semaphore, #tpu.memory_space<semaphore_mem>>) src(%dma_wait3A_71 : memref<32xf32, #tpu.memory_space<hbm>>) dst(%dma_wait3A_68 : memref<32xf32, #tpu.memory_space<vmem>>)
    %get3A_72 = arith.constant 452 : i32
    %get3A_73 = arith.index_cast %get3A_72 : i32 to index
    %get3A_74 = memref.load %arg6[%get3A_73] : memref<512xi32, #tpu.memory_space<smem>>
    %dma_wait3A_75 = arith.constant 113 : i32
    %dma_wait3A_76 = arith.constant 0 : i32
    %dma_wait3A_77 = tpu.memref_slice %arg7[%dma_wait3A_75, %dma_wait3A_76] : memref<128x128xf32, #tpu.memory_space<vmem>> -> memref<1x32xf32, #tpu.memory_space<vmem>>
    %dma_wait3A_78 = tpu.memref_squeeze %dma_wait3A_77 : memref<1x32xf32, #tpu.memory_space<vmem>> -> memref<32xf32, #tpu.memory_space<vmem>>
    %dma_wait3A_79 = arith.constant 0 : i32
    %dma_wait3A_80 = tpu.memref_slice %arg3[%get3A_74, %dma_wait3A_79] : memref<1000000x32xf32, #tpu.memory_space<hbm>> -> memref<1x32xf32, #tpu.memory_space<hbm>>
    %dma_wait3A_81 = tpu.memref_squeeze %dma_wait3A_80 : memref<1x32xf32, #tpu.memory_space<hbm>> -> memref<32xf32, #tpu.memory_space<hbm>>
    %dma_wait3A_82 = arith.constant 0 : i32
    %dma_wait3A_83 = tpu.memref_slice %arg7[%dma_wait3A_75, %dma_wait3A_82] : memref<128x128xf32, #tpu.memory_space<vmem>> -> memref<1x32xf32, #tpu.memory_space<vmem>>
    %dma_wait3A_84 = tpu.memref_squeeze %dma_wait3A_83 : memref<1x32xf32, #tpu.memory_space<vmem>> -> memref<32xf32, #tpu.memory_space<vmem>>
    %dma_wait3A_85 = arith.constant 0 : i32
    %dma_wait3A_86 = tpu.memref_slice %arg3[%get3A_74, %dma_wait3A_85] : memref<1000000x32xf32, #tpu.memory_space<hbm>> -> memref<1x32xf32, #tpu.memory_space<hbm>>
    %dma_wait3A_87 = tpu.memref_squeeze %dma_wait3A_86 : memref<1x32xf32, #tpu.memory_space<hbm>> -> memref<32xf32, #tpu.memory_space<hbm>>
    tpu.wait_dma2 semaphore(%arg8 : memref<!tpu.dma_semaphore, #tpu.memory_space<semaphore_mem>>) src(%dma_wait3A_87 : memref<32xf32, #tpu.memory_space<hbm>>) dst(%dma_wait3A_84 : memref<32xf32, #tpu.memory_space<vmem>>)
    %get3A_88 = arith.constant 453 : i32
    %get3A_89 = arith.index_cast %get3A_88 : i32 to index
    %get3A_90 = memref.load %arg6[%get3A_89] : memref<512xi32, #tpu.memory_space<smem>>
    %dma_wait3A_91 = arith.constant 113 : i32
    %dma_wait3A_92 = arith.constant 32 : i32
    %dma_wait3A_93 = tpu.memref_slice %arg7[%dma_wait3A_91, %dma_wait3A_92] : memref<128x128xf32, #tpu.memory_space<vmem>> -> memref<1x32xf32, #tpu.memory_space<vmem>>
    %dma_wait3A_94 = tpu.memref_squeeze %dma_wait3A_93 : memref<1x32xf32, #tpu.memory_space<vmem>> -> memref<32xf32, #tpu.memory_space<vmem>>
    %dma_wait3A_95 = arith.constant 0 : i32
    %dma_wait3A_96 = tpu.memref_slice %arg3[%get3A_90, %dma_wait3A_95] : memref<1000000x32xf32, #tpu.memory_space<hbm>> -> memref<1x32xf32, #tpu.memory_space<hbm>>
    %dma_wait3A_97 = tpu.memref_squeeze %dma_wait3A_96 : memref<1x32xf32, #tpu.memory_space<hbm>> -> memref<32xf32, #tpu.memory_space<hbm>>
    %dma_wait3A_98 = arith.constant 32 : i32
    %dma_wait3A_99 = tpu.memref_slice %arg7[%dma_wait3A_91, %dma_wait3A_98] : memref<128x128xf32, #tpu.memory_space<vmem>> -> memref<1x32xf32, #tpu.memory_space<vmem>>
    %dma_wait3A_100 = tpu.memref_squeeze %dma_wait3A_99 : memref<1x32xf32, #tpu.memory_space<vmem>> -> memref<32xf32, #tpu.memory_space<vmem>>
    %dma_wait3A_101 = arith.constant 0 : i32
    %dma_wait3A_102 = tpu.memref_slice %arg3[%get3A_90, %dma_wait3A_101] : memref<1000000x32xf32, #tpu.memory_space<hbm>> -> memref<1x32xf32, #tpu.memory_space<hbm>>
    %dma_wait3A_103 = tpu.memref_squeeze %dma_wait3A_102 : memref<1x32xf32, #tpu.memory_space<hbm>> -> memref<32xf32, #tpu.memory_space<hbm>>
    tpu.wait_dma2 semaphore(%arg8 : memref<!tpu.dma_semaphore, #tpu.memory_space<semaphore_mem>>) src(%dma_wait3A_103 : memref<32xf32, #tpu.memory_space<hbm>>) dst(%dma_wait3A_100 : memref<32xf32, #tpu.memory_space<vmem>>)
    %get3A_104 = arith.constant 454 : i32
    %get3A_105 = arith.index_cast %get3A_104 : i32 to index
    %get3A_106 = memref.load %arg6[%get3A_105] : memref<512xi32, #tpu.memory_space<smem>>
    %dma_wait3A_107 = arith.constant 113 : i32
    %dma_wait3A_108 = arith.constant 64 : i32
    %dma_wait3A_109 = tpu.memref_slice %arg7[%dma_wait3A_107, %dma_wait3A_108] : memref<128x128xf32, #tpu.memory_space<vmem>> -> memref<1x32xf32, #tpu.memory_space<vmem>>
    %dma_wait3A_110 = tpu.memref_squeeze %dma_wait3A_109 : memref<1x32xf32, #tpu.memory_space<vmem>> -> memref<32xf32, #tpu.memory_space<vmem>>
    %dma_wait3A_111 = arith.constant 0 : i32
    %dma_wait3A_112 = tpu.memref_slice %arg3[%get3A_106, %dma_wait3A_111] : memref<1000000x32xf32, #tpu.memory_space<hbm>> -> memref<1x32xf32, #tpu.memory_space<hbm>>
    %dma_wait3A_113 = tpu.memref_squeeze %dma_wait3A_112 : memref<1x32xf32, #tpu.memory_space<hbm>> -> memref<32xf32, #tpu.memory_space<hbm>>
    %dma_wait3A_114 = arith.constant 64 : i32
    %dma_wait3A_115 = tpu.memref_slice %arg7[%dma_wait3A_107, %dma_wait3A_114] : memref<128x128xf32, #tpu.memory_space<vmem>> -> memref<1x32xf32, #tpu.memory_space<vmem>>
    %dma_wait3A_116 = tpu.memref_squeeze %dma_wait3A_115 : memref<1x32xf32, #tpu.memory_space<vmem>> -> memref<32xf32, #tpu.memory_space<vmem>>
    %dma_wait3A_117 = arith.constant 0 : i32
    %dma_wait3A_118 = tpu.memref_slice %arg3[%get3A_106, %dma_wait3A_117] : memref<1000000x32xf32, #tpu.memory_space<hbm>> -> memref<1x32xf32, #tpu.memory_space<hbm>>
    %dma_wait3A_119 = tpu.memref_squeeze %dma_wait3A_118 : memref<1x32xf32, #tpu.memory_space<hbm>> -> memref<32xf32, #tpu.memory_space<hbm>>
    tpu.wait_dma2 semaphore(%arg8 : memref<!tpu.dma_semaphore, #tpu.memory_space<semaphore_mem>>) src(%dma_wait3A_119 : memref<32xf32, #tpu.memory_space<hbm>>) dst(%dma_wait3A_116 : memref<32xf32, #tpu.memory_space<vmem>>)
    %get3A_120 = arith.constant 455 : i32
    %get3A_121 = arith.index_cast %get3A_120 : i32 to index
    %get3A_122 = memref.load %arg6[%get3A_121] : memref<512xi32, #tpu.memory_space<smem>>
    %dma_wait3A_123 = arith.constant 113 : i32
    %dma_wait3A_124 = arith.constant 96 : i32
    %dma_wait3A_125 = tpu.memref_slice %arg7[%dma_wait3A_123, %dma_wait3A_124] : memref<128x128xf32, #tpu.memory_space<vmem>> -> memref<1x32xf32, #tpu.memory_space<vmem>>
    %dma_wait3A_126 = tpu.memref_squeeze %dma_wait3A_125 : memref<1x32xf32, #tpu.memory_space<vmem>> -> memref<32xf32, #tpu.memory_space<vmem>>
    %dma_wait3A_127 = arith.constant 0 : i32
    %dma_wait3A_128 = tpu.memref_slice %arg3[%get3A_122, %dma_wait3A_127] : memref<1000000x32xf32, #tpu.memory_space<hbm>> -> memref<1x32xf32, #tpu.memory_space<hbm>>
    %dma_wait3A_129 = tpu.memref_squeeze %dma_wait3A_128 : memref<1x32xf32, #tpu.memory_space<hbm>> -> memref<32xf32, #tpu.memory_space<hbm>>
    %dma_wait3A_130 = arith.constant 96 : i32
    %dma_wait3A_131 = tpu.memref_slice %arg7[%dma_wait3A_123, %dma_wait3A_130] : memref<128x128xf32, #tpu.memory_space<vmem>> -> memref<1x32xf32, #tpu.memory_space<vmem>>
    %dma_wait3A_132 = tpu.memref_squeeze %dma_wait3A_131 : memref<1x32xf32, #tpu.memory_space<vmem>> -> memref<32xf32, #tpu.memory_space<vmem>>
    %dma_wait3A_133 = arith.constant 0 : i32
    %dma_wait3A_134 = tpu.memref_slice %arg3[%get3A_122, %dma_wait3A_133] : memref<1000000x32xf32, #tpu.memory_space<hbm>> -> memref<1x32xf32, #tpu.memory_space<hbm>>
    %dma_wait3A_135 = tpu.memref_squeeze %dma_wait3A_134 : memref<1x32xf32, #tpu.memory_space<hbm>> -> memref<32xf32, #tpu.memory_space<hbm>>
    tpu.wait_dma2 semaphore(%arg8 : memref<!tpu.dma_semaphore, #tpu.memory_space<semaphore_mem>>) src(%dma_wait3A_135 : memref<32xf32, #tpu.memory_space<hbm>>) dst(%dma_wait3A_132 : memref<32xf32, #tpu.memory_space<vmem>>)
    %get3A_136 = arith.constant 456 : i32
    %get3A_137 = arith.index_cast %get3A_136 : i32 to index
    %get3A_138 = memref.load %arg6[%get3A_137] : memref<512xi32, #tpu.memory_space<smem>>
    %dma_wait3A_139 = arith.constant 114 : i32
    %dma_wait3A_140 = arith.constant 0 : i32
    %dma_wait3A_141 = tpu.memref_slice %arg7[%dma_wait3A_139, %dma_wait3A_140] : memref<128x128xf32, #tpu.memory_space<vmem>> -> memref<1x32xf32, #tpu.memory_space<vmem>>
    %dma_wait3A_142 = tpu.memref_squeeze %dma_wait3A_141 : memref<1x32xf32, #tpu.memory_space<vmem>> -> memref<32xf32, #tpu.memory_space<vmem>>
    %dma_wait3A_143 = arith.constant 0 : i32
    %dma_wait3A_144 = tpu.memref_slice %arg3[%get3A_138, %dma_wait3A_143] : memref<1000000x32xf32, #tpu.memory_space<hbm>> -> memref<1x32xf32, #tpu.memory_space<hbm>>
    %dma_wait3A_145 = tpu.memref_squeeze %dma_wait3A_144 : memref<1x32xf32, #tpu.memory_space<hbm>> -> memref<32xf32, #tpu.memory_space<hbm>>
    %dma_wait3A_146 = arith.constant 0 : i32
    %dma_wait3A_147 = tpu.memref_slice %arg7[%dma_wait3A_139, %dma_wait3A_146] : memref<128x128xf32, #tpu.memory_space<vmem>> -> memref<1x32xf32, #tpu.memory_space<vmem>>
    %dma_wait3A_148 = tpu.memref_squeeze %dma_wait3A_147 : memref<1x32xf32, #tpu.memory_space<vmem>> -> memref<32xf32, #tpu.memory_space<vmem>>
    %dma_wait3A_149 = arith.constant 0 : i32
    %dma_wait3A_150 = tpu.memref_slice %arg3[%get3A_138, %dma_wait3A_149] : memref<1000000x32xf32, #tpu.memory_space<hbm>> -> memref<1x32xf32, #tpu.memory_space<hbm>>
    %dma_wait3A_151 = tpu.memref_squeeze %dma_wait3A_150 : memref<1x32xf32, #tpu.memory_space<hbm>> -> memref<32xf32, #tpu.memory_space<hbm>>
    tpu.wait_dma2 semaphore(%arg8 : memref<!tpu.dma_semaphore, #tpu.memory_space<semaphore_mem>>) src(%dma_wait3A_151 : memref<32xf32, #tpu.memory_space<hbm>>) dst(%dma_wait3A_148 : memref<32xf32, #tpu.memory_space<vmem>>)
    %get3A_152 = arith.constant 457 : i32
    %get3A_153 = arith.index_cast %get3A_152 : i32 to index
    %get3A_154 = memref.load %arg6[%get3A_153] : memref<512xi32, #tpu.memory_space<smem>>
    %dma_wait3A_155 = arith.constant 114 : i32
    %dma_wait3A_156 = arith.constant 32 : i32
    %dma_wait3A_157 = tpu.memref_slice %arg7[%dma_wait3A_155, %dma_wait3A_156] : memref<128x128xf32, #tpu.memory_space<vmem>> -> memref<1x32xf32, #tpu.memory_space<vmem>>
    %dma_wait3A_158 = tpu.memref_squeeze %dma_wait3A_157 : memref<1x32xf32, #tpu.memory_space<vmem>> -> memref<32xf32, #tpu.memory_space<vmem>>
    %dma_wait3A_159 = arith.constant 0 : i32
    %dma_wait3A_160 = tpu.memref_slice %arg3[%get3A_154, %dma_wait3A_159] : memref<1000000x32xf32, #tpu.memory_space<hbm>> -> memref<1x32xf32, #tpu.memory_space<hbm>>
    %dma_wait3A_161 = tpu.memref_squeeze %dma_wait3A_160 : memref<1x32xf32, #tpu.memory_space<hbm>> -> memref<32xf32, #tpu.memory_space<hbm>>
    %dma_wait3A_162 = arith.constant 32 : i32
    %dma_wait3A_163 = tpu.memref_slice %arg7[%dma_wait3A_155, %dma_wait3A_162] : memref<128x128xf32, #tpu.memory_space<vmem>> -> memref<1x32xf32, #tpu.memory_space<vmem>>
    %dma_wait3A_164 = tpu.memref_squeeze %dma_wait3A_163 : memref<1x32xf32, #tpu.memory_space<vmem>> -> memref<32xf32, #tpu.memory_space<vmem>>
    %dma_wait3A_165 = arith.constant 0 : i32
    %dma_wait3A_166 = tpu.memref_slice %arg3[%get3A_154, %dma_wait3A_165] : memref<1000000x32xf32, #tpu.memory_space<hbm>> -> memref<1x32xf32, #tpu.memory_space<hbm>>
    %dma_wait3A_167 = tpu.memref_squeeze %dma_wait3A_166 : memref<1x32xf32, #tpu.memory_space<hbm>> -> memref<32xf32, #tpu.memory_space<hbm>>
    tpu.wait_dma2 semaphore(%arg8 : memref<!tpu.dma_semaphore, #tpu.memory_space<semaphore_mem>>) src(%dma_wait3A_167 : memref<32xf32, #tpu.memory_space<hbm>>) dst(%dma_wait3A_164 : memref<32xf32, #tpu.memory_space<vmem>>)
    %get3A_168 = arith.constant 458 : i32
    %get3A_169 = arith.index_cast %get3A_168 : i32 to index
    %get3A_170 = memref.load %arg6[%get3A_169] : memref<512xi32, #tpu.memory_space<smem>>
    %dma_wait3A_171 = arith.constant 114 : i32
    %dma_wait3A_172 = arith.constant 64 : i32
    %dma_wait3A_173 = tpu.memref_slice %arg7[%dma_wait3A_171, %dma_wait3A_172] : memref<128x128xf32, #tpu.memory_space<vmem>> -> memref<1x32xf32, #tpu.memory_space<vmem>>
    %dma_wait3A_174 = tpu.memref_squeeze %dma_wait3A_173 : memref<1x32xf32, #tpu.memory_space<vmem>> -> memref<32xf32, #tpu.memory_space<vmem>>
    %dma_wait3A_175 = arith.constant 0 : i32
    %dma_wait3A_176 = tpu.memref_slice %arg3[%get3A_170, %dma_wait3A_175] : memref<1000000x32xf32, #tpu.memory_space<hbm>> -> memref<1x32xf32, #tpu.memory_space<hbm>>
    %dma_wait3A_177 = tpu.memref_squeeze %dma_wait3A_176 : memref<1x32xf32, #tpu.memory_space<hbm>> -> memref<32xf32, #tpu.memory_space<hbm>>
    %dma_wait3A_178 = arith.constant 64 : i32
    %dma_wait3A_179 = tpu.memref_slice %arg7[%dma_wait3A_171, %dma_wait3A_178] : memref<128x128xf32, #tpu.memory_space<vmem>> -> memref<1x32xf32, #tpu.memory_space<vmem>>
    %dma_wait3A_180 = tpu.memref_squeeze %dma_wait3A_179 : memref<1x32xf32, #tpu.memory_space<vmem>> -> memref<32xf32, #tpu.memory_space<vmem>>
    %dma_wait3A_181 = arith.constant 0 : i32
    %dma_wait3A_182 = tpu.memref_slice %arg3[%get3A_170, %dma_wait3A_181] : memref<1000000x32xf32, #tpu.memory_space<hbm>> -> memref<1x32xf32, #tpu.memory_space<hbm>>
    %dma_wait3A_183 = tpu.memref_squeeze %dma_wait3A_182 : memref<1x32xf32, #tpu.memory_space<hbm>> -> memref<32xf32, #tpu.memory_space<hbm>>
    tpu.wait_dma2 semaphore(%arg8 : memref<!tpu.dma_semaphore, #tpu.memory_space<semaphore_mem>>) src(%dma_wait3A_183 : memref<32xf32, #tpu.memory_space<hbm>>) dst(%dma_wait3A_180 : memref<32xf32, #tpu.memory_space<vmem>>)
    %get3A_184 = arith.constant 459 : i32
    %get3A_185 = arith.index_cast %get3A_184 : i32 to index
    %get3A_186 = memref.load %arg6[%get3A_185] : memref<512xi32, #tpu.memory_space<smem>>
    %dma_wait3A_187 = arith.constant 114 : i32
    %dma_wait3A_188 = arith.constant 96 : i32
    %dma_wait3A_189 = tpu.memref_slice %arg7[%dma_wait3A_187, %dma_wait3A_188] : memref<128x128xf32, #tpu.memory_space<vmem>> -> memref<1x32xf32, #tpu.memory_space<vmem>>
    %dma_wait3A_190 = tpu.memref_squeeze %dma_wait3A_189 : memref<1x32xf32, #tpu.memory_space<vmem>> -> memref<32xf32, #tpu.memory_space<vmem>>
    %dma_wait3A_191 = arith.constant 0 : i32
    %dma_wait3A_192 = tpu.memref_slice %arg3[%get3A_186, %dma_wait3A_191] : memref<1000000x32xf32, #tpu.memory_space<hbm>> -> memref<1x32xf32, #tpu.memory_space<hbm>>
    %dma_wait3A_193 = tpu.memref_squeeze %dma_wait3A_192 : memref<1x32xf32, #tpu.memory_space<hbm>> -> memref<32xf32, #tpu.memory_space<hbm>>
    %dma_wait3A_194 = arith.constant 96 : i32
    %dma_wait3A_195 = tpu.memref_slice %arg7[%dma_wait3A_187, %dma_wait3A_194] : memref<128x128xf32, #tpu.memory_space<vmem>> -> memref<1x32xf32, #tpu.memory_space<vmem>>
    %dma_wait3A_196 = tpu.memref_squeeze %dma_wait3A_195 : memref<1x32xf32, #tpu.memory_space<vmem>> -> memref<32xf32, #tpu.memory_space<vmem>>
    %dma_wait3A_197 = arith.constant 0 : i32
    %dma_wait3A_198 = tpu.memref_slice %arg3[%get3A_186, %dma_wait3A_197] : memref<1000000x32xf32, #tpu.memory_space<hbm>> -> memref<1x32xf32, #tpu.memory_space<hbm>>
    %dma_wait3A_199 = tpu.memref_squeeze %dma_wait3A_198 : memref<1x32xf32, #tpu.memory_space<hbm>> -> memref<32xf32, #tpu.memory_space<hbm>>
    tpu.wait_dma2 semaphore(%arg8 : memref<!tpu.dma_semaphore, #tpu.memory_space<semaphore_mem>>) src(%dma_wait3A_199 : memref<32xf32, #tpu.memory_space<hbm>>) dst(%dma_wait3A_196 : memref<32xf32, #tpu.memory_space<vmem>>)
    %get3A_200 = arith.constant 460 : i32
    %get3A_201 = arith.index_cast %get3A_200 : i32 to index
    %get3A_202 = memref.load %arg6[%get3A_201] : memref<512xi32, #tpu.memory_space<smem>>
    %dma_wait3A_203 = arith.constant 115 : i32
    %dma_wait3A_204 = arith.constant 0 : i32
    %dma_wait3A_205 = tpu.memref_slice %arg7[%dma_wait3A_203, %dma_wait3A_204] : memref<128x128xf32, #tpu.memory_space<vmem>> -> memref<1x32xf32, #tpu.memory_space<vmem>>
    %dma_wait3A_206 = tpu.memref_squeeze %dma_wait3A_205 : memref<1x32xf32, #tpu.memory_space<vmem>> -> memref<32xf32, #tpu.memory_space<vmem>>
    %dma_wait3A_207 = arith.constant 0 : i32
    %dma_wait3A_208 = tpu.memref_slice %arg3[%get3A_202, %dma_wait3A_207] : memref<1000000x32xf32, #tpu.memory_space<hbm>> -> memref<1x32xf32, #tpu.memory_space<hbm>>
    %dma_wait3A_209 = tpu.memref_squeeze %dma_wait3A_208 : memref<1x32xf32, #tpu.memory_space<hbm>> -> memref<32xf32, #tpu.memory_space<hbm>>
    %dma_wait3A_210 = arith.constant 0 : i32
    %dma_wait3A_211 = tpu.memref_slice %arg7[%dma_wait3A_203, %dma_wait3A_210] : memref<128x128xf32, #tpu.memory_space<vmem>> -> memref<1x32xf32, #tpu.memory_space<vmem>>
    %dma_wait3A_212 = tpu.memref_squeeze %dma_wait3A_211 : memref<1x32xf32, #tpu.memory_space<vmem>> -> memref<32xf32, #tpu.memory_space<vmem>>
    %dma_wait3A_213 = arith.constant 0 : i32
    %dma_wait3A_214 = tpu.memref_slice %arg3[%get3A_202, %dma_wait3A_213] : memref<1000000x32xf32, #tpu.memory_space<hbm>> -> memref<1x32xf32, #tpu.memory_space<hbm>>
    %dma_wait3A_215 = tpu.memref_squeeze %dma_wait3A_214 : memref<1x32xf32, #tpu.memory_space<hbm>> -> memref<32xf32, #tpu.memory_space<hbm>>
    tpu.wait_dma2 semaphore(%arg8 : memref<!tpu.dma_semaphore, #tpu.memory_space<semaphore_mem>>) src(%dma_wait3A_215 : memref<32xf32, #tpu.memory_space<hbm>>) dst(%dma_wait3A_212 : memref<32xf32, #tpu.memory_space<vmem>>)
    %get3A_216 = arith.constant 461 : i32
    %get3A_217 = arith.index_cast %get3A_216 : i32 to index
    %get3A_218 = memref.load %arg6[%get3A_217] : memref<512xi32, #tpu.memory_space<smem>>
    %dma_wait3A_219 = arith.constant 115 : i32
    %dma_wait3A_220 = arith.constant 32 : i32
    %dma_wait3A_221 = tpu.memref_slice %arg7[%dma_wait3A_219, %dma_wait3A_220] : memref<128x128xf32, #tpu.memory_space<vmem>> -> memref<1x32xf32, #tpu.memory_space<vmem>>
    %dma_wait3A_222 = tpu.memref_squeeze %dma_wait3A_221 : memref<1x32xf32, #tpu.memory_space<vmem>> -> memref<32xf32, #tpu.memory_space<vmem>>
    %dma_wait3A_223 = arith.constant 0 : i32
    %dma_wait3A_224 = tpu.memref_slice %arg3[%get3A_218, %dma_wait3A_223] : memref<1000000x32xf32, #tpu.memory_space<hbm>> -> memref<1x32xf32, #tpu.memory_space<hbm>>
    %dma_wait3A_225 = tpu.memref_squeeze %dma_wait3A_224 : memref<1x32xf32, #tpu.memory_space<hbm>> -> memref<32xf32, #tpu.memory_space<hbm>>
    %dma_wait3A_226 = arith.constant 32 : i32
    %dma_wait3A_227 = tpu.memref_slice %arg7[%dma_wait3A_219, %dma_wait3A_226] : memref<128x128xf32, #tpu.memory_space<vmem>> -> memref<1x32xf32, #tpu.memory_space<vmem>>
    %dma_wait3A_228 = tpu.memref_squeeze %dma_wait3A_227 : memref<1x32xf32, #tpu.memory_space<vmem>> -> memref<32xf32, #tpu.memory_space<vmem>>
    %dma_wait3A_229 = arith.constant 0 : i32
    %dma_wait3A_230 = tpu.memref_slice %arg3[%get3A_218, %dma_wait3A_229] : memref<1000000x32xf32, #tpu.memory_space<hbm>> -> memref<1x32xf32, #tpu.memory_space<hbm>>
    %dma_wait3A_231 = tpu.memref_squeeze %dma_wait3A_230 : memref<1x32xf32, #tpu.memory_space<hbm>> -> memref<32xf32, #tpu.memory_space<hbm>>
    tpu.wait_dma2 semaphore(%arg8 : memref<!tpu.dma_semaphore, #tpu.memory_space<semaphore_mem>>) src(%dma_wait3A_231 : memref<32xf32, #tpu.memory_space<hbm>>) dst(%dma_wait3A_228 : memref<32xf32, #tpu.memory_space<vmem>>)
    %get3A_232 = arith.constant 462 : i32
    %get3A_233 = arith.index_cast %get3A_232 : i32 to index
    %get3A_234 = memref.load %arg6[%get3A_233] : memref<512xi32, #tpu.memory_space<smem>>
    %dma_wait3A_235 = arith.constant 115 : i32
    %dma_wait3A_236 = arith.constant 64 : i32
    %dma_wait3A_237 = tpu.memref_slice %arg7[%dma_wait3A_235, %dma_wait3A_236] : memref<128x128xf32, #tpu.memory_space<vmem>> -> memref<1x32xf32, #tpu.memory_space<vmem>>
    %dma_wait3A_238 = tpu.memref_squeeze %dma_wait3A_237 : memref<1x32xf32, #tpu.memory_space<vmem>> -> memref<32xf32, #tpu.memory_space<vmem>>
    %dma_wait3A_239 = arith.constant 0 : i32
    %dma_wait3A_240 = tpu.memref_slice %arg3[%get3A_234, %dma_wait3A_239] : memref<1000000x32xf32, #tpu.memory_space<hbm>> -> memref<1x32xf32, #tpu.memory_space<hbm>>
    %dma_wait3A_241 = tpu.memref_squeeze %dma_wait3A_240 : memref<1x32xf32, #tpu.memory_space<hbm>> -> memref<32xf32, #tpu.memory_space<hbm>>
    %dma_wait3A_242 = arith.constant 64 : i32
    %dma_wait3A_243 = tpu.memref_slice %arg7[%dma_wait3A_235, %dma_wait3A_242] : memref<128x128xf32, #tpu.memory_space<vmem>> -> memref<1x32xf32, #tpu.memory_space<vmem>>
    %dma_wait3A_244 = tpu.memref_squeeze %dma_wait3A_243 : memref<1x32xf32, #tpu.memory_space<vmem>> -> memref<32xf32, #tpu.memory_space<vmem>>
    %dma_wait3A_245 = arith.constant 0 : i32
    %dma_wait3A_246 = tpu.memref_slice %arg3[%get3A_234, %dma_wait3A_245] : memref<1000000x32xf32, #tpu.memory_space<hbm>> -> memref<1x32xf32, #tpu.memory_space<hbm>>
    %dma_wait3A_247 = tpu.memref_squeeze %dma_wait3A_246 : memref<1x32xf32, #tpu.memory_space<hbm>> -> memref<32xf32, #tpu.memory_space<hbm>>
    tpu.wait_dma2 semaphore(%arg8 : memref<!tpu.dma_semaphore, #tpu.memory_space<semaphore_mem>>) src(%dma_wait3A_247 : memref<32xf32, #tpu.memory_space<hbm>>) dst(%dma_wait3A_244 : memref<32xf32, #tpu.memory_space<vmem>>)
    %get3A_248 = arith.constant 463 : i32
    %get3A_249 = arith.index_cast %get3A_248 : i32 to index
    %get3A_250 = memref.load %arg6[%get3A_249] : memref<512xi32, #tpu.memory_space<smem>>
    %dma_wait3A_251 = arith.constant 115 : i32
    %dma_wait3A_252 = arith.constant 96 : i32
    %dma_wait3A_253 = tpu.memref_slice %arg7[%dma_wait3A_251, %dma_wait3A_252] : memref<128x128xf32, #tpu.memory_space<vmem>> -> memref<1x32xf32, #tpu.memory_space<vmem>>
    %dma_wait3A_254 = tpu.memref_squeeze %dma_wait3A_253 : memref<1x32xf32, #tpu.memory_space<vmem>> -> memref<32xf32, #tpu.memory_space<vmem>>
    %dma_wait3A_255 = arith.constant 0 : i32
    %dma_wait3A_256 = tpu.memref_slice %arg3[%get3A_250, %dma_wait3A_255] : memref<1000000x32xf32, #tpu.memory_space<hbm>> -> memref<1x32xf32, #tpu.memory_space<hbm>>
    %dma_wait3A_257 = tpu.memref_squeeze %dma_wait3A_256 : memref<1x32xf32, #tpu.memory_space<hbm>> -> memref<32xf32, #tpu.memory_space<hbm>>
    %dma_wait3A_258 = arith.constant 96 : i32
    %dma_wait3A_259 = tpu.memref_slice %arg7[%dma_wait3A_251, %dma_wait3A_258] : memref<128x128xf32, #tpu.memory_space<vmem>> -> memref<1x32xf32, #tpu.memory_space<vmem>>
    %dma_wait3A_260 = tpu.memref_squeeze %dma_wait3A_259 : memref<1x32xf32, #tpu.memory_space<vmem>> -> memref<32xf32, #tpu.memory_space<vmem>>
    %dma_wait3A_261 = arith.constant 0 : i32
    %dma_wait3A_262 = tpu.memref_slice %arg3[%get3A_250, %dma_wait3A_261] : memref<1000000x32xf32, #tpu.memory_space<hbm>> -> memref<1x32xf32, #tpu.memory_space<hbm>>
    %dma_wait3A_263 = tpu.memref_squeeze %dma_wait3A_262 : memref<1x32xf32, #tpu.memory_space<hbm>> -> memref<32xf32, #tpu.memory_space<hbm>>
    tpu.wait_dma2 semaphore(%arg8 : memref<!tpu.dma_semaphore, #tpu.memory_space<semaphore_mem>>) src(%dma_wait3A_263 : memref<32xf32, #tpu.memory_space<hbm>>) dst(%dma_wait3A_260 : memref<32xf32, #tpu.memory_space<vmem>>)
    %get3A_264 = arith.constant 464 : i32
    %get3A_265 = arith.index_cast %get3A_264 : i32 to index
    %get3A_266 = memref.load %arg6[%get3A_265] : memref<512xi32, #tpu.memory_space<smem>>
    %dma_wait3A_267 = arith.constant 116 : i32
    %dma_wait3A_268 = arith.constant 0 : i32
    %dma_wait3A_269 = tpu.memref_slice %arg7[%dma_wait3A_267, %dma_wait3A_268] : memref<128x128xf32, #tpu.memory_space<vmem>> -> memref<1x32xf32, #tpu.memory_space<vmem>>
    %dma_wait3A_270 = tpu.memref_squeeze %dma_wait3A_269 : memref<1x32xf32, #tpu.memory_space<vmem>> -> memref<32xf32, #tpu.memory_space<vmem>>
    %dma_wait3A_271 = arith.constant 0 : i32
    %dma_wait3A_272 = tpu.memref_slice %arg3[%get3A_266, %dma_wait3A_271] : memref<1000000x32xf32, #tpu.memory_space<hbm>> -> memref<1x32xf32, #tpu.memory_space<hbm>>
    %dma_wait3A_273 = tpu.memref_squeeze %dma_wait3A_272 : memref<1x32xf32, #tpu.memory_space<hbm>> -> memref<32xf32, #tpu.memory_space<hbm>>
    %dma_wait3A_274 = arith.constant 0 : i32
    %dma_wait3A_275 = tpu.memref_slice %arg7[%dma_wait3A_267, %dma_wait3A_274] : memref<128x128xf32, #tpu.memory_space<vmem>> -> memref<1x32xf32, #tpu.memory_space<vmem>>
    %dma_wait3A_276 = tpu.memref_squeeze %dma_wait3A_275 : memref<1x32xf32, #tpu.memory_space<vmem>> -> memref<32xf32, #tpu.memory_space<vmem>>
    %dma_wait3A_277 = arith.constant 0 : i32
    %dma_wait3A_278 = tpu.memref_slice %arg3[%get3A_266, %dma_wait3A_277] : memref<1000000x32xf32, #tpu.memory_space<hbm>> -> memref<1x32xf32, #tpu.memory_space<hbm>>
    %dma_wait3A_279 = tpu.memref_squeeze %dma_wait3A_278 : memref<1x32xf32, #tpu.memory_space<hbm>> -> memref<32xf32, #tpu.memory_space<hbm>>
    tpu.wait_dma2 semaphore(%arg8 : memref<!tpu.dma_semaphore, #tpu.memory_space<semaphore_mem>>) src(%dma_wait3A_279 : memref<32xf32, #tpu.memory_space<hbm>>) dst(%dma_wait3A_276 : memref<32xf32, #tpu.memory_space<vmem>>)
    %get3A_280 = arith.constant 465 : i32
    %get3A_281 = arith.index_cast %get3A_280 : i32 to index
    %get3A_282 = memref.load %arg6[%get3A_281] : memref<512xi32, #tpu.memory_space<smem>>
    %dma_wait3A_283 = arith.constant 116 : i32
    %dma_wait3A_284 = arith.constant 32 : i32
    %dma_wait3A_285 = tpu.memref_slice %arg7[%dma_wait3A_283, %dma_wait3A_284] : memref<128x128xf32, #tpu.memory_space<vmem>> -> memref<1x32xf32, #tpu.memory_space<vmem>>
    %dma_wait3A_286 = tpu.memref_squeeze %dma_wait3A_285 : memref<1x32xf32, #tpu.memory_space<vmem>> -> memref<32xf32, #tpu.memory_space<vmem>>
    %dma_wait3A_287 = arith.constant 0 : i32
    %dma_wait3A_288 = tpu.memref_slice %arg3[%get3A_282, %dma_wait3A_287] : memref<1000000x32xf32, #tpu.memory_space<hbm>> -> memref<1x32xf32, #tpu.memory_space<hbm>>
    %dma_wait3A_289 = tpu.memref_squeeze %dma_wait3A_288 : memref<1x32xf32, #tpu.memory_space<hbm>> -> memref<32xf32, #tpu.memory_space<hbm>>
    %dma_wait3A_290 = arith.constant 32 : i32
    %dma_wait3A_291 = tpu.memref_slice %arg7[%dma_wait3A_283, %dma_wait3A_290] : memref<128x128xf32, #tpu.memory_space<vmem>> -> memref<1x32xf32, #tpu.memory_space<vmem>>
    %dma_wait3A_292 = tpu.memref_squeeze %dma_wait3A_291 : memref<1x32xf32, #tpu.memory_space<vmem>> -> memref<32xf32, #tpu.memory_space<vmem>>
    %dma_wait3A_293 = arith.constant 0 : i32
    %dma_wait3A_294 = tpu.memref_slice %arg3[%get3A_282, %dma_wait3A_293] : memref<1000000x32xf32, #tpu.memory_space<hbm>> -> memref<1x32xf32, #tpu.memory_space<hbm>>
    %dma_wait3A_295 = tpu.memref_squeeze %dma_wait3A_294 : memref<1x32xf32, #tpu.memory_space<hbm>> -> memref<32xf32, #tpu.memory_space<hbm>>
    tpu.wait_dma2 semaphore(%arg8 : memref<!tpu.dma_semaphore, #tpu.memory_space<semaphore_mem>>) src(%dma_wait3A_295 : memref<32xf32, #tpu.memory_space<hbm>>) dst(%dma_wait3A_292 : memref<32xf32, #tpu.memory_space<vmem>>)
    %get3A_296 = arith.constant 466 : i32
    %get3A_297 = arith.index_cast %get3A_296 : i32 to index
    %get3A_298 = memref.load %arg6[%get3A_297] : memref<512xi32, #tpu.memory_space<smem>>
    %dma_wait3A_299 = arith.constant 116 : i32
    %dma_wait3A_300 = arith.constant 64 : i32
    %dma_wait3A_301 = tpu.memref_slice %arg7[%dma_wait3A_299, %dma_wait3A_300] : memref<128x128xf32, #tpu.memory_space<vmem>> -> memref<1x32xf32, #tpu.memory_space<vmem>>
    %dma_wait3A_302 = tpu.memref_squeeze %dma_wait3A_301 : memref<1x32xf32, #tpu.memory_space<vmem>> -> memref<32xf32, #tpu.memory_space<vmem>>
    %dma_wait3A_303 = arith.constant 0 : i32
    %dma_wait3A_304 = tpu.memref_slice %arg3[%get3A_298, %dma_wait3A_303] : memref<1000000x32xf32, #tpu.memory_space<hbm>> -> memref<1x32xf32, #tpu.memory_space<hbm>>
    %dma_wait3A_305 = tpu.memref_squeeze %dma_wait3A_304 : memref<1x32xf32, #tpu.memory_space<hbm>> -> memref<32xf32, #tpu.memory_space<hbm>>
    %dma_wait3A_306 = arith.constant 64 : i32
    %dma_wait3A_307 = tpu.memref_slice %arg7[%dma_wait3A_299, %dma_wait3A_306] : memref<128x128xf32, #tpu.memory_space<vmem>> -> memref<1x32xf32, #tpu.memory_space<vmem>>
    %dma_wait3A_308 = tpu.memref_squeeze %dma_wait3A_307 : memref<1x32xf32, #tpu.memory_space<vmem>> -> memref<32xf32, #tpu.memory_space<vmem>>
    %dma_wait3A_309 = arith.constant 0 : i32
    %dma_wait3A_310 = tpu.memref_slice %arg3[%get3A_298, %dma_wait3A_309] : memref<1000000x32xf32, #tpu.memory_space<hbm>> -> memref<1x32xf32, #tpu.memory_space<hbm>>
    %dma_wait3A_311 = tpu.memref_squeeze %dma_wait3A_310 : memref<1x32xf32, #tpu.memory_space<hbm>> -> memref<32xf32, #tpu.memory_space<hbm>>
    tpu.wait_dma2 semaphore(%arg8 : memref<!tpu.dma_semaphore, #tpu.memory_space<semaphore_mem>>) src(%dma_wait3A_311 : memref<32xf32, #tpu.memory_space<hbm>>) dst(%dma_wait3A_308 : memref<32xf32, #tpu.memory_space<vmem>>)
    %get3A_312 = arith.constant 467 : i32
    %get3A_313 = arith.index_cast %get3A_312 : i32 to index
    %get3A_314 = memref.load %arg6[%get3A_313] : memref<512xi32, #tpu.memory_space<smem>>
    %dma_wait3A_315 = arith.constant 116 : i32
    %dma_wait3A_316 = arith.constant 96 : i32
    %dma_wait3A_317 = tpu.memref_slice %arg7[%dma_wait3A_315, %dma_wait3A_316] : memref<128x128xf32, #tpu.memory_space<vmem>> -> memref<1x32xf32, #tpu.memory_space<vmem>>
    %dma_wait3A_318 = tpu.memref_squeeze %dma_wait3A_317 : memref<1x32xf32, #tpu.memory_space<vmem>> -> memref<32xf32, #tpu.memory_space<vmem>>
    %dma_wait3A_319 = arith.constant 0 : i32
    %dma_wait3A_320 = tpu.memref_slice %arg3[%get3A_314, %dma_wait3A_319] : memref<1000000x32xf32, #tpu.memory_space<hbm>> -> memref<1x32xf32, #tpu.memory_space<hbm>>
    %dma_wait3A_321 = tpu.memref_squeeze %dma_wait3A_320 : memref<1x32xf32, #tpu.memory_space<hbm>> -> memref<32xf32, #tpu.memory_space<hbm>>
    %dma_wait3A_322 = arith.constant 96 : i32
    %dma_wait3A_323 = tpu.memref_slice %arg7[%dma_wait3A_315, %dma_wait3A_322] : memref<128x128xf32, #tpu.memory_space<vmem>> -> memref<1x32xf32, #tpu.memory_space<vmem>>
    %dma_wait3A_324 = tpu.memref_squeeze %dma_wait3A_323 : memref<1x32xf32, #tpu.memory_space<vmem>> -> memref<32xf32, #tpu.memory_space<vmem>>
    %dma_wait3A_325 = arith.constant 0 : i32
    %dma_wait3A_326 = tpu.memref_slice %arg3[%get3A_314, %dma_wait3A_325] : memref<1000000x32xf32, #tpu.memory_space<hbm>> -> memref<1x32xf32, #tpu.memory_space<hbm>>
    %dma_wait3A_327 = tpu.memref_squeeze %dma_wait3A_326 : memref<1x32xf32, #tpu.memory_space<hbm>> -> memref<32xf32, #tpu.memory_space<hbm>>
    tpu.wait_dma2 semaphore(%arg8 : memref<!tpu.dma_semaphore, #tpu.memory_space<semaphore_mem>>) src(%dma_wait3A_327 : memref<32xf32, #tpu.memory_space<hbm>>) dst(%dma_wait3A_324 : memref<32xf32, #tpu.memory_space<vmem>>)
    %get3A_328 = arith.constant 468 : i32
    %get3A_329 = arith.index_cast %get3A_328 : i32 to index
    %get3A_330 = memref.load %arg6[%get3A_329] : memref<512xi32, #tpu.memory_space<smem>>
    %dma_wait3A_331 = arith.constant 117 : i32
    %dma_wait3A_332 = arith.constant 0 : i32
    %dma_wait3A_333 = tpu.memref_slice %arg7[%dma_wait3A_331, %dma_wait3A_332] : memref<128x128xf32, #tpu.memory_space<vmem>> -> memref<1x32xf32, #tpu.memory_space<vmem>>
    %dma_wait3A_334 = tpu.memref_squeeze %dma_wait3A_333 : memref<1x32xf32, #tpu.memory_space<vmem>> -> memref<32xf32, #tpu.memory_space<vmem>>
    %dma_wait3A_335 = arith.constant 0 : i32
    %dma_wait3A_336 = tpu.memref_slice %arg3[%get3A_330, %dma_wait3A_335] : memref<1000000x32xf32, #tpu.memory_space<hbm>> -> memref<1x32xf32, #tpu.memory_space<hbm>>
    %dma_wait3A_337 = tpu.memref_squeeze %dma_wait3A_336 : memref<1x32xf32, #tpu.memory_space<hbm>> -> memref<32xf32, #tpu.memory_space<hbm>>
    %dma_wait3A_338 = arith.constant 0 : i32
    %dma_wait3A_339 = tpu.memref_slice %arg7[%dma_wait3A_331, %dma_wait3A_338] : memref<128x128xf32, #tpu.memory_space<vmem>> -> memref<1x32xf32, #tpu.memory_space<vmem>>
    %dma_wait3A_340 = tpu.memref_squeeze %dma_wait3A_339 : memref<1x32xf32, #tpu.memory_space<vmem>> -> memref<32xf32, #tpu.memory_space<vmem>>
    %dma_wait3A_341 = arith.constant 0 : i32
    %dma_wait3A_342 = tpu.memref_slice %arg3[%get3A_330, %dma_wait3A_341] : memref<1000000x32xf32, #tpu.memory_space<hbm>> -> memref<1x32xf32, #tpu.memory_space<hbm>>
    %dma_wait3A_343 = tpu.memref_squeeze %dma_wait3A_342 : memref<1x32xf32, #tpu.memory_space<hbm>> -> memref<32xf32, #tpu.memory_space<hbm>>
    tpu.wait_dma2 semaphore(%arg8 : memref<!tpu.dma_semaphore, #tpu.memory_space<semaphore_mem>>) src(%dma_wait3A_343 : memref<32xf32, #tpu.memory_space<hbm>>) dst(%dma_wait3A_340 : memref<32xf32, #tpu.memory_space<vmem>>)
    %get3A_344 = arith.constant 469 : i32
    %get3A_345 = arith.index_cast %get3A_344 : i32 to index
    %get3A_346 = memref.load %arg6[%get3A_345] : memref<512xi32, #tpu.memory_space<smem>>
    %dma_wait3A_347 = arith.constant 117 : i32
    %dma_wait3A_348 = arith.constant 32 : i32
    %dma_wait3A_349 = tpu.memref_slice %arg7[%dma_wait3A_347, %dma_wait3A_348] : memref<128x128xf32, #tpu.memory_space<vmem>> -> memref<1x32xf32, #tpu.memory_space<vmem>>
    %dma_wait3A_350 = tpu.memref_squeeze %dma_wait3A_349 : memref<1x32xf32, #tpu.memory_space<vmem>> -> memref<32xf32, #tpu.memory_space<vmem>>
    %dma_wait3A_351 = arith.constant 0 : i32
    %dma_wait3A_352 = tpu.memref_slice %arg3[%get3A_346, %dma_wait3A_351] : memref<1000000x32xf32, #tpu.memory_space<hbm>> -> memref<1x32xf32, #tpu.memory_space<hbm>>
    %dma_wait3A_353 = tpu.memref_squeeze %dma_wait3A_352 : memref<1x32xf32, #tpu.memory_space<hbm>> -> memref<32xf32, #tpu.memory_space<hbm>>
    %dma_wait3A_354 = arith.constant 32 : i32
    %dma_wait3A_355 = tpu.memref_slice %arg7[%dma_wait3A_347, %dma_wait3A_354] : memref<128x128xf32, #tpu.memory_space<vmem>> -> memref<1x32xf32, #tpu.memory_space<vmem>>
    %dma_wait3A_356 = tpu.memref_squeeze %dma_wait3A_355 : memref<1x32xf32, #tpu.memory_space<vmem>> -> memref<32xf32, #tpu.memory_space<vmem>>
    %dma_wait3A_357 = arith.constant 0 : i32
    %dma_wait3A_358 = tpu.memref_slice %arg3[%get3A_346, %dma_wait3A_357] : memref<1000000x32xf32, #tpu.memory_space<hbm>> -> memref<1x32xf32, #tpu.memory_space<hbm>>
    %dma_wait3A_359 = tpu.memref_squeeze %dma_wait3A_358 : memref<1x32xf32, #tpu.memory_space<hbm>> -> memref<32xf32, #tpu.memory_space<hbm>>
    tpu.wait_dma2 semaphore(%arg8 : memref<!tpu.dma_semaphore, #tpu.memory_space<semaphore_mem>>) src(%dma_wait3A_359 : memref<32xf32, #tpu.memory_space<hbm>>) dst(%dma_wait3A_356 : memref<32xf32, #tpu.memory_space<vmem>>)
    %get3A_360 = arith.constant 470 : i32
    %get3A_361 = arith.index_cast %get3A_360 : i32 to index
    %get3A_362 = memref.load %arg6[%get3A_361] : memref<512xi32, #tpu.memory_space<smem>>
    %dma_wait3A_363 = arith.constant 117 : i32
    %dma_wait3A_364 = arith.constant 64 : i32
    %dma_wait3A_365 = tpu.memref_slice %arg7[%dma_wait3A_363, %dma_wait3A_364] : memref<128x128xf32, #tpu.memory_space<vmem>> -> memref<1x32xf32, #tpu.memory_space<vmem>>
    %dma_wait3A_366 = tpu.memref_squeeze %dma_wait3A_365 : memref<1x32xf32, #tpu.memory_space<vmem>> -> memref<32xf32, #tpu.memory_space<vmem>>
    %dma_wait3A_367 = arith.constant 0 : i32
    %dma_wait3A_368 = tpu.memref_slice %arg3[%get3A_362, %dma_wait3A_367] : memref<1000000x32xf32, #tpu.memory_space<hbm>> -> memref<1x32xf32, #tpu.memory_space<hbm>>
    %dma_wait3A_369 = tpu.memref_squeeze %dma_wait3A_368 : memref<1x32xf32, #tpu.memory_space<hbm>> -> memref<32xf32, #tpu.memory_space<hbm>>
    %dma_wait3A_370 = arith.constant 64 : i32
    %dma_wait3A_371 = tpu.memref_slice %arg7[%dma_wait3A_363, %dma_wait3A_370] : memref<128x128xf32, #tpu.memory_space<vmem>> -> memref<1x32xf32, #tpu.memory_space<vmem>>
    %dma_wait3A_372 = tpu.memref_squeeze %dma_wait3A_371 : memref<1x32xf32, #tpu.memory_space<vmem>> -> memref<32xf32, #tpu.memory_space<vmem>>
    %dma_wait3A_373 = arith.constant 0 : i32
    %dma_wait3A_374 = tpu.memref_slice %arg3[%get3A_362, %dma_wait3A_373] : memref<1000000x32xf32, #tpu.memory_space<hbm>> -> memref<1x32xf32, #tpu.memory_space<hbm>>
    %dma_wait3A_375 = tpu.memref_squeeze %dma_wait3A_374 : memref<1x32xf32, #tpu.memory_space<hbm>> -> memref<32xf32, #tpu.memory_space<hbm>>
    tpu.wait_dma2 semaphore(%arg8 : memref<!tpu.dma_semaphore, #tpu.memory_space<semaphore_mem>>) src(%dma_wait3A_375 : memref<32xf32, #tpu.memory_space<hbm>>) dst(%dma_wait3A_372 : memref<32xf32, #tpu.memory_space<vmem>>)
    %get3A_376 = arith.constant 471 : i32
    %get3A_377 = arith.index_cast %get3A_376 : i32 to index
    %get3A_378 = memref.load %arg6[%get3A_377] : memref<512xi32, #tpu.memory_space<smem>>
    %dma_wait3A_379 = arith.constant 117 : i32
    %dma_wait3A_380 = arith.constant 96 : i32
    %dma_wait3A_381 = tpu.memref_slice %arg7[%dma_wait3A_379, %dma_wait3A_380] : memref<128x128xf32, #tpu.memory_space<vmem>> -> memref<1x32xf32, #tpu.memory_space<vmem>>
    %dma_wait3A_382 = tpu.memref_squeeze %dma_wait3A_381 : memref<1x32xf32, #tpu.memory_space<vmem>> -> memref<32xf32, #tpu.memory_space<vmem>>
    %dma_wait3A_383 = arith.constant 0 : i32
    %dma_wait3A_384 = tpu.memref_slice %arg3[%get3A_378, %dma_wait3A_383] : memref<1000000x32xf32, #tpu.memory_space<hbm>> -> memref<1x32xf32, #tpu.memory_space<hbm>>
    %dma_wait3A_385 = tpu.memref_squeeze %dma_wait3A_384 : memref<1x32xf32, #tpu.memory_space<hbm>> -> memref<32xf32, #tpu.memory_space<hbm>>
    %dma_wait3A_386 = arith.constant 96 : i32
    %dma_wait3A_387 = tpu.memref_slice %arg7[%dma_wait3A_379, %dma_wait3A_386] : memref<128x128xf32, #tpu.memory_space<vmem>> -> memref<1x32xf32, #tpu.memory_space<vmem>>
    %dma_wait3A_388 = tpu.memref_squeeze %dma_wait3A_387 : memref<1x32xf32, #tpu.memory_space<vmem>> -> memref<32xf32, #tpu.memory_space<vmem>>
    %dma_wait3A_389 = arith.constant 0 : i32
    %dma_wait3A_390 = tpu.memref_slice %arg3[%get3A_378, %dma_wait3A_389] : memref<1000000x32xf32, #tpu.memory_space<hbm>> -> memref<1x32xf32, #tpu.memory_space<hbm>>
    %dma_wait3A_391 = tpu.memref_squeeze %dma_wait3A_390 : memref<1x32xf32, #tpu.memory_space<hbm>> -> memref<32xf32, #tpu.memory_space<hbm>>
    tpu.wait_dma2 semaphore(%arg8 : memref<!tpu.dma_semaphore, #tpu.memory_space<semaphore_mem>>) src(%dma_wait3A_391 : memref<32xf32, #tpu.memory_space<hbm>>) dst(%dma_wait3A_388 : memref<32xf32, #tpu.memory_space<vmem>>)
    %get3A_392 = arith.constant 472 : i32
    %get3A_393 = arith.index_cast %get3A_392 : i32 to index
    %get3A_394 = memref.load %arg6[%get3A_393] : memref<512xi32, #tpu.memory_space<smem>>
    %dma_wait3A_395 = arith.constant 118 : i32
    %dma_wait3A_396 = arith.constant 0 : i32
    %dma_wait3A_397 = tpu.memref_slice %arg7[%dma_wait3A_395, %dma_wait3A_396] : memref<128x128xf32, #tpu.memory_space<vmem>> -> memref<1x32xf32, #tpu.memory_space<vmem>>
    %dma_wait3A_398 = tpu.memref_squeeze %dma_wait3A_397 : memref<1x32xf32, #tpu.memory_space<vmem>> -> memref<32xf32, #tpu.memory_space<vmem>>
    %dma_wait3A_399 = arith.constant 0 : i32
    %dma_wait3A_400 = tpu.memref_slice %arg3[%get3A_394, %dma_wait3A_399] : memref<1000000x32xf32, #tpu.memory_space<hbm>> -> memref<1x32xf32, #tpu.memory_space<hbm>>
    %dma_wait3A_401 = tpu.memref_squeeze %dma_wait3A_400 : memref<1x32xf32, #tpu.memory_space<hbm>> -> memref<32xf32, #tpu.memory_space<hbm>>
    %dma_wait3A_402 = arith.constant 0 : i32
    %dma_wait3A_403 = tpu.memref_slice %arg7[%dma_wait3A_395, %dma_wait3A_402] : memref<128x128xf32, #tpu.memory_space<vmem>> -> memref<1x32xf32, #tpu.memory_space<vmem>>
    %dma_wait3A_404 = tpu.memref_squeeze %dma_wait3A_403 : memref<1x32xf32, #tpu.memory_space<vmem>> -> memref<32xf32, #tpu.memory_space<vmem>>
    %dma_wait3A_405 = arith.constant 0 : i32
    %dma_wait3A_406 = tpu.memref_slice %arg3[%get3A_394, %dma_wait3A_405] : memref<1000000x32xf32, #tpu.memory_space<hbm>> -> memref<1x32xf32, #tpu.memory_space<hbm>>
    %dma_wait3A_407 = tpu.memref_squeeze %dma_wait3A_406 : memref<1x32xf32, #tpu.memory_space<hbm>> -> memref<32xf32, #tpu.memory_space<hbm>>
    tpu.wait_dma2 semaphore(%arg8 : memref<!tpu.dma_semaphore, #tpu.memory_space<semaphore_mem>>) src(%dma_wait3A_407 : memref<32xf32, #tpu.memory_space<hbm>>) dst(%dma_wait3A_404 : memref<32xf32, #tpu.memory_space<vmem>>)
    %get3A_408 = arith.constant 473 : i32
    %get3A_409 = arith.index_cast %get3A_408 : i32 to index
    %get3A_410 = memref.load %arg6[%get3A_409] : memref<512xi32, #tpu.memory_space<smem>>
    %dma_wait3A_411 = arith.constant 118 : i32
    %dma_wait3A_412 = arith.constant 32 : i32
    %dma_wait3A_413 = tpu.memref_slice %arg7[%dma_wait3A_411, %dma_wait3A_412] : memref<128x128xf32, #tpu.memory_space<vmem>> -> memref<1x32xf32, #tpu.memory_space<vmem>>
    %dma_wait3A_414 = tpu.memref_squeeze %dma_wait3A_413 : memref<1x32xf32, #tpu.memory_space<vmem>> -> memref<32xf32, #tpu.memory_space<vmem>>
    %dma_wait3A_415 = arith.constant 0 : i32
    %dma_wait3A_416 = tpu.memref_slice %arg3[%get3A_410, %dma_wait3A_415] : memref<1000000x32xf32, #tpu.memory_space<hbm>> -> memref<1x32xf32, #tpu.memory_space<hbm>>
    %dma_wait3A_417 = tpu.memref_squeeze %dma_wait3A_416 : memref<1x32xf32, #tpu.memory_space<hbm>> -> memref<32xf32, #tpu.memory_space<hbm>>
    %dma_wait3A_418 = arith.constant 32 : i32
    %dma_wait3A_419 = tpu.memref_slice %arg7[%dma_wait3A_411, %dma_wait3A_418] : memref<128x128xf32, #tpu.memory_space<vmem>> -> memref<1x32xf32, #tpu.memory_space<vmem>>
    %dma_wait3A_420 = tpu.memref_squeeze %dma_wait3A_419 : memref<1x32xf32, #tpu.memory_space<vmem>> -> memref<32xf32, #tpu.memory_space<vmem>>
    %dma_wait3A_421 = arith.constant 0 : i32
    %dma_wait3A_422 = tpu.memref_slice %arg3[%get3A_410, %dma_wait3A_421] : memref<1000000x32xf32, #tpu.memory_space<hbm>> -> memref<1x32xf32, #tpu.memory_space<hbm>>
    %dma_wait3A_423 = tpu.memref_squeeze %dma_wait3A_422 : memref<1x32xf32, #tpu.memory_space<hbm>> -> memref<32xf32, #tpu.memory_space<hbm>>
    tpu.wait_dma2 semaphore(%arg8 : memref<!tpu.dma_semaphore, #tpu.memory_space<semaphore_mem>>) src(%dma_wait3A_423 : memref<32xf32, #tpu.memory_space<hbm>>) dst(%dma_wait3A_420 : memref<32xf32, #tpu.memory_space<vmem>>)
    %get3A_424 = arith.constant 474 : i32
    %get3A_425 = arith.index_cast %get3A_424 : i32 to index
    %get3A_426 = memref.load %arg6[%get3A_425] : memref<512xi32, #tpu.memory_space<smem>>
    %dma_wait3A_427 = arith.constant 118 : i32
    %dma_wait3A_428 = arith.constant 64 : i32
    %dma_wait3A_429 = tpu.memref_slice %arg7[%dma_wait3A_427, %dma_wait3A_428] : memref<128x128xf32, #tpu.memory_space<vmem>> -> memref<1x32xf32, #tpu.memory_space<vmem>>
    %dma_wait3A_430 = tpu.memref_squeeze %dma_wait3A_429 : memref<1x32xf32, #tpu.memory_space<vmem>> -> memref<32xf32, #tpu.memory_space<vmem>>
    %dma_wait3A_431 = arith.constant 0 : i32
    %dma_wait3A_432 = tpu.memref_slice %arg3[%get3A_426, %dma_wait3A_431] : memref<1000000x32xf32, #tpu.memory_space<hbm>> -> memref<1x32xf32, #tpu.memory_space<hbm>>
    %dma_wait3A_433 = tpu.memref_squeeze %dma_wait3A_432 : memref<1x32xf32, #tpu.memory_space<hbm>> -> memref<32xf32, #tpu.memory_space<hbm>>
    %dma_wait3A_434 = arith.constant 64 : i32
    %dma_wait3A_435 = tpu.memref_slice %arg7[%dma_wait3A_427, %dma_wait3A_434] : memref<128x128xf32, #tpu.memory_space<vmem>> -> memref<1x32xf32, #tpu.memory_space<vmem>>
    %dma_wait3A_436 = tpu.memref_squeeze %dma_wait3A_435 : memref<1x32xf32, #tpu.memory_space<vmem>> -> memref<32xf32, #tpu.memory_space<vmem>>
    %dma_wait3A_437 = arith.constant 0 : i32
    %dma_wait3A_438 = tpu.memref_slice %arg3[%get3A_426, %dma_wait3A_437] : memref<1000000x32xf32, #tpu.memory_space<hbm>> -> memref<1x32xf32, #tpu.memory_space<hbm>>
    %dma_wait3A_439 = tpu.memref_squeeze %dma_wait3A_438 : memref<1x32xf32, #tpu.memory_space<hbm>> -> memref<32xf32, #tpu.memory_space<hbm>>
    tpu.wait_dma2 semaphore(%arg8 : memref<!tpu.dma_semaphore, #tpu.memory_space<semaphore_mem>>) src(%dma_wait3A_439 : memref<32xf32, #tpu.memory_space<hbm>>) dst(%dma_wait3A_436 : memref<32xf32, #tpu.memory_space<vmem>>)
    %get3A_440 = arith.constant 475 : i32
    %get3A_441 = arith.index_cast %get3A_440 : i32 to index
    %get3A_442 = memref.load %arg6[%get3A_441] : memref<512xi32, #tpu.memory_space<smem>>
    %dma_wait3A_443 = arith.constant 118 : i32
    %dma_wait3A_444 = arith.constant 96 : i32
    %dma_wait3A_445 = tpu.memref_slice %arg7[%dma_wait3A_443, %dma_wait3A_444] : memref<128x128xf32, #tpu.memory_space<vmem>> -> memref<1x32xf32, #tpu.memory_space<vmem>>
    %dma_wait3A_446 = tpu.memref_squeeze %dma_wait3A_445 : memref<1x32xf32, #tpu.memory_space<vmem>> -> memref<32xf32, #tpu.memory_space<vmem>>
    %dma_wait3A_447 = arith.constant 0 : i32
    %dma_wait3A_448 = tpu.memref_slice %arg3[%get3A_442, %dma_wait3A_447] : memref<1000000x32xf32, #tpu.memory_space<hbm>> -> memref<1x32xf32, #tpu.memory_space<hbm>>
    %dma_wait3A_449 = tpu.memref_squeeze %dma_wait3A_448 : memref<1x32xf32, #tpu.memory_space<hbm>> -> memref<32xf32, #tpu.memory_space<hbm>>
    %dma_wait3A_450 = arith.constant 96 : i32
    %dma_wait3A_451 = tpu.memref_slice %arg7[%dma_wait3A_443, %dma_wait3A_450] : memref<128x128xf32, #tpu.memory_space<vmem>> -> memref<1x32xf32, #tpu.memory_space<vmem>>
    %dma_wait3A_452 = tpu.memref_squeeze %dma_wait3A_451 : memref<1x32xf32, #tpu.memory_space<vmem>> -> memref<32xf32, #tpu.memory_space<vmem>>
    %dma_wait3A_453 = arith.constant 0 : i32
    %dma_wait3A_454 = tpu.memref_slice %arg3[%get3A_442, %dma_wait3A_453] : memref<1000000x32xf32, #tpu.memory_space<hbm>> -> memref<1x32xf32, #tpu.memory_space<hbm>>
    %dma_wait3A_455 = tpu.memref_squeeze %dma_wait3A_454 : memref<1x32xf32, #tpu.memory_space<hbm>> -> memref<32xf32, #tpu.memory_space<hbm>>
    tpu.wait_dma2 semaphore(%arg8 : memref<!tpu.dma_semaphore, #tpu.memory_space<semaphore_mem>>) src(%dma_wait3A_455 : memref<32xf32, #tpu.memory_space<hbm>>) dst(%dma_wait3A_452 : memref<32xf32, #tpu.memory_space<vmem>>)
    %get3A_456 = arith.constant 476 : i32
    %get3A_457 = arith.index_cast %get3A_456 : i32 to index
    %get3A_458 = memref.load %arg6[%get3A_457] : memref<512xi32, #tpu.memory_space<smem>>
    %dma_wait3A_459 = arith.constant 119 : i32
    %dma_wait3A_460 = arith.constant 0 : i32
    %dma_wait3A_461 = tpu.memref_slice %arg7[%dma_wait3A_459, %dma_wait3A_460] : memref<128x128xf32, #tpu.memory_space<vmem>> -> memref<1x32xf32, #tpu.memory_space<vmem>>
    %dma_wait3A_462 = tpu.memref_squeeze %dma_wait3A_461 : memref<1x32xf32, #tpu.memory_space<vmem>> -> memref<32xf32, #tpu.memory_space<vmem>>
    %dma_wait3A_463 = arith.constant 0 : i32
    %dma_wait3A_464 = tpu.memref_slice %arg3[%get3A_458, %dma_wait3A_463] : memref<1000000x32xf32, #tpu.memory_space<hbm>> -> memref<1x32xf32, #tpu.memory_space<hbm>>
    %dma_wait3A_465 = tpu.memref_squeeze %dma_wait3A_464 : memref<1x32xf32, #tpu.memory_space<hbm>> -> memref<32xf32, #tpu.memory_space<hbm>>
    %dma_wait3A_466 = arith.constant 0 : i32
    %dma_wait3A_467 = tpu.memref_slice %arg7[%dma_wait3A_459, %dma_wait3A_466] : memref<128x128xf32, #tpu.memory_space<vmem>> -> memref<1x32xf32, #tpu.memory_space<vmem>>
    %dma_wait3A_468 = tpu.memref_squeeze %dma_wait3A_467 : memref<1x32xf32, #tpu.memory_space<vmem>> -> memref<32xf32, #tpu.memory_space<vmem>>
    %dma_wait3A_469 = arith.constant 0 : i32
    %dma_wait3A_470 = tpu.memref_slice %arg3[%get3A_458, %dma_wait3A_469] : memref<1000000x32xf32, #tpu.memory_space<hbm>> -> memref<1x32xf32, #tpu.memory_space<hbm>>
    %dma_wait3A_471 = tpu.memref_squeeze %dma_wait3A_470 : memref<1x32xf32, #tpu.memory_space<hbm>> -> memref<32xf32, #tpu.memory_space<hbm>>
    tpu.wait_dma2 semaphore(%arg8 : memref<!tpu.dma_semaphore, #tpu.memory_space<semaphore_mem>>) src(%dma_wait3A_471 : memref<32xf32, #tpu.memory_space<hbm>>) dst(%dma_wait3A_468 : memref<32xf32, #tpu.memory_space<vmem>>)
    %get3A_472 = arith.constant 477 : i32
    %get3A_473 = arith.index_cast %get3A_472 : i32 to index
    %get3A_474 = memref.load %arg6[%get3A_473] : memref<512xi32, #tpu.memory_space<smem>>
    %dma_wait3A_475 = arith.constant 119 : i32
    %dma_wait3A_476 = arith.constant 32 : i32
    %dma_wait3A_477 = tpu.memref_slice %arg7[%dma_wait3A_475, %dma_wait3A_476] : memref<128x128xf32, #tpu.memory_space<vmem>> -> memref<1x32xf32, #tpu.memory_space<vmem>>
    %dma_wait3A_478 = tpu.memref_squeeze %dma_wait3A_477 : memref<1x32xf32, #tpu.memory_space<vmem>> -> memref<32xf32, #tpu.memory_space<vmem>>
    %dma_wait3A_479 = arith.constant 0 : i32
    %dma_wait3A_480 = tpu.memref_slice %arg3[%get3A_474, %dma_wait3A_479] : memref<1000000x32xf32, #tpu.memory_space<hbm>> -> memref<1x32xf32, #tpu.memory_space<hbm>>
    %dma_wait3A_481 = tpu.memref_squeeze %dma_wait3A_480 : memref<1x32xf32, #tpu.memory_space<hbm>> -> memref<32xf32, #tpu.memory_space<hbm>>
    %dma_wait3A_482 = arith.constant 32 : i32
    %dma_wait3A_483 = tpu.memref_slice %arg7[%dma_wait3A_475, %dma_wait3A_482] : memref<128x128xf32, #tpu.memory_space<vmem>> -> memref<1x32xf32, #tpu.memory_space<vmem>>
    %dma_wait3A_484 = tpu.memref_squeeze %dma_wait3A_483 : memref<1x32xf32, #tpu.memory_space<vmem>> -> memref<32xf32, #tpu.memory_space<vmem>>
    %dma_wait3A_485 = arith.constant 0 : i32
    %dma_wait3A_486 = tpu.memref_slice %arg3[%get3A_474, %dma_wait3A_485] : memref<1000000x32xf32, #tpu.memory_space<hbm>> -> memref<1x32xf32, #tpu.memory_space<hbm>>
    %dma_wait3A_487 = tpu.memref_squeeze %dma_wait3A_486 : memref<1x32xf32, #tpu.memory_space<hbm>> -> memref<32xf32, #tpu.memory_space<hbm>>
    tpu.wait_dma2 semaphore(%arg8 : memref<!tpu.dma_semaphore, #tpu.memory_space<semaphore_mem>>) src(%dma_wait3A_487 : memref<32xf32, #tpu.memory_space<hbm>>) dst(%dma_wait3A_484 : memref<32xf32, #tpu.memory_space<vmem>>)
    %get3A_488 = arith.constant 478 : i32
    %get3A_489 = arith.index_cast %get3A_488 : i32 to index
    %get3A_490 = memref.load %arg6[%get3A_489] : memref<512xi32, #tpu.memory_space<smem>>
    %dma_wait3A_491 = arith.constant 119 : i32
    %dma_wait3A_492 = arith.constant 64 : i32
    %dma_wait3A_493 = tpu.memref_slice %arg7[%dma_wait3A_491, %dma_wait3A_492] : memref<128x128xf32, #tpu.memory_space<vmem>> -> memref<1x32xf32, #tpu.memory_space<vmem>>
    %dma_wait3A_494 = tpu.memref_squeeze %dma_wait3A_493 : memref<1x32xf32, #tpu.memory_space<vmem>> -> memref<32xf32, #tpu.memory_space<vmem>>
    %dma_wait3A_495 = arith.constant 0 : i32
    %dma_wait3A_496 = tpu.memref_slice %arg3[%get3A_490, %dma_wait3A_495] : memref<1000000x32xf32, #tpu.memory_space<hbm>> -> memref<1x32xf32, #tpu.memory_space<hbm>>
    %dma_wait3A_497 = tpu.memref_squeeze %dma_wait3A_496 : memref<1x32xf32, #tpu.memory_space<hbm>> -> memref<32xf32, #tpu.memory_space<hbm>>
    %dma_wait3A_498 = arith.constant 64 : i32
    %dma_wait3A_499 = tpu.memref_slice %arg7[%dma_wait3A_491, %dma_wait3A_498] : memref<128x128xf32, #tpu.memory_space<vmem>> -> memref<1x32xf32, #tpu.memory_space<vmem>>
    %dma_wait3A_500 = tpu.memref_squeeze %dma_wait3A_499 : memref<1x32xf32, #tpu.memory_space<vmem>> -> memref<32xf32, #tpu.memory_space<vmem>>
    %dma_wait3A_501 = arith.constant 0 : i32
    %dma_wait3A_502 = tpu.memref_slice %arg3[%get3A_490, %dma_wait3A_501] : memref<1000000x32xf32, #tpu.memory_space<hbm>> -> memref<1x32xf32, #tpu.memory_space<hbm>>
    %dma_wait3A_503 = tpu.memref_squeeze %dma_wait3A_502 : memref<1x32xf32, #tpu.memory_space<hbm>> -> memref<32xf32, #tpu.memory_space<hbm>>
    tpu.wait_dma2 semaphore(%arg8 : memref<!tpu.dma_semaphore, #tpu.memory_space<semaphore_mem>>) src(%dma_wait3A_503 : memref<32xf32, #tpu.memory_space<hbm>>) dst(%dma_wait3A_500 : memref<32xf32, #tpu.memory_space<vmem>>)
    %get3A_504 = arith.constant 479 : i32
    %get3A_505 = arith.index_cast %get3A_504 : i32 to index
    %get3A_506 = memref.load %arg6[%get3A_505] : memref<512xi32, #tpu.memory_space<smem>>
    %dma_wait3A_507 = arith.constant 119 : i32
    %dma_wait3A_508 = arith.constant 96 : i32
    %dma_wait3A_509 = tpu.memref_slice %arg7[%dma_wait3A_507, %dma_wait3A_508] : memref<128x128xf32, #tpu.memory_space<vmem>> -> memref<1x32xf32, #tpu.memory_space<vmem>>
    %dma_wait3A_510 = tpu.memref_squeeze %dma_wait3A_509 : memref<1x32xf32, #tpu.memory_space<vmem>> -> memref<32xf32, #tpu.memory_space<vmem>>
    %dma_wait3A_511 = arith.constant 0 : i32
    %dma_wait3A_512 = tpu.memref_slice %arg3[%get3A_506, %dma_wait3A_511] : memref<1000000x32xf32, #tpu.memory_space<hbm>> -> memref<1x32xf32, #tpu.memory_space<hbm>>
    %dma_wait3A_513 = tpu.memref_squeeze %dma_wait3A_512 : memref<1x32xf32, #tpu.memory_space<hbm>> -> memref<32xf32, #tpu.memory_space<hbm>>
    %dma_wait3A_514 = arith.constant 96 : i32
    %dma_wait3A_515 = tpu.memref_slice %arg7[%dma_wait3A_507, %dma_wait3A_514] : memref<128x128xf32, #tpu.memory_space<vmem>> -> memref<1x32xf32, #tpu.memory_space<vmem>>
    %dma_wait3A_516 = tpu.memref_squeeze %dma_wait3A_515 : memref<1x32xf32, #tpu.memory_space<vmem>> -> memref<32xf32, #tpu.memory_space<vmem>>
    %dma_wait3A_517 = arith.constant 0 : i32
    %dma_wait3A_518 = tpu.memref_slice %arg3[%get3A_506, %dma_wait3A_517] : memref<1000000x32xf32, #tpu.memory_space<hbm>> -> memref<1x32xf32, #tpu.memory_space<hbm>>
    %dma_wait3A_519 = tpu.memref_squeeze %dma_wait3A_518 : memref<1x32xf32, #tpu.memory_space<hbm>> -> memref<32xf32, #tpu.memory_space<hbm>>
    tpu.wait_dma2 semaphore(%arg8 : memref<!tpu.dma_semaphore, #tpu.memory_space<semaphore_mem>>) src(%dma_wait3A_519 : memref<32xf32, #tpu.memory_space<hbm>>) dst(%dma_wait3A_516 : memref<32xf32, #tpu.memory_space<vmem>>)
    %get3A_520 = arith.constant 480 : i32
    %get3A_521 = arith.index_cast %get3A_520 : i32 to index
    %get3A_522 = memref.load %arg6[%get3A_521] : memref<512xi32, #tpu.memory_space<smem>>
    %dma_wait3A_523 = arith.constant 120 : i32
    %dma_wait3A_524 = arith.constant 0 : i32
    %dma_wait3A_525 = tpu.memref_slice %arg7[%dma_wait3A_523, %dma_wait3A_524] : memref<128x128xf32, #tpu.memory_space<vmem>> -> memref<1x32xf32, #tpu.memory_space<vmem>>
    %dma_wait3A_526 = tpu.memref_squeeze %dma_wait3A_525 : memref<1x32xf32, #tpu.memory_space<vmem>> -> memref<32xf32, #tpu.memory_space<vmem>>
    %dma_wait3A_527 = arith.constant 0 : i32
    %dma_wait3A_528 = tpu.memref_slice %arg3[%get3A_522, %dma_wait3A_527] : memref<1000000x32xf32, #tpu.memory_space<hbm>> -> memref<1x32xf32, #tpu.memory_space<hbm>>
    %dma_wait3A_529 = tpu.memref_squeeze %dma_wait3A_528 : memref<1x32xf32, #tpu.memory_space<hbm>> -> memref<32xf32, #tpu.memory_space<hbm>>
    %dma_wait3A_530 = arith.constant 0 : i32
    %dma_wait3A_531 = tpu.memref_slice %arg7[%dma_wait3A_523, %dma_wait3A_530] : memref<128x128xf32, #tpu.memory_space<vmem>> -> memref<1x32xf32, #tpu.memory_space<vmem>>
    %dma_wait3A_532 = tpu.memref_squeeze %dma_wait3A_531 : memref<1x32xf32, #tpu.memory_space<vmem>> -> memref<32xf32, #tpu.memory_space<vmem>>
    %dma_wait3A_533 = arith.constant 0 : i32
    %dma_wait3A_534 = tpu.memref_slice %arg3[%get3A_522, %dma_wait3A_533] : memref<1000000x32xf32, #tpu.memory_space<hbm>> -> memref<1x32xf32, #tpu.memory_space<hbm>>
    %dma_wait3A_535 = tpu.memref_squeeze %dma_wait3A_534 : memref<1x32xf32, #tpu.memory_space<hbm>> -> memref<32xf32, #tpu.memory_space<hbm>>
    tpu.wait_dma2 semaphore(%arg8 : memref<!tpu.dma_semaphore, #tpu.memory_space<semaphore_mem>>) src(%dma_wait3A_535 : memref<32xf32, #tpu.memory_space<hbm>>) dst(%dma_wait3A_532 : memref<32xf32, #tpu.memory_space<vmem>>)
    %get3A_536 = arith.constant 481 : i32
    %get3A_537 = arith.index_cast %get3A_536 : i32 to index
    %get3A_538 = memref.load %arg6[%get3A_537] : memref<512xi32, #tpu.memory_space<smem>>
    %dma_wait3A_539 = arith.constant 120 : i32
    %dma_wait3A_540 = arith.constant 32 : i32
    %dma_wait3A_541 = tpu.memref_slice %arg7[%dma_wait3A_539, %dma_wait3A_540] : memref<128x128xf32, #tpu.memory_space<vmem>> -> memref<1x32xf32, #tpu.memory_space<vmem>>
    %dma_wait3A_542 = tpu.memref_squeeze %dma_wait3A_541 : memref<1x32xf32, #tpu.memory_space<vmem>> -> memref<32xf32, #tpu.memory_space<vmem>>
    %dma_wait3A_543 = arith.constant 0 : i32
    %dma_wait3A_544 = tpu.memref_slice %arg3[%get3A_538, %dma_wait3A_543] : memref<1000000x32xf32, #tpu.memory_space<hbm>> -> memref<1x32xf32, #tpu.memory_space<hbm>>
    %dma_wait3A_545 = tpu.memref_squeeze %dma_wait3A_544 : memref<1x32xf32, #tpu.memory_space<hbm>> -> memref<32xf32, #tpu.memory_space<hbm>>
    %dma_wait3A_546 = arith.constant 32 : i32
    %dma_wait3A_547 = tpu.memref_slice %arg7[%dma_wait3A_539, %dma_wait3A_546] : memref<128x128xf32, #tpu.memory_space<vmem>> -> memref<1x32xf32, #tpu.memory_space<vmem>>
    %dma_wait3A_548 = tpu.memref_squeeze %dma_wait3A_547 : memref<1x32xf32, #tpu.memory_space<vmem>> -> memref<32xf32, #tpu.memory_space<vmem>>
    %dma_wait3A_549 = arith.constant 0 : i32
    %dma_wait3A_550 = tpu.memref_slice %arg3[%get3A_538, %dma_wait3A_549] : memref<1000000x32xf32, #tpu.memory_space<hbm>> -> memref<1x32xf32, #tpu.memory_space<hbm>>
    %dma_wait3A_551 = tpu.memref_squeeze %dma_wait3A_550 : memref<1x32xf32, #tpu.memory_space<hbm>> -> memref<32xf32, #tpu.memory_space<hbm>>
    tpu.wait_dma2 semaphore(%arg8 : memref<!tpu.dma_semaphore, #tpu.memory_space<semaphore_mem>>) src(%dma_wait3A_551 : memref<32xf32, #tpu.memory_space<hbm>>) dst(%dma_wait3A_548 : memref<32xf32, #tpu.memory_space<vmem>>)
    %get3A_552 = arith.constant 482 : i32
    %get3A_553 = arith.index_cast %get3A_552 : i32 to index
    %get3A_554 = memref.load %arg6[%get3A_553] : memref<512xi32, #tpu.memory_space<smem>>
    %dma_wait3A_555 = arith.constant 120 : i32
    %dma_wait3A_556 = arith.constant 64 : i32
    %dma_wait3A_557 = tpu.memref_slice %arg7[%dma_wait3A_555, %dma_wait3A_556] : memref<128x128xf32, #tpu.memory_space<vmem>> -> memref<1x32xf32, #tpu.memory_space<vmem>>
    %dma_wait3A_558 = tpu.memref_squeeze %dma_wait3A_557 : memref<1x32xf32, #tpu.memory_space<vmem>> -> memref<32xf32, #tpu.memory_space<vmem>>
    %dma_wait3A_559 = arith.constant 0 : i32
    %dma_wait3A_560 = tpu.memref_slice %arg3[%get3A_554, %dma_wait3A_559] : memref<1000000x32xf32, #tpu.memory_space<hbm>> -> memref<1x32xf32, #tpu.memory_space<hbm>>
    %dma_wait3A_561 = tpu.memref_squeeze %dma_wait3A_560 : memref<1x32xf32, #tpu.memory_space<hbm>> -> memref<32xf32, #tpu.memory_space<hbm>>
    %dma_wait3A_562 = arith.constant 64 : i32
    %dma_wait3A_563 = tpu.memref_slice %arg7[%dma_wait3A_555, %dma_wait3A_562] : memref<128x128xf32, #tpu.memory_space<vmem>> -> memref<1x32xf32, #tpu.memory_space<vmem>>
    %dma_wait3A_564 = tpu.memref_squeeze %dma_wait3A_563 : memref<1x32xf32, #tpu.memory_space<vmem>> -> memref<32xf32, #tpu.memory_space<vmem>>
    %dma_wait3A_565 = arith.constant 0 : i32
    %dma_wait3A_566 = tpu.memref_slice %arg3[%get3A_554, %dma_wait3A_565] : memref<1000000x32xf32, #tpu.memory_space<hbm>> -> memref<1x32xf32, #tpu.memory_space<hbm>>
    %dma_wait3A_567 = tpu.memref_squeeze %dma_wait3A_566 : memref<1x32xf32, #tpu.memory_space<hbm>> -> memref<32xf32, #tpu.memory_space<hbm>>
    tpu.wait_dma2 semaphore(%arg8 : memref<!tpu.dma_semaphore, #tpu.memory_space<semaphore_mem>>) src(%dma_wait3A_567 : memref<32xf32, #tpu.memory_space<hbm>>) dst(%dma_wait3A_564 : memref<32xf32, #tpu.memory_space<vmem>>)
    %get3A_568 = arith.constant 483 : i32
    %get3A_569 = arith.index_cast %get3A_568 : i32 to index
    %get3A_570 = memref.load %arg6[%get3A_569] : memref<512xi32, #tpu.memory_space<smem>>
    %dma_wait3A_571 = arith.constant 120 : i32
    %dma_wait3A_572 = arith.constant 96 : i32
    %dma_wait3A_573 = tpu.memref_slice %arg7[%dma_wait3A_571, %dma_wait3A_572] : memref<128x128xf32, #tpu.memory_space<vmem>> -> memref<1x32xf32, #tpu.memory_space<vmem>>
    %dma_wait3A_574 = tpu.memref_squeeze %dma_wait3A_573 : memref<1x32xf32, #tpu.memory_space<vmem>> -> memref<32xf32, #tpu.memory_space<vmem>>
    %dma_wait3A_575 = arith.constant 0 : i32
    %dma_wait3A_576 = tpu.memref_slice %arg3[%get3A_570, %dma_wait3A_575] : memref<1000000x32xf32, #tpu.memory_space<hbm>> -> memref<1x32xf32, #tpu.memory_space<hbm>>
    %dma_wait3A_577 = tpu.memref_squeeze %dma_wait3A_576 : memref<1x32xf32, #tpu.memory_space<hbm>> -> memref<32xf32, #tpu.memory_space<hbm>>
    %dma_wait3A_578 = arith.constant 96 : i32
    %dma_wait3A_579 = tpu.memref_slice %arg7[%dma_wait3A_571, %dma_wait3A_578] : memref<128x128xf32, #tpu.memory_space<vmem>> -> memref<1x32xf32, #tpu.memory_space<vmem>>
    %dma_wait3A_580 = tpu.memref_squeeze %dma_wait3A_579 : memref<1x32xf32, #tpu.memory_space<vmem>> -> memref<32xf32, #tpu.memory_space<vmem>>
    %dma_wait3A_581 = arith.constant 0 : i32
    %dma_wait3A_582 = tpu.memref_slice %arg3[%get3A_570, %dma_wait3A_581] : memref<1000000x32xf32, #tpu.memory_space<hbm>> -> memref<1x32xf32, #tpu.memory_space<hbm>>
    %dma_wait3A_583 = tpu.memref_squeeze %dma_wait3A_582 : memref<1x32xf32, #tpu.memory_space<hbm>> -> memref<32xf32, #tpu.memory_space<hbm>>
    tpu.wait_dma2 semaphore(%arg8 : memref<!tpu.dma_semaphore, #tpu.memory_space<semaphore_mem>>) src(%dma_wait3A_583 : memref<32xf32, #tpu.memory_space<hbm>>) dst(%dma_wait3A_580 : memref<32xf32, #tpu.memory_space<vmem>>)
    %get3A_584 = arith.constant 484 : i32
    %get3A_585 = arith.index_cast %get3A_584 : i32 to index
    %get3A_586 = memref.load %arg6[%get3A_585] : memref<512xi32, #tpu.memory_space<smem>>
    %dma_wait3A_587 = arith.constant 121 : i32
    %dma_wait3A_588 = arith.constant 0 : i32
    %dma_wait3A_589 = tpu.memref_slice %arg7[%dma_wait3A_587, %dma_wait3A_588] : memref<128x128xf32, #tpu.memory_space<vmem>> -> memref<1x32xf32, #tpu.memory_space<vmem>>
    %dma_wait3A_590 = tpu.memref_squeeze %dma_wait3A_589 : memref<1x32xf32, #tpu.memory_space<vmem>> -> memref<32xf32, #tpu.memory_space<vmem>>
    %dma_wait3A_591 = arith.constant 0 : i32
    %dma_wait3A_592 = tpu.memref_slice %arg3[%get3A_586, %dma_wait3A_591] : memref<1000000x32xf32, #tpu.memory_space<hbm>> -> memref<1x32xf32, #tpu.memory_space<hbm>>
    %dma_wait3A_593 = tpu.memref_squeeze %dma_wait3A_592 : memref<1x32xf32, #tpu.memory_space<hbm>> -> memref<32xf32, #tpu.memory_space<hbm>>
    %dma_wait3A_594 = arith.constant 0 : i32
    %dma_wait3A_595 = tpu.memref_slice %arg7[%dma_wait3A_587, %dma_wait3A_594] : memref<128x128xf32, #tpu.memory_space<vmem>> -> memref<1x32xf32, #tpu.memory_space<vmem>>
    %dma_wait3A_596 = tpu.memref_squeeze %dma_wait3A_595 : memref<1x32xf32, #tpu.memory_space<vmem>> -> memref<32xf32, #tpu.memory_space<vmem>>
    %dma_wait3A_597 = arith.constant 0 : i32
    %dma_wait3A_598 = tpu.memref_slice %arg3[%get3A_586, %dma_wait3A_597] : memref<1000000x32xf32, #tpu.memory_space<hbm>> -> memref<1x32xf32, #tpu.memory_space<hbm>>
    %dma_wait3A_599 = tpu.memref_squeeze %dma_wait3A_598 : memref<1x32xf32, #tpu.memory_space<hbm>> -> memref<32xf32, #tpu.memory_space<hbm>>
    tpu.wait_dma2 semaphore(%arg8 : memref<!tpu.dma_semaphore, #tpu.memory_space<semaphore_mem>>) src(%dma_wait3A_599 : memref<32xf32, #tpu.memory_space<hbm>>) dst(%dma_wait3A_596 : memref<32xf32, #tpu.memory_space<vmem>>)
    %get3A_600 = arith.constant 485 : i32
    %get3A_601 = arith.index_cast %get3A_600 : i32 to index
    %get3A_602 = memref.load %arg6[%get3A_601] : memref<512xi32, #tpu.memory_space<smem>>
    %dma_wait3A_603 = arith.constant 121 : i32
    %dma_wait3A_604 = arith.constant 32 : i32
    %dma_wait3A_605 = tpu.memref_slice %arg7[%dma_wait3A_603, %dma_wait3A_604] : memref<128x128xf32, #tpu.memory_space<vmem>> -> memref<1x32xf32, #tpu.memory_space<vmem>>
    %dma_wait3A_606 = tpu.memref_squeeze %dma_wait3A_605 : memref<1x32xf32, #tpu.memory_space<vmem>> -> memref<32xf32, #tpu.memory_space<vmem>>
    %dma_wait3A_607 = arith.constant 0 : i32
    %dma_wait3A_608 = tpu.memref_slice %arg3[%get3A_602, %dma_wait3A_607] : memref<1000000x32xf32, #tpu.memory_space<hbm>> -> memref<1x32xf32, #tpu.memory_space<hbm>>
    %dma_wait3A_609 = tpu.memref_squeeze %dma_wait3A_608 : memref<1x32xf32, #tpu.memory_space<hbm>> -> memref<32xf32, #tpu.memory_space<hbm>>
    %dma_wait3A_610 = arith.constant 32 : i32
    %dma_wait3A_611 = tpu.memref_slice %arg7[%dma_wait3A_603, %dma_wait3A_610] : memref<128x128xf32, #tpu.memory_space<vmem>> -> memref<1x32xf32, #tpu.memory_space<vmem>>
    %dma_wait3A_612 = tpu.memref_squeeze %dma_wait3A_611 : memref<1x32xf32, #tpu.memory_space<vmem>> -> memref<32xf32, #tpu.memory_space<vmem>>
    %dma_wait3A_613 = arith.constant 0 : i32
    %dma_wait3A_614 = tpu.memref_slice %arg3[%get3A_602, %dma_wait3A_613] : memref<1000000x32xf32, #tpu.memory_space<hbm>> -> memref<1x32xf32, #tpu.memory_space<hbm>>
    %dma_wait3A_615 = tpu.memref_squeeze %dma_wait3A_614 : memref<1x32xf32, #tpu.memory_space<hbm>> -> memref<32xf32, #tpu.memory_space<hbm>>
    tpu.wait_dma2 semaphore(%arg8 : memref<!tpu.dma_semaphore, #tpu.memory_space<semaphore_mem>>) src(%dma_wait3A_615 : memref<32xf32, #tpu.memory_space<hbm>>) dst(%dma_wait3A_612 : memref<32xf32, #tpu.memory_space<vmem>>)
    %get3A_616 = arith.constant 486 : i32
    %get3A_617 = arith.index_cast %get3A_616 : i32 to index
    %get3A_618 = memref.load %arg6[%get3A_617] : memref<512xi32, #tpu.memory_space<smem>>
    %dma_wait3A_619 = arith.constant 121 : i32
    %dma_wait3A_620 = arith.constant 64 : i32
    %dma_wait3A_621 = tpu.memref_slice %arg7[%dma_wait3A_619, %dma_wait3A_620] : memref<128x128xf32, #tpu.memory_space<vmem>> -> memref<1x32xf32, #tpu.memory_space<vmem>>
    %dma_wait3A_622 = tpu.memref_squeeze %dma_wait3A_621 : memref<1x32xf32, #tpu.memory_space<vmem>> -> memref<32xf32, #tpu.memory_space<vmem>>
    %dma_wait3A_623 = arith.constant 0 : i32
    %dma_wait3A_624 = tpu.memref_slice %arg3[%get3A_618, %dma_wait3A_623] : memref<1000000x32xf32, #tpu.memory_space<hbm>> -> memref<1x32xf32, #tpu.memory_space<hbm>>
    %dma_wait3A_625 = tpu.memref_squeeze %dma_wait3A_624 : memref<1x32xf32, #tpu.memory_space<hbm>> -> memref<32xf32, #tpu.memory_space<hbm>>
    %dma_wait3A_626 = arith.constant 64 : i32
    %dma_wait3A_627 = tpu.memref_slice %arg7[%dma_wait3A_619, %dma_wait3A_626] : memref<128x128xf32, #tpu.memory_space<vmem>> -> memref<1x32xf32, #tpu.memory_space<vmem>>
    %dma_wait3A_628 = tpu.memref_squeeze %dma_wait3A_627 : memref<1x32xf32, #tpu.memory_space<vmem>> -> memref<32xf32, #tpu.memory_space<vmem>>
    %dma_wait3A_629 = arith.constant 0 : i32
    %dma_wait3A_630 = tpu.memref_slice %arg3[%get3A_618, %dma_wait3A_629] : memref<1000000x32xf32, #tpu.memory_space<hbm>> -> memref<1x32xf32, #tpu.memory_space<hbm>>
    %dma_wait3A_631 = tpu.memref_squeeze %dma_wait3A_630 : memref<1x32xf32, #tpu.memory_space<hbm>> -> memref<32xf32, #tpu.memory_space<hbm>>
    tpu.wait_dma2 semaphore(%arg8 : memref<!tpu.dma_semaphore, #tpu.memory_space<semaphore_mem>>) src(%dma_wait3A_631 : memref<32xf32, #tpu.memory_space<hbm>>) dst(%dma_wait3A_628 : memref<32xf32, #tpu.memory_space<vmem>>)
    %get3A_632 = arith.constant 487 : i32
    %get3A_633 = arith.index_cast %get3A_632 : i32 to index
    %get3A_634 = memref.load %arg6[%get3A_633] : memref<512xi32, #tpu.memory_space<smem>>
    %dma_wait3A_635 = arith.constant 121 : i32
    %dma_wait3A_636 = arith.constant 96 : i32
    %dma_wait3A_637 = tpu.memref_slice %arg7[%dma_wait3A_635, %dma_wait3A_636] : memref<128x128xf32, #tpu.memory_space<vmem>> -> memref<1x32xf32, #tpu.memory_space<vmem>>
    %dma_wait3A_638 = tpu.memref_squeeze %dma_wait3A_637 : memref<1x32xf32, #tpu.memory_space<vmem>> -> memref<32xf32, #tpu.memory_space<vmem>>
    %dma_wait3A_639 = arith.constant 0 : i32
    %dma_wait3A_640 = tpu.memref_slice %arg3[%get3A_634, %dma_wait3A_639] : memref<1000000x32xf32, #tpu.memory_space<hbm>> -> memref<1x32xf32, #tpu.memory_space<hbm>>
    %dma_wait3A_641 = tpu.memref_squeeze %dma_wait3A_640 : memref<1x32xf32, #tpu.memory_space<hbm>> -> memref<32xf32, #tpu.memory_space<hbm>>
    %dma_wait3A_642 = arith.constant 96 : i32
    %dma_wait3A_643 = tpu.memref_slice %arg7[%dma_wait3A_635, %dma_wait3A_642] : memref<128x128xf32, #tpu.memory_space<vmem>> -> memref<1x32xf32, #tpu.memory_space<vmem>>
    %dma_wait3A_644 = tpu.memref_squeeze %dma_wait3A_643 : memref<1x32xf32, #tpu.memory_space<vmem>> -> memref<32xf32, #tpu.memory_space<vmem>>
    %dma_wait3A_645 = arith.constant 0 : i32
    %dma_wait3A_646 = tpu.memref_slice %arg3[%get3A_634, %dma_wait3A_645] : memref<1000000x32xf32, #tpu.memory_space<hbm>> -> memref<1x32xf32, #tpu.memory_space<hbm>>
    %dma_wait3A_647 = tpu.memref_squeeze %dma_wait3A_646 : memref<1x32xf32, #tpu.memory_space<hbm>> -> memref<32xf32, #tpu.memory_space<hbm>>
    tpu.wait_dma2 semaphore(%arg8 : memref<!tpu.dma_semaphore, #tpu.memory_space<semaphore_mem>>) src(%dma_wait3A_647 : memref<32xf32, #tpu.memory_space<hbm>>) dst(%dma_wait3A_644 : memref<32xf32, #tpu.memory_space<vmem>>)
    %get3A_648 = arith.constant 488 : i32
    %get3A_649 = arith.index_cast %get3A_648 : i32 to index
    %get3A_650 = memref.load %arg6[%get3A_649] : memref<512xi32, #tpu.memory_space<smem>>
    %dma_wait3A_651 = arith.constant 122 : i32
    %dma_wait3A_652 = arith.constant 0 : i32
    %dma_wait3A_653 = tpu.memref_slice %arg7[%dma_wait3A_651, %dma_wait3A_652] : memref<128x128xf32, #tpu.memory_space<vmem>> -> memref<1x32xf32, #tpu.memory_space<vmem>>
    %dma_wait3A_654 = tpu.memref_squeeze %dma_wait3A_653 : memref<1x32xf32, #tpu.memory_space<vmem>> -> memref<32xf32, #tpu.memory_space<vmem>>
    %dma_wait3A_655 = arith.constant 0 : i32
    %dma_wait3A_656 = tpu.memref_slice %arg3[%get3A_650, %dma_wait3A_655] : memref<1000000x32xf32, #tpu.memory_space<hbm>> -> memref<1x32xf32, #tpu.memory_space<hbm>>
    %dma_wait3A_657 = tpu.memref_squeeze %dma_wait3A_656 : memref<1x32xf32, #tpu.memory_space<hbm>> -> memref<32xf32, #tpu.memory_space<hbm>>
    %dma_wait3A_658 = arith.constant 0 : i32
    %dma_wait3A_659 = tpu.memref_slice %arg7[%dma_wait3A_651, %dma_wait3A_658] : memref<128x128xf32, #tpu.memory_space<vmem>> -> memref<1x32xf32, #tpu.memory_space<vmem>>
    %dma_wait3A_660 = tpu.memref_squeeze %dma_wait3A_659 : memref<1x32xf32, #tpu.memory_space<vmem>> -> memref<32xf32, #tpu.memory_space<vmem>>
    %dma_wait3A_661 = arith.constant 0 : i32
    %dma_wait3A_662 = tpu.memref_slice %arg3[%get3A_650, %dma_wait3A_661] : memref<1000000x32xf32, #tpu.memory_space<hbm>> -> memref<1x32xf32, #tpu.memory_space<hbm>>
    %dma_wait3A_663 = tpu.memref_squeeze %dma_wait3A_662 : memref<1x32xf32, #tpu.memory_space<hbm>> -> memref<32xf32, #tpu.memory_space<hbm>>
    tpu.wait_dma2 semaphore(%arg8 : memref<!tpu.dma_semaphore, #tpu.memory_space<semaphore_mem>>) src(%dma_wait3A_663 : memref<32xf32, #tpu.memory_space<hbm>>) dst(%dma_wait3A_660 : memref<32xf32, #tpu.memory_space<vmem>>)
    %get3A_664 = arith.constant 489 : i32
    %get3A_665 = arith.index_cast %get3A_664 : i32 to index
    %get3A_666 = memref.load %arg6[%get3A_665] : memref<512xi32, #tpu.memory_space<smem>>
    %dma_wait3A_667 = arith.constant 122 : i32
    %dma_wait3A_668 = arith.constant 32 : i32
    %dma_wait3A_669 = tpu.memref_slice %arg7[%dma_wait3A_667, %dma_wait3A_668] : memref<128x128xf32, #tpu.memory_space<vmem>> -> memref<1x32xf32, #tpu.memory_space<vmem>>
    %dma_wait3A_670 = tpu.memref_squeeze %dma_wait3A_669 : memref<1x32xf32, #tpu.memory_space<vmem>> -> memref<32xf32, #tpu.memory_space<vmem>>
    %dma_wait3A_671 = arith.constant 0 : i32
    %dma_wait3A_672 = tpu.memref_slice %arg3[%get3A_666, %dma_wait3A_671] : memref<1000000x32xf32, #tpu.memory_space<hbm>> -> memref<1x32xf32, #tpu.memory_space<hbm>>
    %dma_wait3A_673 = tpu.memref_squeeze %dma_wait3A_672 : memref<1x32xf32, #tpu.memory_space<hbm>> -> memref<32xf32, #tpu.memory_space<hbm>>
    %dma_wait3A_674 = arith.constant 32 : i32
    %dma_wait3A_675 = tpu.memref_slice %arg7[%dma_wait3A_667, %dma_wait3A_674] : memref<128x128xf32, #tpu.memory_space<vmem>> -> memref<1x32xf32, #tpu.memory_space<vmem>>
    %dma_wait3A_676 = tpu.memref_squeeze %dma_wait3A_675 : memref<1x32xf32, #tpu.memory_space<vmem>> -> memref<32xf32, #tpu.memory_space<vmem>>
    %dma_wait3A_677 = arith.constant 0 : i32
    %dma_wait3A_678 = tpu.memref_slice %arg3[%get3A_666, %dma_wait3A_677] : memref<1000000x32xf32, #tpu.memory_space<hbm>> -> memref<1x32xf32, #tpu.memory_space<hbm>>
    %dma_wait3A_679 = tpu.memref_squeeze %dma_wait3A_678 : memref<1x32xf32, #tpu.memory_space<hbm>> -> memref<32xf32, #tpu.memory_space<hbm>>
    tpu.wait_dma2 semaphore(%arg8 : memref<!tpu.dma_semaphore, #tpu.memory_space<semaphore_mem>>) src(%dma_wait3A_679 : memref<32xf32, #tpu.memory_space<hbm>>) dst(%dma_wait3A_676 : memref<32xf32, #tpu.memory_space<vmem>>)
    %get3A_680 = arith.constant 490 : i32
    %get3A_681 = arith.index_cast %get3A_680 : i32 to index
    %get3A_682 = memref.load %arg6[%get3A_681] : memref<512xi32, #tpu.memory_space<smem>>
    %dma_wait3A_683 = arith.constant 122 : i32
    %dma_wait3A_684 = arith.constant 64 : i32
    %dma_wait3A_685 = tpu.memref_slice %arg7[%dma_wait3A_683, %dma_wait3A_684] : memref<128x128xf32, #tpu.memory_space<vmem>> -> memref<1x32xf32, #tpu.memory_space<vmem>>
    %dma_wait3A_686 = tpu.memref_squeeze %dma_wait3A_685 : memref<1x32xf32, #tpu.memory_space<vmem>> -> memref<32xf32, #tpu.memory_space<vmem>>
    %dma_wait3A_687 = arith.constant 0 : i32
    %dma_wait3A_688 = tpu.memref_slice %arg3[%get3A_682, %dma_wait3A_687] : memref<1000000x32xf32, #tpu.memory_space<hbm>> -> memref<1x32xf32, #tpu.memory_space<hbm>>
    %dma_wait3A_689 = tpu.memref_squeeze %dma_wait3A_688 : memref<1x32xf32, #tpu.memory_space<hbm>> -> memref<32xf32, #tpu.memory_space<hbm>>
    %dma_wait3A_690 = arith.constant 64 : i32
    %dma_wait3A_691 = tpu.memref_slice %arg7[%dma_wait3A_683, %dma_wait3A_690] : memref<128x128xf32, #tpu.memory_space<vmem>> -> memref<1x32xf32, #tpu.memory_space<vmem>>
    %dma_wait3A_692 = tpu.memref_squeeze %dma_wait3A_691 : memref<1x32xf32, #tpu.memory_space<vmem>> -> memref<32xf32, #tpu.memory_space<vmem>>
    %dma_wait3A_693 = arith.constant 0 : i32
    %dma_wait3A_694 = tpu.memref_slice %arg3[%get3A_682, %dma_wait3A_693] : memref<1000000x32xf32, #tpu.memory_space<hbm>> -> memref<1x32xf32, #tpu.memory_space<hbm>>
    %dma_wait3A_695 = tpu.memref_squeeze %dma_wait3A_694 : memref<1x32xf32, #tpu.memory_space<hbm>> -> memref<32xf32, #tpu.memory_space<hbm>>
    tpu.wait_dma2 semaphore(%arg8 : memref<!tpu.dma_semaphore, #tpu.memory_space<semaphore_mem>>) src(%dma_wait3A_695 : memref<32xf32, #tpu.memory_space<hbm>>) dst(%dma_wait3A_692 : memref<32xf32, #tpu.memory_space<vmem>>)
    %get3A_696 = arith.constant 491 : i32
    %get3A_697 = arith.index_cast %get3A_696 : i32 to index
    %get3A_698 = memref.load %arg6[%get3A_697] : memref<512xi32, #tpu.memory_space<smem>>
    %dma_wait3A_699 = arith.constant 122 : i32
    %dma_wait3A_700 = arith.constant 96 : i32
    %dma_wait3A_701 = tpu.memref_slice %arg7[%dma_wait3A_699, %dma_wait3A_700] : memref<128x128xf32, #tpu.memory_space<vmem>> -> memref<1x32xf32, #tpu.memory_space<vmem>>
    %dma_wait3A_702 = tpu.memref_squeeze %dma_wait3A_701 : memref<1x32xf32, #tpu.memory_space<vmem>> -> memref<32xf32, #tpu.memory_space<vmem>>
    %dma_wait3A_703 = arith.constant 0 : i32
    %dma_wait3A_704 = tpu.memref_slice %arg3[%get3A_698, %dma_wait3A_703] : memref<1000000x32xf32, #tpu.memory_space<hbm>> -> memref<1x32xf32, #tpu.memory_space<hbm>>
    %dma_wait3A_705 = tpu.memref_squeeze %dma_wait3A_704 : memref<1x32xf32, #tpu.memory_space<hbm>> -> memref<32xf32, #tpu.memory_space<hbm>>
    %dma_wait3A_706 = arith.constant 96 : i32
    %dma_wait3A_707 = tpu.memref_slice %arg7[%dma_wait3A_699, %dma_wait3A_706] : memref<128x128xf32, #tpu.memory_space<vmem>> -> memref<1x32xf32, #tpu.memory_space<vmem>>
    %dma_wait3A_708 = tpu.memref_squeeze %dma_wait3A_707 : memref<1x32xf32, #tpu.memory_space<vmem>> -> memref<32xf32, #tpu.memory_space<vmem>>
    %dma_wait3A_709 = arith.constant 0 : i32
    %dma_wait3A_710 = tpu.memref_slice %arg3[%get3A_698, %dma_wait3A_709] : memref<1000000x32xf32, #tpu.memory_space<hbm>> -> memref<1x32xf32, #tpu.memory_space<hbm>>
    %dma_wait3A_711 = tpu.memref_squeeze %dma_wait3A_710 : memref<1x32xf32, #tpu.memory_space<hbm>> -> memref<32xf32, #tpu.memory_space<hbm>>
    tpu.wait_dma2 semaphore(%arg8 : memref<!tpu.dma_semaphore, #tpu.memory_space<semaphore_mem>>) src(%dma_wait3A_711 : memref<32xf32, #tpu.memory_space<hbm>>) dst(%dma_wait3A_708 : memref<32xf32, #tpu.memory_space<vmem>>)
    %get3A_712 = arith.constant 492 : i32
    %get3A_713 = arith.index_cast %get3A_712 : i32 to index
    %get3A_714 = memref.load %arg6[%get3A_713] : memref<512xi32, #tpu.memory_space<smem>>
    %dma_wait3A_715 = arith.constant 123 : i32
    %dma_wait3A_716 = arith.constant 0 : i32
    %dma_wait3A_717 = tpu.memref_slice %arg7[%dma_wait3A_715, %dma_wait3A_716] : memref<128x128xf32, #tpu.memory_space<vmem>> -> memref<1x32xf32, #tpu.memory_space<vmem>>
    %dma_wait3A_718 = tpu.memref_squeeze %dma_wait3A_717 : memref<1x32xf32, #tpu.memory_space<vmem>> -> memref<32xf32, #tpu.memory_space<vmem>>
    %dma_wait3A_719 = arith.constant 0 : i32
    %dma_wait3A_720 = tpu.memref_slice %arg3[%get3A_714, %dma_wait3A_719] : memref<1000000x32xf32, #tpu.memory_space<hbm>> -> memref<1x32xf32, #tpu.memory_space<hbm>>
    %dma_wait3A_721 = tpu.memref_squeeze %dma_wait3A_720 : memref<1x32xf32, #tpu.memory_space<hbm>> -> memref<32xf32, #tpu.memory_space<hbm>>
    %dma_wait3A_722 = arith.constant 0 : i32
    %dma_wait3A_723 = tpu.memref_slice %arg7[%dma_wait3A_715, %dma_wait3A_722] : memref<128x128xf32, #tpu.memory_space<vmem>> -> memref<1x32xf32, #tpu.memory_space<vmem>>
    %dma_wait3A_724 = tpu.memref_squeeze %dma_wait3A_723 : memref<1x32xf32, #tpu.memory_space<vmem>> -> memref<32xf32, #tpu.memory_space<vmem>>
    %dma_wait3A_725 = arith.constant 0 : i32
    %dma_wait3A_726 = tpu.memref_slice %arg3[%get3A_714, %dma_wait3A_725] : memref<1000000x32xf32, #tpu.memory_space<hbm>> -> memref<1x32xf32, #tpu.memory_space<hbm>>
    %dma_wait3A_727 = tpu.memref_squeeze %dma_wait3A_726 : memref<1x32xf32, #tpu.memory_space<hbm>> -> memref<32xf32, #tpu.memory_space<hbm>>
    tpu.wait_dma2 semaphore(%arg8 : memref<!tpu.dma_semaphore, #tpu.memory_space<semaphore_mem>>) src(%dma_wait3A_727 : memref<32xf32, #tpu.memory_space<hbm>>) dst(%dma_wait3A_724 : memref<32xf32, #tpu.memory_space<vmem>>)
    %get3A_728 = arith.constant 493 : i32
    %get3A_729 = arith.index_cast %get3A_728 : i32 to index
    %get3A_730 = memref.load %arg6[%get3A_729] : memref<512xi32, #tpu.memory_space<smem>>
    %dma_wait3A_731 = arith.constant 123 : i32
    %dma_wait3A_732 = arith.constant 32 : i32
    %dma_wait3A_733 = tpu.memref_slice %arg7[%dma_wait3A_731, %dma_wait3A_732] : memref<128x128xf32, #tpu.memory_space<vmem>> -> memref<1x32xf32, #tpu.memory_space<vmem>>
    %dma_wait3A_734 = tpu.memref_squeeze %dma_wait3A_733 : memref<1x32xf32, #tpu.memory_space<vmem>> -> memref<32xf32, #tpu.memory_space<vmem>>
    %dma_wait3A_735 = arith.constant 0 : i32
    %dma_wait3A_736 = tpu.memref_slice %arg3[%get3A_730, %dma_wait3A_735] : memref<1000000x32xf32, #tpu.memory_space<hbm>> -> memref<1x32xf32, #tpu.memory_space<hbm>>
    %dma_wait3A_737 = tpu.memref_squeeze %dma_wait3A_736 : memref<1x32xf32, #tpu.memory_space<hbm>> -> memref<32xf32, #tpu.memory_space<hbm>>
    %dma_wait3A_738 = arith.constant 32 : i32
    %dma_wait3A_739 = tpu.memref_slice %arg7[%dma_wait3A_731, %dma_wait3A_738] : memref<128x128xf32, #tpu.memory_space<vmem>> -> memref<1x32xf32, #tpu.memory_space<vmem>>
    %dma_wait3A_740 = tpu.memref_squeeze %dma_wait3A_739 : memref<1x32xf32, #tpu.memory_space<vmem>> -> memref<32xf32, #tpu.memory_space<vmem>>
    %dma_wait3A_741 = arith.constant 0 : i32
    %dma_wait3A_742 = tpu.memref_slice %arg3[%get3A_730, %dma_wait3A_741] : memref<1000000x32xf32, #tpu.memory_space<hbm>> -> memref<1x32xf32, #tpu.memory_space<hbm>>
    %dma_wait3A_743 = tpu.memref_squeeze %dma_wait3A_742 : memref<1x32xf32, #tpu.memory_space<hbm>> -> memref<32xf32, #tpu.memory_space<hbm>>
    tpu.wait_dma2 semaphore(%arg8 : memref<!tpu.dma_semaphore, #tpu.memory_space<semaphore_mem>>) src(%dma_wait3A_743 : memref<32xf32, #tpu.memory_space<hbm>>) dst(%dma_wait3A_740 : memref<32xf32, #tpu.memory_space<vmem>>)
    %get3A_744 = arith.constant 494 : i32
    %get3A_745 = arith.index_cast %get3A_744 : i32 to index
    %get3A_746 = memref.load %arg6[%get3A_745] : memref<512xi32, #tpu.memory_space<smem>>
    %dma_wait3A_747 = arith.constant 123 : i32
    %dma_wait3A_748 = arith.constant 64 : i32
    %dma_wait3A_749 = tpu.memref_slice %arg7[%dma_wait3A_747, %dma_wait3A_748] : memref<128x128xf32, #tpu.memory_space<vmem>> -> memref<1x32xf32, #tpu.memory_space<vmem>>
    %dma_wait3A_750 = tpu.memref_squeeze %dma_wait3A_749 : memref<1x32xf32, #tpu.memory_space<vmem>> -> memref<32xf32, #tpu.memory_space<vmem>>
    %dma_wait3A_751 = arith.constant 0 : i32
    %dma_wait3A_752 = tpu.memref_slice %arg3[%get3A_746, %dma_wait3A_751] : memref<1000000x32xf32, #tpu.memory_space<hbm>> -> memref<1x32xf32, #tpu.memory_space<hbm>>
    %dma_wait3A_753 = tpu.memref_squeeze %dma_wait3A_752 : memref<1x32xf32, #tpu.memory_space<hbm>> -> memref<32xf32, #tpu.memory_space<hbm>>
    %dma_wait3A_754 = arith.constant 64 : i32
    %dma_wait3A_755 = tpu.memref_slice %arg7[%dma_wait3A_747, %dma_wait3A_754] : memref<128x128xf32, #tpu.memory_space<vmem>> -> memref<1x32xf32, #tpu.memory_space<vmem>>
    %dma_wait3A_756 = tpu.memref_squeeze %dma_wait3A_755 : memref<1x32xf32, #tpu.memory_space<vmem>> -> memref<32xf32, #tpu.memory_space<vmem>>
    %dma_wait3A_757 = arith.constant 0 : i32
    %dma_wait3A_758 = tpu.memref_slice %arg3[%get3A_746, %dma_wait3A_757] : memref<1000000x32xf32, #tpu.memory_space<hbm>> -> memref<1x32xf32, #tpu.memory_space<hbm>>
    %dma_wait3A_759 = tpu.memref_squeeze %dma_wait3A_758 : memref<1x32xf32, #tpu.memory_space<hbm>> -> memref<32xf32, #tpu.memory_space<hbm>>
    tpu.wait_dma2 semaphore(%arg8 : memref<!tpu.dma_semaphore, #tpu.memory_space<semaphore_mem>>) src(%dma_wait3A_759 : memref<32xf32, #tpu.memory_space<hbm>>) dst(%dma_wait3A_756 : memref<32xf32, #tpu.memory_space<vmem>>)
    %get3A_760 = arith.constant 495 : i32
    %get3A_761 = arith.index_cast %get3A_760 : i32 to index
    %get3A_762 = memref.load %arg6[%get3A_761] : memref<512xi32, #tpu.memory_space<smem>>
    %dma_wait3A_763 = arith.constant 123 : i32
    %dma_wait3A_764 = arith.constant 96 : i32
    %dma_wait3A_765 = tpu.memref_slice %arg7[%dma_wait3A_763, %dma_wait3A_764] : memref<128x128xf32, #tpu.memory_space<vmem>> -> memref<1x32xf32, #tpu.memory_space<vmem>>
    %dma_wait3A_766 = tpu.memref_squeeze %dma_wait3A_765 : memref<1x32xf32, #tpu.memory_space<vmem>> -> memref<32xf32, #tpu.memory_space<vmem>>
    %dma_wait3A_767 = arith.constant 0 : i32
    %dma_wait3A_768 = tpu.memref_slice %arg3[%get3A_762, %dma_wait3A_767] : memref<1000000x32xf32, #tpu.memory_space<hbm>> -> memref<1x32xf32, #tpu.memory_space<hbm>>
    %dma_wait3A_769 = tpu.memref_squeeze %dma_wait3A_768 : memref<1x32xf32, #tpu.memory_space<hbm>> -> memref<32xf32, #tpu.memory_space<hbm>>
    %dma_wait3A_770 = arith.constant 96 : i32
    %dma_wait3A_771 = tpu.memref_slice %arg7[%dma_wait3A_763, %dma_wait3A_770] : memref<128x128xf32, #tpu.memory_space<vmem>> -> memref<1x32xf32, #tpu.memory_space<vmem>>
    %dma_wait3A_772 = tpu.memref_squeeze %dma_wait3A_771 : memref<1x32xf32, #tpu.memory_space<vmem>> -> memref<32xf32, #tpu.memory_space<vmem>>
    %dma_wait3A_773 = arith.constant 0 : i32
    %dma_wait3A_774 = tpu.memref_slice %arg3[%get3A_762, %dma_wait3A_773] : memref<1000000x32xf32, #tpu.memory_space<hbm>> -> memref<1x32xf32, #tpu.memory_space<hbm>>
    %dma_wait3A_775 = tpu.memref_squeeze %dma_wait3A_774 : memref<1x32xf32, #tpu.memory_space<hbm>> -> memref<32xf32, #tpu.memory_space<hbm>>
    tpu.wait_dma2 semaphore(%arg8 : memref<!tpu.dma_semaphore, #tpu.memory_space<semaphore_mem>>) src(%dma_wait3A_775 : memref<32xf32, #tpu.memory_space<hbm>>) dst(%dma_wait3A_772 : memref<32xf32, #tpu.memory_space<vmem>>)
    %get3A_776 = arith.constant 496 : i32
    %get3A_777 = arith.index_cast %get3A_776 : i32 to index
    %get3A_778 = memref.load %arg6[%get3A_777] : memref<512xi32, #tpu.memory_space<smem>>
    %dma_wait3A_779 = arith.constant 124 : i32
    %dma_wait3A_780 = arith.constant 0 : i32
    %dma_wait3A_781 = tpu.memref_slice %arg7[%dma_wait3A_779, %dma_wait3A_780] : memref<128x128xf32, #tpu.memory_space<vmem>> -> memref<1x32xf32, #tpu.memory_space<vmem>>
    %dma_wait3A_782 = tpu.memref_squeeze %dma_wait3A_781 : memref<1x32xf32, #tpu.memory_space<vmem>> -> memref<32xf32, #tpu.memory_space<vmem>>
    %dma_wait3A_783 = arith.constant 0 : i32
    %dma_wait3A_784 = tpu.memref_slice %arg3[%get3A_778, %dma_wait3A_783] : memref<1000000x32xf32, #tpu.memory_space<hbm>> -> memref<1x32xf32, #tpu.memory_space<hbm>>
    %dma_wait3A_785 = tpu.memref_squeeze %dma_wait3A_784 : memref<1x32xf32, #tpu.memory_space<hbm>> -> memref<32xf32, #tpu.memory_space<hbm>>
    %dma_wait3A_786 = arith.constant 0 : i32
    %dma_wait3A_787 = tpu.memref_slice %arg7[%dma_wait3A_779, %dma_wait3A_786] : memref<128x128xf32, #tpu.memory_space<vmem>> -> memref<1x32xf32, #tpu.memory_space<vmem>>
    %dma_wait3A_788 = tpu.memref_squeeze %dma_wait3A_787 : memref<1x32xf32, #tpu.memory_space<vmem>> -> memref<32xf32, #tpu.memory_space<vmem>>
    %dma_wait3A_789 = arith.constant 0 : i32
    %dma_wait3A_790 = tpu.memref_slice %arg3[%get3A_778, %dma_wait3A_789] : memref<1000000x32xf32, #tpu.memory_space<hbm>> -> memref<1x32xf32, #tpu.memory_space<hbm>>
    %dma_wait3A_791 = tpu.memref_squeeze %dma_wait3A_790 : memref<1x32xf32, #tpu.memory_space<hbm>> -> memref<32xf32, #tpu.memory_space<hbm>>
    tpu.wait_dma2 semaphore(%arg8 : memref<!tpu.dma_semaphore, #tpu.memory_space<semaphore_mem>>) src(%dma_wait3A_791 : memref<32xf32, #tpu.memory_space<hbm>>) dst(%dma_wait3A_788 : memref<32xf32, #tpu.memory_space<vmem>>)
    %get3A_792 = arith.constant 497 : i32
    %get3A_793 = arith.index_cast %get3A_792 : i32 to index
    %get3A_794 = memref.load %arg6[%get3A_793] : memref<512xi32, #tpu.memory_space<smem>>
    %dma_wait3A_795 = arith.constant 124 : i32
    %dma_wait3A_796 = arith.constant 32 : i32
    %dma_wait3A_797 = tpu.memref_slice %arg7[%dma_wait3A_795, %dma_wait3A_796] : memref<128x128xf32, #tpu.memory_space<vmem>> -> memref<1x32xf32, #tpu.memory_space<vmem>>
    %dma_wait3A_798 = tpu.memref_squeeze %dma_wait3A_797 : memref<1x32xf32, #tpu.memory_space<vmem>> -> memref<32xf32, #tpu.memory_space<vmem>>
    %dma_wait3A_799 = arith.constant 0 : i32
    %dma_wait3A_800 = tpu.memref_slice %arg3[%get3A_794, %dma_wait3A_799] : memref<1000000x32xf32, #tpu.memory_space<hbm>> -> memref<1x32xf32, #tpu.memory_space<hbm>>
    %dma_wait3A_801 = tpu.memref_squeeze %dma_wait3A_800 : memref<1x32xf32, #tpu.memory_space<hbm>> -> memref<32xf32, #tpu.memory_space<hbm>>
    %dma_wait3A_802 = arith.constant 32 : i32
    %dma_wait3A_803 = tpu.memref_slice %arg7[%dma_wait3A_795, %dma_wait3A_802] : memref<128x128xf32, #tpu.memory_space<vmem>> -> memref<1x32xf32, #tpu.memory_space<vmem>>
    %dma_wait3A_804 = tpu.memref_squeeze %dma_wait3A_803 : memref<1x32xf32, #tpu.memory_space<vmem>> -> memref<32xf32, #tpu.memory_space<vmem>>
    %dma_wait3A_805 = arith.constant 0 : i32
    %dma_wait3A_806 = tpu.memref_slice %arg3[%get3A_794, %dma_wait3A_805] : memref<1000000x32xf32, #tpu.memory_space<hbm>> -> memref<1x32xf32, #tpu.memory_space<hbm>>
    %dma_wait3A_807 = tpu.memref_squeeze %dma_wait3A_806 : memref<1x32xf32, #tpu.memory_space<hbm>> -> memref<32xf32, #tpu.memory_space<hbm>>
    tpu.wait_dma2 semaphore(%arg8 : memref<!tpu.dma_semaphore, #tpu.memory_space<semaphore_mem>>) src(%dma_wait3A_807 : memref<32xf32, #tpu.memory_space<hbm>>) dst(%dma_wait3A_804 : memref<32xf32, #tpu.memory_space<vmem>>)
    %get3A_808 = arith.constant 498 : i32
    %get3A_809 = arith.index_cast %get3A_808 : i32 to index
    %get3A_810 = memref.load %arg6[%get3A_809] : memref<512xi32, #tpu.memory_space<smem>>
    %dma_wait3A_811 = arith.constant 124 : i32
    %dma_wait3A_812 = arith.constant 64 : i32
    %dma_wait3A_813 = tpu.memref_slice %arg7[%dma_wait3A_811, %dma_wait3A_812] : memref<128x128xf32, #tpu.memory_space<vmem>> -> memref<1x32xf32, #tpu.memory_space<vmem>>
    %dma_wait3A_814 = tpu.memref_squeeze %dma_wait3A_813 : memref<1x32xf32, #tpu.memory_space<vmem>> -> memref<32xf32, #tpu.memory_space<vmem>>
    %dma_wait3A_815 = arith.constant 0 : i32
    %dma_wait3A_816 = tpu.memref_slice %arg3[%get3A_810, %dma_wait3A_815] : memref<1000000x32xf32, #tpu.memory_space<hbm>> -> memref<1x32xf32, #tpu.memory_space<hbm>>
    %dma_wait3A_817 = tpu.memref_squeeze %dma_wait3A_816 : memref<1x32xf32, #tpu.memory_space<hbm>> -> memref<32xf32, #tpu.memory_space<hbm>>
    %dma_wait3A_818 = arith.constant 64 : i32
    %dma_wait3A_819 = tpu.memref_slice %arg7[%dma_wait3A_811, %dma_wait3A_818] : memref<128x128xf32, #tpu.memory_space<vmem>> -> memref<1x32xf32, #tpu.memory_space<vmem>>
    %dma_wait3A_820 = tpu.memref_squeeze %dma_wait3A_819 : memref<1x32xf32, #tpu.memory_space<vmem>> -> memref<32xf32, #tpu.memory_space<vmem>>
    %dma_wait3A_821 = arith.constant 0 : i32
    %dma_wait3A_822 = tpu.memref_slice %arg3[%get3A_810, %dma_wait3A_821] : memref<1000000x32xf32, #tpu.memory_space<hbm>> -> memref<1x32xf32, #tpu.memory_space<hbm>>
    %dma_wait3A_823 = tpu.memref_squeeze %dma_wait3A_822 : memref<1x32xf32, #tpu.memory_space<hbm>> -> memref<32xf32, #tpu.memory_space<hbm>>
    tpu.wait_dma2 semaphore(%arg8 : memref<!tpu.dma_semaphore, #tpu.memory_space<semaphore_mem>>) src(%dma_wait3A_823 : memref<32xf32, #tpu.memory_space<hbm>>) dst(%dma_wait3A_820 : memref<32xf32, #tpu.memory_space<vmem>>)
    %get3A_824 = arith.constant 499 : i32
    %get3A_825 = arith.index_cast %get3A_824 : i32 to index
    %get3A_826 = memref.load %arg6[%get3A_825] : memref<512xi32, #tpu.memory_space<smem>>
    %dma_wait3A_827 = arith.constant 124 : i32
    %dma_wait3A_828 = arith.constant 96 : i32
    %dma_wait3A_829 = tpu.memref_slice %arg7[%dma_wait3A_827, %dma_wait3A_828] : memref<128x128xf32, #tpu.memory_space<vmem>> -> memref<1x32xf32, #tpu.memory_space<vmem>>
    %dma_wait3A_830 = tpu.memref_squeeze %dma_wait3A_829 : memref<1x32xf32, #tpu.memory_space<vmem>> -> memref<32xf32, #tpu.memory_space<vmem>>
    %dma_wait3A_831 = arith.constant 0 : i32
    %dma_wait3A_832 = tpu.memref_slice %arg3[%get3A_826, %dma_wait3A_831] : memref<1000000x32xf32, #tpu.memory_space<hbm>> -> memref<1x32xf32, #tpu.memory_space<hbm>>
    %dma_wait3A_833 = tpu.memref_squeeze %dma_wait3A_832 : memref<1x32xf32, #tpu.memory_space<hbm>> -> memref<32xf32, #tpu.memory_space<hbm>>
    %dma_wait3A_834 = arith.constant 96 : i32
    %dma_wait3A_835 = tpu.memref_slice %arg7[%dma_wait3A_827, %dma_wait3A_834] : memref<128x128xf32, #tpu.memory_space<vmem>> -> memref<1x32xf32, #tpu.memory_space<vmem>>
    %dma_wait3A_836 = tpu.memref_squeeze %dma_wait3A_835 : memref<1x32xf32, #tpu.memory_space<vmem>> -> memref<32xf32, #tpu.memory_space<vmem>>
    %dma_wait3A_837 = arith.constant 0 : i32
    %dma_wait3A_838 = tpu.memref_slice %arg3[%get3A_826, %dma_wait3A_837] : memref<1000000x32xf32, #tpu.memory_space<hbm>> -> memref<1x32xf32, #tpu.memory_space<hbm>>
    %dma_wait3A_839 = tpu.memref_squeeze %dma_wait3A_838 : memref<1x32xf32, #tpu.memory_space<hbm>> -> memref<32xf32, #tpu.memory_space<hbm>>
    tpu.wait_dma2 semaphore(%arg8 : memref<!tpu.dma_semaphore, #tpu.memory_space<semaphore_mem>>) src(%dma_wait3A_839 : memref<32xf32, #tpu.memory_space<hbm>>) dst(%dma_wait3A_836 : memref<32xf32, #tpu.memory_space<vmem>>)
    %get3A_840 = arith.constant 500 : i32
    %get3A_841 = arith.index_cast %get3A_840 : i32 to index
    %get3A_842 = memref.load %arg6[%get3A_841] : memref<512xi32, #tpu.memory_space<smem>>
    %dma_wait3A_843 = arith.constant 125 : i32
    %dma_wait3A_844 = arith.constant 0 : i32
    %dma_wait3A_845 = tpu.memref_slice %arg7[%dma_wait3A_843, %dma_wait3A_844] : memref<128x128xf32, #tpu.memory_space<vmem>> -> memref<1x32xf32, #tpu.memory_space<vmem>>
    %dma_wait3A_846 = tpu.memref_squeeze %dma_wait3A_845 : memref<1x32xf32, #tpu.memory_space<vmem>> -> memref<32xf32, #tpu.memory_space<vmem>>
    %dma_wait3A_847 = arith.constant 0 : i32
    %dma_wait3A_848 = tpu.memref_slice %arg3[%get3A_842, %dma_wait3A_847] : memref<1000000x32xf32, #tpu.memory_space<hbm>> -> memref<1x32xf32, #tpu.memory_space<hbm>>
    %dma_wait3A_849 = tpu.memref_squeeze %dma_wait3A_848 : memref<1x32xf32, #tpu.memory_space<hbm>> -> memref<32xf32, #tpu.memory_space<hbm>>
    %dma_wait3A_850 = arith.constant 0 : i32
    %dma_wait3A_851 = tpu.memref_slice %arg7[%dma_wait3A_843, %dma_wait3A_850] : memref<128x128xf32, #tpu.memory_space<vmem>> -> memref<1x32xf32, #tpu.memory_space<vmem>>
    %dma_wait3A_852 = tpu.memref_squeeze %dma_wait3A_851 : memref<1x32xf32, #tpu.memory_space<vmem>> -> memref<32xf32, #tpu.memory_space<vmem>>
    %dma_wait3A_853 = arith.constant 0 : i32
    %dma_wait3A_854 = tpu.memref_slice %arg3[%get3A_842, %dma_wait3A_853] : memref<1000000x32xf32, #tpu.memory_space<hbm>> -> memref<1x32xf32, #tpu.memory_space<hbm>>
    %dma_wait3A_855 = tpu.memref_squeeze %dma_wait3A_854 : memref<1x32xf32, #tpu.memory_space<hbm>> -> memref<32xf32, #tpu.memory_space<hbm>>
    tpu.wait_dma2 semaphore(%arg8 : memref<!tpu.dma_semaphore, #tpu.memory_space<semaphore_mem>>) src(%dma_wait3A_855 : memref<32xf32, #tpu.memory_space<hbm>>) dst(%dma_wait3A_852 : memref<32xf32, #tpu.memory_space<vmem>>)
    %get3A_856 = arith.constant 501 : i32
    %get3A_857 = arith.index_cast %get3A_856 : i32 to index
    %get3A_858 = memref.load %arg6[%get3A_857] : memref<512xi32, #tpu.memory_space<smem>>
    %dma_wait3A_859 = arith.constant 125 : i32
    %dma_wait3A_860 = arith.constant 32 : i32
    %dma_wait3A_861 = tpu.memref_slice %arg7[%dma_wait3A_859, %dma_wait3A_860] : memref<128x128xf32, #tpu.memory_space<vmem>> -> memref<1x32xf32, #tpu.memory_space<vmem>>
    %dma_wait3A_862 = tpu.memref_squeeze %dma_wait3A_861 : memref<1x32xf32, #tpu.memory_space<vmem>> -> memref<32xf32, #tpu.memory_space<vmem>>
    %dma_wait3A_863 = arith.constant 0 : i32
    %dma_wait3A_864 = tpu.memref_slice %arg3[%get3A_858, %dma_wait3A_863] : memref<1000000x32xf32, #tpu.memory_space<hbm>> -> memref<1x32xf32, #tpu.memory_space<hbm>>
    %dma_wait3A_865 = tpu.memref_squeeze %dma_wait3A_864 : memref<1x32xf32, #tpu.memory_space<hbm>> -> memref<32xf32, #tpu.memory_space<hbm>>
    %dma_wait3A_866 = arith.constant 32 : i32
    %dma_wait3A_867 = tpu.memref_slice %arg7[%dma_wait3A_859, %dma_wait3A_866] : memref<128x128xf32, #tpu.memory_space<vmem>> -> memref<1x32xf32, #tpu.memory_space<vmem>>
    %dma_wait3A_868 = tpu.memref_squeeze %dma_wait3A_867 : memref<1x32xf32, #tpu.memory_space<vmem>> -> memref<32xf32, #tpu.memory_space<vmem>>
    %dma_wait3A_869 = arith.constant 0 : i32
    %dma_wait3A_870 = tpu.memref_slice %arg3[%get3A_858, %dma_wait3A_869] : memref<1000000x32xf32, #tpu.memory_space<hbm>> -> memref<1x32xf32, #tpu.memory_space<hbm>>
    %dma_wait3A_871 = tpu.memref_squeeze %dma_wait3A_870 : memref<1x32xf32, #tpu.memory_space<hbm>> -> memref<32xf32, #tpu.memory_space<hbm>>
    tpu.wait_dma2 semaphore(%arg8 : memref<!tpu.dma_semaphore, #tpu.memory_space<semaphore_mem>>) src(%dma_wait3A_871 : memref<32xf32, #tpu.memory_space<hbm>>) dst(%dma_wait3A_868 : memref<32xf32, #tpu.memory_space<vmem>>)
    %get3A_872 = arith.constant 502 : i32
    %get3A_873 = arith.index_cast %get3A_872 : i32 to index
    %get3A_874 = memref.load %arg6[%get3A_873] : memref<512xi32, #tpu.memory_space<smem>>
    %dma_wait3A_875 = arith.constant 125 : i32
    %dma_wait3A_876 = arith.constant 64 : i32
    %dma_wait3A_877 = tpu.memref_slice %arg7[%dma_wait3A_875, %dma_wait3A_876] : memref<128x128xf32, #tpu.memory_space<vmem>> -> memref<1x32xf32, #tpu.memory_space<vmem>>
    %dma_wait3A_878 = tpu.memref_squeeze %dma_wait3A_877 : memref<1x32xf32, #tpu.memory_space<vmem>> -> memref<32xf32, #tpu.memory_space<vmem>>
    %dma_wait3A_879 = arith.constant 0 : i32
    %dma_wait3A_880 = tpu.memref_slice %arg3[%get3A_874, %dma_wait3A_879] : memref<1000000x32xf32, #tpu.memory_space<hbm>> -> memref<1x32xf32, #tpu.memory_space<hbm>>
    %dma_wait3A_881 = tpu.memref_squeeze %dma_wait3A_880 : memref<1x32xf32, #tpu.memory_space<hbm>> -> memref<32xf32, #tpu.memory_space<hbm>>
    %dma_wait3A_882 = arith.constant 64 : i32
    %dma_wait3A_883 = tpu.memref_slice %arg7[%dma_wait3A_875, %dma_wait3A_882] : memref<128x128xf32, #tpu.memory_space<vmem>> -> memref<1x32xf32, #tpu.memory_space<vmem>>
    %dma_wait3A_884 = tpu.memref_squeeze %dma_wait3A_883 : memref<1x32xf32, #tpu.memory_space<vmem>> -> memref<32xf32, #tpu.memory_space<vmem>>
    %dma_wait3A_885 = arith.constant 0 : i32
    %dma_wait3A_886 = tpu.memref_slice %arg3[%get3A_874, %dma_wait3A_885] : memref<1000000x32xf32, #tpu.memory_space<hbm>> -> memref<1x32xf32, #tpu.memory_space<hbm>>
    %dma_wait3A_887 = tpu.memref_squeeze %dma_wait3A_886 : memref<1x32xf32, #tpu.memory_space<hbm>> -> memref<32xf32, #tpu.memory_space<hbm>>
    tpu.wait_dma2 semaphore(%arg8 : memref<!tpu.dma_semaphore, #tpu.memory_space<semaphore_mem>>) src(%dma_wait3A_887 : memref<32xf32, #tpu.memory_space<hbm>>) dst(%dma_wait3A_884 : memref<32xf32, #tpu.memory_space<vmem>>)
    %get3A_888 = arith.constant 503 : i32
    %get3A_889 = arith.index_cast %get3A_888 : i32 to index
    %get3A_890 = memref.load %arg6[%get3A_889] : memref<512xi32, #tpu.memory_space<smem>>
    %dma_wait3A_891 = arith.constant 125 : i32
    %dma_wait3A_892 = arith.constant 96 : i32
    %dma_wait3A_893 = tpu.memref_slice %arg7[%dma_wait3A_891, %dma_wait3A_892] : memref<128x128xf32, #tpu.memory_space<vmem>> -> memref<1x32xf32, #tpu.memory_space<vmem>>
    %dma_wait3A_894 = tpu.memref_squeeze %dma_wait3A_893 : memref<1x32xf32, #tpu.memory_space<vmem>> -> memref<32xf32, #tpu.memory_space<vmem>>
    %dma_wait3A_895 = arith.constant 0 : i32
    %dma_wait3A_896 = tpu.memref_slice %arg3[%get3A_890, %dma_wait3A_895] : memref<1000000x32xf32, #tpu.memory_space<hbm>> -> memref<1x32xf32, #tpu.memory_space<hbm>>
    %dma_wait3A_897 = tpu.memref_squeeze %dma_wait3A_896 : memref<1x32xf32, #tpu.memory_space<hbm>> -> memref<32xf32, #tpu.memory_space<hbm>>
    %dma_wait3A_898 = arith.constant 96 : i32
    %dma_wait3A_899 = tpu.memref_slice %arg7[%dma_wait3A_891, %dma_wait3A_898] : memref<128x128xf32, #tpu.memory_space<vmem>> -> memref<1x32xf32, #tpu.memory_space<vmem>>
    %dma_wait3A_900 = tpu.memref_squeeze %dma_wait3A_899 : memref<1x32xf32, #tpu.memory_space<vmem>> -> memref<32xf32, #tpu.memory_space<vmem>>
    %dma_wait3A_901 = arith.constant 0 : i32
    %dma_wait3A_902 = tpu.memref_slice %arg3[%get3A_890, %dma_wait3A_901] : memref<1000000x32xf32, #tpu.memory_space<hbm>> -> memref<1x32xf32, #tpu.memory_space<hbm>>
    %dma_wait3A_903 = tpu.memref_squeeze %dma_wait3A_902 : memref<1x32xf32, #tpu.memory_space<hbm>> -> memref<32xf32, #tpu.memory_space<hbm>>
    tpu.wait_dma2 semaphore(%arg8 : memref<!tpu.dma_semaphore, #tpu.memory_space<semaphore_mem>>) src(%dma_wait3A_903 : memref<32xf32, #tpu.memory_space<hbm>>) dst(%dma_wait3A_900 : memref<32xf32, #tpu.memory_space<vmem>>)
    %get3A_904 = arith.constant 504 : i32
    %get3A_905 = arith.index_cast %get3A_904 : i32 to index
    %get3A_906 = memref.load %arg6[%get3A_905] : memref<512xi32, #tpu.memory_space<smem>>
    %dma_wait3A_907 = arith.constant 126 : i32
    %dma_wait3A_908 = arith.constant 0 : i32
    %dma_wait3A_909 = tpu.memref_slice %arg7[%dma_wait3A_907, %dma_wait3A_908] : memref<128x128xf32, #tpu.memory_space<vmem>> -> memref<1x32xf32, #tpu.memory_space<vmem>>
    %dma_wait3A_910 = tpu.memref_squeeze %dma_wait3A_909 : memref<1x32xf32, #tpu.memory_space<vmem>> -> memref<32xf32, #tpu.memory_space<vmem>>
    %dma_wait3A_911 = arith.constant 0 : i32
    %dma_wait3A_912 = tpu.memref_slice %arg3[%get3A_906, %dma_wait3A_911] : memref<1000000x32xf32, #tpu.memory_space<hbm>> -> memref<1x32xf32, #tpu.memory_space<hbm>>
    %dma_wait3A_913 = tpu.memref_squeeze %dma_wait3A_912 : memref<1x32xf32, #tpu.memory_space<hbm>> -> memref<32xf32, #tpu.memory_space<hbm>>
    %dma_wait3A_914 = arith.constant 0 : i32
    %dma_wait3A_915 = tpu.memref_slice %arg7[%dma_wait3A_907, %dma_wait3A_914] : memref<128x128xf32, #tpu.memory_space<vmem>> -> memref<1x32xf32, #tpu.memory_space<vmem>>
    %dma_wait3A_916 = tpu.memref_squeeze %dma_wait3A_915 : memref<1x32xf32, #tpu.memory_space<vmem>> -> memref<32xf32, #tpu.memory_space<vmem>>
    %dma_wait3A_917 = arith.constant 0 : i32
    %dma_wait3A_918 = tpu.memref_slice %arg3[%get3A_906, %dma_wait3A_917] : memref<1000000x32xf32, #tpu.memory_space<hbm>> -> memref<1x32xf32, #tpu.memory_space<hbm>>
    %dma_wait3A_919 = tpu.memref_squeeze %dma_wait3A_918 : memref<1x32xf32, #tpu.memory_space<hbm>> -> memref<32xf32, #tpu.memory_space<hbm>>
    tpu.wait_dma2 semaphore(%arg8 : memref<!tpu.dma_semaphore, #tpu.memory_space<semaphore_mem>>) src(%dma_wait3A_919 : memref<32xf32, #tpu.memory_space<hbm>>) dst(%dma_wait3A_916 : memref<32xf32, #tpu.memory_space<vmem>>)
    %get3A_920 = arith.constant 505 : i32
    %get3A_921 = arith.index_cast %get3A_920 : i32 to index
    %get3A_922 = memref.load %arg6[%get3A_921] : memref<512xi32, #tpu.memory_space<smem>>
    %dma_wait3A_923 = arith.constant 126 : i32
    %dma_wait3A_924 = arith.constant 32 : i32
    %dma_wait3A_925 = tpu.memref_slice %arg7[%dma_wait3A_923, %dma_wait3A_924] : memref<128x128xf32, #tpu.memory_space<vmem>> -> memref<1x32xf32, #tpu.memory_space<vmem>>
    %dma_wait3A_926 = tpu.memref_squeeze %dma_wait3A_925 : memref<1x32xf32, #tpu.memory_space<vmem>> -> memref<32xf32, #tpu.memory_space<vmem>>
    %dma_wait3A_927 = arith.constant 0 : i32
    %dma_wait3A_928 = tpu.memref_slice %arg3[%get3A_922, %dma_wait3A_927] : memref<1000000x32xf32, #tpu.memory_space<hbm>> -> memref<1x32xf32, #tpu.memory_space<hbm>>
    %dma_wait3A_929 = tpu.memref_squeeze %dma_wait3A_928 : memref<1x32xf32, #tpu.memory_space<hbm>> -> memref<32xf32, #tpu.memory_space<hbm>>
    %dma_wait3A_930 = arith.constant 32 : i32
    %dma_wait3A_931 = tpu.memref_slice %arg7[%dma_wait3A_923, %dma_wait3A_930] : memref<128x128xf32, #tpu.memory_space<vmem>> -> memref<1x32xf32, #tpu.memory_space<vmem>>
    %dma_wait3A_932 = tpu.memref_squeeze %dma_wait3A_931 : memref<1x32xf32, #tpu.memory_space<vmem>> -> memref<32xf32, #tpu.memory_space<vmem>>
    %dma_wait3A_933 = arith.constant 0 : i32
    %dma_wait3A_934 = tpu.memref_slice %arg3[%get3A_922, %dma_wait3A_933] : memref<1000000x32xf32, #tpu.memory_space<hbm>> -> memref<1x32xf32, #tpu.memory_space<hbm>>
    %dma_wait3A_935 = tpu.memref_squeeze %dma_wait3A_934 : memref<1x32xf32, #tpu.memory_space<hbm>> -> memref<32xf32, #tpu.memory_space<hbm>>
    tpu.wait_dma2 semaphore(%arg8 : memref<!tpu.dma_semaphore, #tpu.memory_space<semaphore_mem>>) src(%dma_wait3A_935 : memref<32xf32, #tpu.memory_space<hbm>>) dst(%dma_wait3A_932 : memref<32xf32, #tpu.memory_space<vmem>>)
    %get3A_936 = arith.constant 506 : i32
    %get3A_937 = arith.index_cast %get3A_936 : i32 to index
    %get3A_938 = memref.load %arg6[%get3A_937] : memref<512xi32, #tpu.memory_space<smem>>
    %dma_wait3A_939 = arith.constant 126 : i32
    %dma_wait3A_940 = arith.constant 64 : i32
    %dma_wait3A_941 = tpu.memref_slice %arg7[%dma_wait3A_939, %dma_wait3A_940] : memref<128x128xf32, #tpu.memory_space<vmem>> -> memref<1x32xf32, #tpu.memory_space<vmem>>
    %dma_wait3A_942 = tpu.memref_squeeze %dma_wait3A_941 : memref<1x32xf32, #tpu.memory_space<vmem>> -> memref<32xf32, #tpu.memory_space<vmem>>
    %dma_wait3A_943 = arith.constant 0 : i32
    %dma_wait3A_944 = tpu.memref_slice %arg3[%get3A_938, %dma_wait3A_943] : memref<1000000x32xf32, #tpu.memory_space<hbm>> -> memref<1x32xf32, #tpu.memory_space<hbm>>
    %dma_wait3A_945 = tpu.memref_squeeze %dma_wait3A_944 : memref<1x32xf32, #tpu.memory_space<hbm>> -> memref<32xf32, #tpu.memory_space<hbm>>
    %dma_wait3A_946 = arith.constant 64 : i32
    %dma_wait3A_947 = tpu.memref_slice %arg7[%dma_wait3A_939, %dma_wait3A_946] : memref<128x128xf32, #tpu.memory_space<vmem>> -> memref<1x32xf32, #tpu.memory_space<vmem>>
    %dma_wait3A_948 = tpu.memref_squeeze %dma_wait3A_947 : memref<1x32xf32, #tpu.memory_space<vmem>> -> memref<32xf32, #tpu.memory_space<vmem>>
    %dma_wait3A_949 = arith.constant 0 : i32
    %dma_wait3A_950 = tpu.memref_slice %arg3[%get3A_938, %dma_wait3A_949] : memref<1000000x32xf32, #tpu.memory_space<hbm>> -> memref<1x32xf32, #tpu.memory_space<hbm>>
    %dma_wait3A_951 = tpu.memref_squeeze %dma_wait3A_950 : memref<1x32xf32, #tpu.memory_space<hbm>> -> memref<32xf32, #tpu.memory_space<hbm>>
    tpu.wait_dma2 semaphore(%arg8 : memref<!tpu.dma_semaphore, #tpu.memory_space<semaphore_mem>>) src(%dma_wait3A_951 : memref<32xf32, #tpu.memory_space<hbm>>) dst(%dma_wait3A_948 : memref<32xf32, #tpu.memory_space<vmem>>)
    %get3A_952 = arith.constant 507 : i32
    %get3A_953 = arith.index_cast %get3A_952 : i32 to index
    %get3A_954 = memref.load %arg6[%get3A_953] : memref<512xi32, #tpu.memory_space<smem>>
    %dma_wait3A_955 = arith.constant 126 : i32
    %dma_wait3A_956 = arith.constant 96 : i32
    %dma_wait3A_957 = tpu.memref_slice %arg7[%dma_wait3A_955, %dma_wait3A_956] : memref<128x128xf32, #tpu.memory_space<vmem>> -> memref<1x32xf32, #tpu.memory_space<vmem>>
    %dma_wait3A_958 = tpu.memref_squeeze %dma_wait3A_957 : memref<1x32xf32, #tpu.memory_space<vmem>> -> memref<32xf32, #tpu.memory_space<vmem>>
    %dma_wait3A_959 = arith.constant 0 : i32
    %dma_wait3A_960 = tpu.memref_slice %arg3[%get3A_954, %dma_wait3A_959] : memref<1000000x32xf32, #tpu.memory_space<hbm>> -> memref<1x32xf32, #tpu.memory_space<hbm>>
    %dma_wait3A_961 = tpu.memref_squeeze %dma_wait3A_960 : memref<1x32xf32, #tpu.memory_space<hbm>> -> memref<32xf32, #tpu.memory_space<hbm>>
    %dma_wait3A_962 = arith.constant 96 : i32
    %dma_wait3A_963 = tpu.memref_slice %arg7[%dma_wait3A_955, %dma_wait3A_962] : memref<128x128xf32, #tpu.memory_space<vmem>> -> memref<1x32xf32, #tpu.memory_space<vmem>>
    %dma_wait3A_964 = tpu.memref_squeeze %dma_wait3A_963 : memref<1x32xf32, #tpu.memory_space<vmem>> -> memref<32xf32, #tpu.memory_space<vmem>>
    %dma_wait3A_965 = arith.constant 0 : i32
    %dma_wait3A_966 = tpu.memref_slice %arg3[%get3A_954, %dma_wait3A_965] : memref<1000000x32xf32, #tpu.memory_space<hbm>> -> memref<1x32xf32, #tpu.memory_space<hbm>>
    %dma_wait3A_967 = tpu.memref_squeeze %dma_wait3A_966 : memref<1x32xf32, #tpu.memory_space<hbm>> -> memref<32xf32, #tpu.memory_space<hbm>>
    tpu.wait_dma2 semaphore(%arg8 : memref<!tpu.dma_semaphore, #tpu.memory_space<semaphore_mem>>) src(%dma_wait3A_967 : memref<32xf32, #tpu.memory_space<hbm>>) dst(%dma_wait3A_964 : memref<32xf32, #tpu.memory_space<vmem>>)
    %get3A_968 = arith.constant 508 : i32
    %get3A_969 = arith.index_cast %get3A_968 : i32 to index
    %get3A_970 = memref.load %arg6[%get3A_969] : memref<512xi32, #tpu.memory_space<smem>>
    %dma_wait3A_971 = arith.constant 127 : i32
    %dma_wait3A_972 = arith.constant 0 : i32
    %dma_wait3A_973 = tpu.memref_slice %arg7[%dma_wait3A_971, %dma_wait3A_972] : memref<128x128xf32, #tpu.memory_space<vmem>> -> memref<1x32xf32, #tpu.memory_space<vmem>>
    %dma_wait3A_974 = tpu.memref_squeeze %dma_wait3A_973 : memref<1x32xf32, #tpu.memory_space<vmem>> -> memref<32xf32, #tpu.memory_space<vmem>>
    %dma_wait3A_975 = arith.constant 0 : i32
    %dma_wait3A_976 = tpu.memref_slice %arg3[%get3A_970, %dma_wait3A_975] : memref<1000000x32xf32, #tpu.memory_space<hbm>> -> memref<1x32xf32, #tpu.memory_space<hbm>>
    %dma_wait3A_977 = tpu.memref_squeeze %dma_wait3A_976 : memref<1x32xf32, #tpu.memory_space<hbm>> -> memref<32xf32, #tpu.memory_space<hbm>>
    %dma_wait3A_978 = arith.constant 0 : i32
    %dma_wait3A_979 = tpu.memref_slice %arg7[%dma_wait3A_971, %dma_wait3A_978] : memref<128x128xf32, #tpu.memory_space<vmem>> -> memref<1x32xf32, #tpu.memory_space<vmem>>
    %dma_wait3A_980 = tpu.memref_squeeze %dma_wait3A_979 : memref<1x32xf32, #tpu.memory_space<vmem>> -> memref<32xf32, #tpu.memory_space<vmem>>
    %dma_wait3A_981 = arith.constant 0 : i32
    %dma_wait3A_982 = tpu.memref_slice %arg3[%get3A_970, %dma_wait3A_981] : memref<1000000x32xf32, #tpu.memory_space<hbm>> -> memref<1x32xf32, #tpu.memory_space<hbm>>
    %dma_wait3A_983 = tpu.memref_squeeze %dma_wait3A_982 : memref<1x32xf32, #tpu.memory_space<hbm>> -> memref<32xf32, #tpu.memory_space<hbm>>
    tpu.wait_dma2 semaphore(%arg8 : memref<!tpu.dma_semaphore, #tpu.memory_space<semaphore_mem>>) src(%dma_wait3A_983 : memref<32xf32, #tpu.memory_space<hbm>>) dst(%dma_wait3A_980 : memref<32xf32, #tpu.memory_space<vmem>>)
    %get3A_984 = arith.constant 509 : i32
    %get3A_985 = arith.index_cast %get3A_984 : i32 to index
    %get3A_986 = memref.load %arg6[%get3A_985] : memref<512xi32, #tpu.memory_space<smem>>
    %dma_wait3A_987 = arith.constant 127 : i32
    %dma_wait3A_988 = arith.constant 32 : i32
    %dma_wait3A_989 = tpu.memref_slice %arg7[%dma_wait3A_987, %dma_wait3A_988] : memref<128x128xf32, #tpu.memory_space<vmem>> -> memref<1x32xf32, #tpu.memory_space<vmem>>
    %dma_wait3A_990 = tpu.memref_squeeze %dma_wait3A_989 : memref<1x32xf32, #tpu.memory_space<vmem>> -> memref<32xf32, #tpu.memory_space<vmem>>
    %dma_wait3A_991 = arith.constant 0 : i32
    %dma_wait3A_992 = tpu.memref_slice %arg3[%get3A_986, %dma_wait3A_991] : memref<1000000x32xf32, #tpu.memory_space<hbm>> -> memref<1x32xf32, #tpu.memory_space<hbm>>
    %dma_wait3A_993 = tpu.memref_squeeze %dma_wait3A_992 : memref<1x32xf32, #tpu.memory_space<hbm>> -> memref<32xf32, #tpu.memory_space<hbm>>
    %dma_wait3A_994 = arith.constant 32 : i32
    %dma_wait3A_995 = tpu.memref_slice %arg7[%dma_wait3A_987, %dma_wait3A_994] : memref<128x128xf32, #tpu.memory_space<vmem>> -> memref<1x32xf32, #tpu.memory_space<vmem>>
    %dma_wait3A_996 = tpu.memref_squeeze %dma_wait3A_995 : memref<1x32xf32, #tpu.memory_space<vmem>> -> memref<32xf32, #tpu.memory_space<vmem>>
    %dma_wait3A_997 = arith.constant 0 : i32
    %dma_wait3A_998 = tpu.memref_slice %arg3[%get3A_986, %dma_wait3A_997] : memref<1000000x32xf32, #tpu.memory_space<hbm>> -> memref<1x32xf32, #tpu.memory_space<hbm>>
    %dma_wait3A_999 = tpu.memref_squeeze %dma_wait3A_998 : memref<1x32xf32, #tpu.memory_space<hbm>> -> memref<32xf32, #tpu.memory_space<hbm>>
    tpu.wait_dma2 semaphore(%arg8 : memref<!tpu.dma_semaphore, #tpu.memory_space<semaphore_mem>>) src(%dma_wait3A_999 : memref<32xf32, #tpu.memory_space<hbm>>) dst(%dma_wait3A_996 : memref<32xf32, #tpu.memory_space<vmem>>)
    %get3A_1000 = arith.constant 510 : i32
    %get3A_1001 = arith.index_cast %get3A_1000 : i32 to index
    %get3A_1002 = memref.load %arg6[%get3A_1001] : memref<512xi32, #tpu.memory_space<smem>>
    %dma_wait3A_1003 = arith.constant 127 : i32
    %dma_wait3A_1004 = arith.constant 64 : i32
    %dma_wait3A_1005 = tpu.memref_slice %arg7[%dma_wait3A_1003, %dma_wait3A_1004] : memref<128x128xf32, #tpu.memory_space<vmem>> -> memref<1x32xf32, #tpu.memory_space<vmem>>
    %dma_wait3A_1006 = tpu.memref_squeeze %dma_wait3A_1005 : memref<1x32xf32, #tpu.memory_space<vmem>> -> memref<32xf32, #tpu.memory_space<vmem>>
    %dma_wait3A_1007 = arith.constant 0 : i32
    %dma_wait3A_1008 = tpu.memref_slice %arg3[%get3A_1002, %dma_wait3A_1007] : memref<1000000x32xf32, #tpu.memory_space<hbm>> -> memref<1x32xf32, #tpu.memory_space<hbm>>
    %dma_wait3A_1009 = tpu.memref_squeeze %dma_wait3A_1008 : memref<1x32xf32, #tpu.memory_space<hbm>> -> memref<32xf32, #tpu.memory_space<hbm>>
    %dma_wait3A_1010 = arith.constant 64 : i32
    %dma_wait3A_1011 = tpu.memref_slice %arg7[%dma_wait3A_1003, %dma_wait3A_1010] : memref<128x128xf32, #tpu.memory_space<vmem>> -> memref<1x32xf32, #tpu.memory_space<vmem>>
    %dma_wait3A_1012 = tpu.memref_squeeze %dma_wait3A_1011 : memref<1x32xf32, #tpu.memory_space<vmem>> -> memref<32xf32, #tpu.memory_space<vmem>>
    %dma_wait3A_1013 = arith.constant 0 : i32
    %dma_wait3A_1014 = tpu.memref_slice %arg3[%get3A_1002, %dma_wait3A_1013] : memref<1000000x32xf32, #tpu.memory_space<hbm>> -> memref<1x32xf32, #tpu.memory_space<hbm>>
    %dma_wait3A_1015 = tpu.memref_squeeze %dma_wait3A_1014 : memref<1x32xf32, #tpu.memory_space<hbm>> -> memref<32xf32, #tpu.memory_space<hbm>>
    tpu.wait_dma2 semaphore(%arg8 : memref<!tpu.dma_semaphore, #tpu.memory_space<semaphore_mem>>) src(%dma_wait3A_1015 : memref<32xf32, #tpu.memory_space<hbm>>) dst(%dma_wait3A_1012 : memref<32xf32, #tpu.memory_space<vmem>>)
    %get3A_1016 = arith.constant 511 : i32
    %get3A_1017 = arith.index_cast %get3A_1016 : i32 to index
    %get3A_1018 = memref.load %arg6[%get3A_1017] : memref<512xi32, #tpu.memory_space<smem>>
    %dma_wait3A_1019 = arith.constant 127 : i32
    %dma_wait3A_1020 = arith.constant 96 : i32
    %dma_wait3A_1021 = tpu.memref_slice %arg7[%dma_wait3A_1019, %dma_wait3A_1020] : memref<128x128xf32, #tpu.memory_space<vmem>> -> memref<1x32xf32, #tpu.memory_space<vmem>>
    %dma_wait3A_1022 = tpu.memref_squeeze %dma_wait3A_1021 : memref<1x32xf32, #tpu.memory_space<vmem>> -> memref<32xf32, #tpu.memory_space<vmem>>
    %dma_wait3A_1023 = arith.constant 0 : i32
    %dma_wait3A_1024 = tpu.memref_slice %arg3[%get3A_1018, %dma_wait3A_1023] : memref<1000000x32xf32, #tpu.memory_space<hbm>> -> memref<1x32xf32, #tpu.memory_space<hbm>>
    %dma_wait3A_1025 = tpu.memref_squeeze %dma_wait3A_1024 : memref<1x32xf32, #tpu.memory_space<hbm>> -> memref<32xf32, #tpu.memory_space<hbm>>
    %dma_wait3A_1026 = arith.constant 96 : i32
    %dma_wait3A_1027 = tpu.memref_slice %arg7[%dma_wait3A_1019, %dma_wait3A_1026] : memref<128x128xf32, #tpu.memory_space<vmem>> -> memref<1x32xf32, #tpu.memory_space<vmem>>
    %dma_wait3A_1028 = tpu.memref_squeeze %dma_wait3A_1027 : memref<1x32xf32, #tpu.memory_space<vmem>> -> memref<32xf32, #tpu.memory_space<vmem>>
    %dma_wait3A_1029 = arith.constant 0 : i32
    %dma_wait3A_1030 = tpu.memref_slice %arg3[%get3A_1018, %dma_wait3A_1029] : memref<1000000x32xf32, #tpu.memory_space<hbm>> -> memref<1x32xf32, #tpu.memory_space<hbm>>
    %dma_wait3A_1031 = tpu.memref_squeeze %dma_wait3A_1030 : memref<1x32xf32, #tpu.memory_space<hbm>> -> memref<32xf32, #tpu.memory_space<hbm>>
    tpu.wait_dma2 semaphore(%arg8 : memref<!tpu.dma_semaphore, #tpu.memory_space<semaphore_mem>>) src(%dma_wait3A_1031 : memref<32xf32, #tpu.memory_space<hbm>>) dst(%dma_wait3A_1028 : memref<32xf32, #tpu.memory_space<vmem>>)
    "tpu.region"() ({
      %run_scoped3A = tpu.sem_alloc : memref<!tpu.dma_semaphore, #tpu.memory_space<semaphore_mem>>
      %dma_start3A = arith.constant 0 : i32
      %dma_start3A_1032 = arith.constant 0 : i32
      %dma_start3A_1033 = tpu.memref_slice %arg4[%add3A, %dma_start3A, %dma_start3A_1032] : memref<32x128x128xf32, #tpu.memory_space<hbm>> -> memref<1x128x128xf32, #tpu.memory_space<hbm>>
      %dma_start3A_1034 = tpu.memref_squeeze %dma_start3A_1033 : memref<1x128x128xf32, #tpu.memory_space<hbm>> -> memref<128x128xf32, #tpu.memory_space<hbm>>
      %dma_start3A_1035 = arith.constant 0 : i32
      %dma_start3A_1036 = arith.constant 0 : i32
      %dma_start3A_1037 = tpu.memref_slice %arg4[%add3A, %dma_start3A_1035, %dma_start3A_1036] : memref<32x128x128xf32, #tpu.memory_space<hbm>> -> memref<1x128x128xf32, #tpu.memory_space<hbm>>
      %dma_start3A_1038 = tpu.memref_squeeze %dma_start3A_1037 : memref<1x128x128xf32, #tpu.memory_space<hbm>> -> memref<128x128xf32, #tpu.memory_space<hbm>>
      tpu.enqueue_dma source(%arg7 : memref<128x128xf32, #tpu.memory_space<vmem>>) target(%dma_start3A_1038 : memref<128x128xf32, #tpu.memory_space<hbm>>) target_semaphore(%run_scoped3A : memref<!tpu.dma_semaphore, #tpu.memory_space<semaphore_mem>>)
      %dma_wait3A_1039 = arith.constant 0 : i32
      %dma_wait3A_1040 = arith.constant 0 : i32
      %dma_wait3A_1041 = tpu.memref_slice %arg4[%add3A, %dma_wait3A_1039, %dma_wait3A_1040] : memref<32x128x128xf32, #tpu.memory_space<hbm>> -> memref<1x128x128xf32, #tpu.memory_space<hbm>>
      %dma_wait3A_1042 = tpu.memref_squeeze %dma_wait3A_1041 : memref<1x128x128xf32, #tpu.memory_space<hbm>> -> memref<128x128xf32, #tpu.memory_space<hbm>>
      %dma_wait3A_1043 = arith.constant 0 : i32
      %dma_wait3A_1044 = arith.constant 0 : i32
      %dma_wait3A_1045 = tpu.memref_slice %arg4[%add3A, %dma_wait3A_1043, %dma_wait3A_1044] : memref<32x128x128xf32, #tpu.memory_space<hbm>> -> memref<1x128x128xf32, #tpu.memory_space<hbm>>
      %dma_wait3A_1046 = tpu.memref_squeeze %dma_wait3A_1045 : memref<1x128x128xf32, #tpu.memory_space<hbm>> -> memref<128x128xf32, #tpu.memory_space<hbm>>
      tpu.wait_dma2 semaphore(%run_scoped3A : memref<!tpu.dma_semaphore, #tpu.memory_space<semaphore_mem>>) src(%arg7 : memref<128x128xf32, #tpu.memory_space<vmem>>) dst(%dma_wait3A_1046 : memref<128x128xf32, #tpu.memory_space<hbm>>)
      tpu.yield
    }) : () -> ()
    return
  }
}

</mosaic_0001>

<sc_bundles>
// kernel: kernel.3.cloned.1.call-start
scs
__scs_entry_jumppad:
0x0: {  	(pc) =	sbr.rel $0x88, $3  }
0x1: {  	(tag) =	ssettag $0x0;
	lr =	simm.s32 $0x1  }
0x2: {  	[smem:$0x3F9F] =	sst lr;
	_ =	strace $0xD0000000  }
0x3: {  	_ = 	snop  }
0x4: {  	_ = 	snop  }
0x5: {  	_ = 	snop  }
0x6: {  	_ = 	snop  }
0x7: {  	_ = 	snop  }
__scs_overlays_trampoline_lowered:
0x8: {  	[smem:$0x3FAE] =	sst s0  }
0x9: {  	[smem:$0x3FAF] =	sst s1  }
0xa: {  	[smem:$0x3FB0] =	sst s2  }
0xb: {  	[smem:$0x3FB1] =	sst s3  }
0xc: {  	[smem:$0x3FB2] =	sst s4  }
0xd: {  	[smem:$0x3FB3] =	sst s5  }
0xe: {  	[smem:$0x3FB4] =	sst s6  }
0xf: {  	[smem:$0x3FB5] =	sst s7  }
0x10: {  	[smem:$0x3FB6] =	sst s8  }
0x11: {  	[smem:$0x3FB7] =	sst s9;
	s0 =	simm.s32 @!p0 $0x0  }
0x12: {  	s1 =	sld [smem:$0x3F9D];
	s0 =	simm.s32 @p0 $0x1  }
0x13: {  	[smem:$0x3FB8] =	sst s0;
	s0 =	simm.s32 @!p1 $0x0  }
0x14: {  	s2 =	sld [smem:$0x3F9C];
	s0 =	simm.s32 @p1 $0x1  }
0x15: {  	[smem:$0x3FB9] =	sst s0;
	s0 =	simm.s32 @!p2 $0x0  }
0x16: {  	s3 =	sld [smem:$0x3FDB];
	s0 =	simm.s32 @p2 $0x1  }
0x17: {  	s4 =	simm.s32 $0x1BF5;
	[smem:$0x3FBB] =	sst s0  }
0x18: {  	s0 =	sld [smem:$0x3F9E];
	_ =	swait.ge [sflag:s4], $0x0  }
0x19: {  	s7 =	sld [smem:$0x3F9F]  }
0x1a: {  	s8 =	sadd.s32 $0xFFFFE003, lr  }
0x1b: {  	s9 =	sadd.s32 $0xFFFFFEF7, lr;
	s5 =	simm.s32 $0xFFFFFFFF;
	p2 =	slt.u32 s8, $0xFFFFF086  }
0x1c: {  	p1 =	slt.u32 s9, $0xF7A;
	s5 =	simm.s32 @!p2 $0x0  }
0x1d: {  	s5 =	simm.s32 @p1 $0x1;
	p0 =	seq.s32 s7, s2  }
0x1e: {  	s7 =	smul.u32 @!p0 $0xF7A, s2;
	p2 =	seq.s32 @!p0 s5, $0x0  }
0x1f: {  	s9 =	smul.u32 $0xF7A, s1;
	s8 =	simm.s32 @!p0 $0x1BF5;
	p2 =	por !p2, p0  }
0x20: {  	[sflag:s8] =	ssyncset.s32 @!p0 $0xFFFFF086;
	s6 =	sadd.s32 @!p0 s3, s7;
	s7 =	simm.s32 @!p0 $0x108  }
0x21: {  	s3 =	sadd.s32 s3, s9;
	s6 =	sadd.s32 @!p0 $0x88, s6;
	s7 =	simm.s32 @p2 $0x1082  }
0x22: {  	[simem:s7], [sflag:s8] =	dma.local @!p0 [hbm:s6], $0xF7A  }
0x23: {  	s9 =	sor.u32 $0xD0000000, s2;
	s6 =	simm.s32 $0x108;
	_ =	swait.ge @!p0 [sflag:s8], $0x0  }
0x24: {  	s3 =	sadd.s32 $0x88, s3;
	s6 =	simm.s32 @!p1 $0x1082;
	[sflag:s4] =	ssyncset.s32 $0xFFFFF086  }
0x25: {  	[simem:s6], [sflag:s4] =	dma.local [hbm:s3], $0xF7A  }
0x26: {  	[smem:$0x3F9F] =	sst s1;
	(tag) =	ssettag s2;
	_ =	strace s9  }
0x27: {  	s1 =	sld [smem:$0x3FAF]  }
0x28: {  	s2 =	sld [smem:$0x3FB0]  }
0x29: {  	s4 =	sld [smem:$0x3FB2]  }
0x2a: {  	p0 =	seq.s32 s5, $0x0;
	s5 =	sld [smem:$0x3FB3]  }
0x2b: {  	s6 =	sld [smem:$0x3FB4]  }
0x2c: {  	s7 =	sld [smem:$0x3FB5]  }
0x2d: {  	s3 =	simm.s32 $0x108;
	s8 =	sld [smem:$0x3FB6]  }
0x2e: {  	s3 =	simm.s32 @!p0 $0x1082;
	s9 =	sld [smem:$0x3FB7]  }
0x2f: {  	lr =	sadd.s32 s0, s3;
	s0 =	sld [smem:$0x3FAE]  }
0x30: {  	s3 =	sld [smem:$0x3FB1]  }
0x31: {  	[smem:$0x3FBA] =	sst s10  }
0x32: {  	s10 =	sld [smem:$0x3FB8];
	_ =	sdelay $0x3  }
0x33: {  	p0 =	seq.s32 s10, $0x1;
	s10 =	sld [smem:$0x3FBA];
	_ =	sdelay $0x3  }
0x34: {  	[smem:$0x3FBA] =	sst s10  }
0x35: {  	s10 =	sld [smem:$0x3FB9];
	_ =	sdelay $0x3  }
0x36: {  	p1 =	seq.s32 s10, $0x1;
	s10 =	sld [smem:$0x3FBA];
	_ =	sdelay $0x3  }
0x37: {  	[smem:$0x3FBA] =	sst s10  }
0x38: {  	s10 =	sld [smem:$0x3FBB]  }
0x39: {  	_ = 	snop;
	(pc) =	sbr.ind lr, $3  }
0x3a: {  	_ = 	snop  }
0x3b: {  	_ = 	snop  }
0x3c: {  	p2 =	seq.s32 s10, $0x1;
	s10 =	sld [smem:$0x3FBA]  }
0x3d: {  	_ =	shalt  }
0x3e: {  	_ =	shalt  }
0x3f: {  	_ =	shalt  }
0x40: {  	_ =	shalt  }
0x41: {  	_ =	shalt  }
0x42: {  	_ =	shalt  }
0x43: {  	_ =	shalt  }
0x44: {  	_ =	shalt  }
0x45: {  	_ =	shalt  }
0x46: {  	_ =	shalt  }
0x47: {  	_ =	shalt  }
0x48: {  	_ =	shalt  }
0x49: {  	_ =	shalt  }
0x4a: {  	_ =	shalt  }
0x4b: {  	_ =	shalt  }
0x4c: {  	_ =	shalt  }
0x4d: {  	_ =	shalt  }
0x4e: {  	_ =	shalt  }
0x4f: {  	_ =	shalt  }
0x50: {  	_ =	shalt  }
0x51: {  	_ =	shalt  }
0x52: {  	_ =	shalt  }
0x53: {  	_ =	shalt  }
0x54: {  	_ =	shalt  }
0x55: {  	_ =	shalt  }
0x56: {  	_ =	shalt  }
0x57: {  	_ =	shalt  }
0x58: {  	_ =	shalt  }
0x59: {  	_ =	shalt  }
0x5a: {  	_ =	shalt  }
0x5b: {  	_ =	shalt  }
0x5c: {  	_ =	shalt  }
0x5d: {  	_ =	shalt  }
0x5e: {  	_ =	shalt  }
0x5f: {  	_ =	shalt  }
0x60: {  	_ =	shalt  }
0x61: {  	_ =	shalt  }
0x62: {  	_ =	shalt  }
0x63: {  	_ =	shalt  }
0x64: {  	_ =	shalt  }
0x65: {  	_ =	shalt  }
0x66: {  	_ =	shalt  }
0x67: {  	_ =	shalt  }
0x68: {  	_ =	shalt  }
0x69: {  	_ =	shalt  }
0x6a: {  	_ =	shalt  }
0x6b: {  	_ =	shalt  }
0x6c: {  	_ =	shalt  }
0x6d: {  	_ =	shalt  }
0x6e: {  	_ =	shalt  }
0x6f: {  	_ =	shalt  }
0x70: {  	_ =	shalt  }
0x71: {  	_ =	shalt  }
0x72: {  	_ =	shalt  }
0x73: {  	_ =	shalt  }
0x74: {  	_ =	shalt  }
0x75: {  	_ =	shalt  }
0x76: {  	_ =	shalt  }
0x77: {  	_ =	shalt  }
0x78: {  	_ =	shalt  }
0x79: {  	_ =	shalt  }
0x7a: {  	_ =	shalt  }
0x7b: {  	_ =	shalt  }
0x7c: {  	_ =	shalt  }
0x7d: {  	_ =	shalt  }
0x7e: {  	_ =	shalt  }
0x7f: {  	_ =	shalt  }
0x80: {  	_ =	shalt  }
0x81: {  	_ =	shalt  }
0x82: {  	_ =	shalt  }
0x83: {  	_ =	shalt  }
0x84: {  	_ =	shalt  }
0x85: {  	_ =	shalt  }
0x86: {  	_ =	shalt  }
0x87: {  	_ =	shalt  }
.Lfunc_end0:
.L_simem_size_0:
called_computation_lowered:
.L_overlay_start_0:
0x88: {  	s2 =	sld [smem:$0x3FD9]  }
0x89: {  	s3 =	sld [smem:$0x3FFE];
	_ =	sdelay $0x1  }
0x8a: {  	s1 =	srdreg.scid  }
0x8b: {  	s0 =	sand.u32 $0x1, s1  }
0x8c: {  	s17 =	sshll.u32 s0, $0xA;
	s2 =	sadd.s32 s3, s2  }
0x8d: {  	s2 =	sadd.s32 s2, s17  }
0x8e: {  	[smem:$0x3FC6] =	sst s2  }
0x8f: {  	_ = 	snop  }
0x90: {  	s2 =	sld [smem:$0x3FD0];
	(tm) =	ssettm $0x1  }
0x91: {  	s18 =	sld [smem:$0x3FFB];
	_ =	sdelay $0x3  }
0x92: {  	_ =	strace s18  }
0x93: {  	s3 =	sld [smem:$0x3FFC];
	_ =	sdelay $0x3  }
0x94: {  	_ =	strace s3  }
0x95: {  	s3 =	sld [smem:$0x3FFD];
	_ =	sdelay $0x3  }
0x96: {  	_ =	strace s3  }
0x97: {  	_ =	strace $0x8FFFFFFF  }
0x98: {  	s19 =	sld [smem:$0x3FDB];
	_ =	sdelay $0x1  }
0x99: {  	s4 =	simm.s32 $_scs_section_size  }
0x9a: {  	s5 =	simm.s32 $_size__tile_overlayer_lowered;
	s6 =	simm.s32 $_tile_overlayer_lowered  }
0x9b: {  	s22 =	simm.s32 $0x1BFF;
	s21 =	sshll.u32 s6, $0x1;
	s3 =	sadd.s32 s4, s19  }
0x9c: {  	s7 =	simm.s32 $0x0;
	s20 =	sshll.u32 s5, $0x1;
	s5 =	sadd.s32 s21, s3  }
0x9d: {  	[timem:s7], [sflag:s22] =	dma.local [hbm:s5], s20  }
0x9e: {  	_ =	swait.ge [sflag:s22], s20  }
0x9f: {  	s4 =	ssub.s32 $0x0, s20;
	[sflag:s22] =	ssyncset.done $0x0  }
0xa0: {  	[sflag:s22] =	ssyncadd.s32 s4;
	_ =	sdelay $0x1  }
0xa1: {  	s23 =	simm.s32 $0x1B8B  }
0xa2: {  	_ =	swait.ge [sflag:s23], $0x1  }
0xa3: {  	[sflag:s23] =	ssyncset.done $0x0  }
0xa4: {  	s25 =	simm.s32 $0x1B8E;
	s24 =	sld [smem:$0x3FFE];
	[sflag:s23] =	ssyncadd.s32 $0xFFFFFFFF  }
0xa5: {  	s26 =	simm.s32 $execute0_lowered;
	[smem:$0x3FD2] =	sst s25  }
0xa6: {  	s5 =	sshll.u32 s26, $0x1;
	_ =	strace $0x80000046;
	[dreg:$0x1] =	wrdreg $0xFFFFFFFF  }
0xa7: {  	s28 =	simm.s32 $_size_execute0_lowered;
	s3 =	sadd.s32 s3, s5;
	[dreg:$0x0] =	wrdreg $0x0  }
0xa8: {  	s5 =	sshll.u32 s28, $0x1;
	[dreg:$0x2] =	wrdreg s3  }
0xa9: {  	[dreg:$0x3] =	wrdreg s5  }
0xaa: {  	[dreg:$0x4] =	wrdreg $0xC0  }
0xab: {  	_ =	task [dreg:s7], $0x5FFFF  }
0xac: {  	[dreg:$0x1] =	wrdreg $0xFFFFFFFF  }
0xad: {  	[dreg:$0x0] =	wrdreg $0x60  }
0xae: {  	[dreg:$0x2] =	wrdreg s24  }
0xaf: {  	[dreg:$0x3] =	wrdreg s2  }
0xb0: {  	[dreg:$0x4] =	wrdreg $0x9  }
0xb1: {  	_ =	task.clear_ibuf [dreg:s7], $0x5FFFF;
	_ =	strace $0x90000046  }
0xb2: {  	s29 =	simm.s32 $0x9;
	_ =	strace $0x80000048  }
0xb3: {  	_ =	swait.ge [sflag:s29], $0x1  }
0xb4: {  	[sflag:s29] =	ssyncadd.s32 $0xFFFFFFFF  }
0xb5: {  	_ =	strace $0x90000048  }
0xb6: {  	_ =	sfence  }
0xb7: {  	s30 =	sld [smem:$0x0];
	_ =	sdelay $0x2  }
0xb8: {  	s31 =	sshll.u32 s1, $0xD;
	s1 =	sshrl.u32 s1, $0x2  }
0xb9: {  	s3 =	sand.u32 $0x4000, s31;
	s1 =	sadd.s32 s1, s30  }
0xba: {  	s0 =	sor.u32 s3, s0;
	s1 =	sshll.u32 s1, $0x11  }
0xbb: {  	s0 =	sor.u32 s1, s0  }
0xbc: {  	s0 =	sadd.s32 $0x8F2B, s0  }
0xbd: {  	[sflag:s0] =	ssyncadd.remote.s32 $0x1  }
0xbe: {  	_ =	sfence.sel $0xFFFF  }
0xbf: {  	[dreg:$0x0] =	wrdreg $0xFFFFFFFF;
	(pc) =	sbr.abs _section_cstart, $3  }
0xc0: {  	[dreg:$0x1] =	wrdreg $0xFFFFFFFF  }
0xc1: {  	_ =	task.clear_ibuf [dreg:s7], $0x2FFFF;
	_ =	strace $0x9FFFFFFF  }
0xc2: {  	(tm) =	ssettm $0x7FFFFFFF  }
0xc3: {  	_ =	shalt  }
tec
execute0_lowered:
.L_overlay_start_1:
0x0: {  	(tag) =	ssettag $0x1  }
0x1: {  	s3 =	rddreg [dreg:$0x0]  }
0x2: {  	s5 =	rddreg [dreg:$0x1]  }
0x3: {  	s0 =	rddreg [dreg:$0x2];
	s2 =	simm.s32 $0x0  }
0x4: {  	s1 =	stileid.u32;
	s4 =	srdreg.scid;
	s10 =	simm.s32 $0x1  }
0x5: {  	s11 =	simm.s32 $0x200;
	s12 =	simm.s32 $0x0;
	[smem:$0x7FF] =	sst s2  }
0x6: {  	s6 =	sshll.u32 s1, $0x7;
	s4 =	sand.u32 $0x1, s4;
	s7 =	sshll.u32 s1, $0x1  }
0x7: {  	_ =	strace $0x80000047;
	s6 =	sand.u32 $0x600, s6;
	s7 =	sor.u32 s4, s7  }
0x8: {  	s4 =	ssub.s32 $0x2, s4;
	s6 =	sadd.s32 s6, s3;
	s8 =	sshll.u32 s7, $0x4  }
0x9: {  	s3 =	sadd.s32 $0xC00, s3;
	s9 =	sshrl.u32 s4, $0x1;
	s31 =	sshll.u32 s7, $0xB  }
0xa: {  	s7 =	simm.s32 $0x80;
	s8 =	sand.u32 $0x70, s8;
	s9 =	ssub.s32 s4, s9  }
0xb: {  	s5 =	sadd.s32 s5, s31;
	s30 =	sadd.s32 s8, s6;
	s6 =	smax.u32 s9, $0x1  }
0xc: {  	s8 =	simm.s32 $0x400;
	s9 =	simm.s32 $0x2;
	s4 =	sadd.s32 $0x400, s30  }
.LBB2_1:
0xd: {  	[tilespmem:s2], [sflag:$0x2] =	stream.strided.gather [hbm4b:s4+s7], $0x200, s8, s7, $0x38;
	[tilespmem:$0x4200] =	vst v63  }
0xe: {  	_ =	swait.ge [sflag:s9], $0x200  }
0xf: {  	[sflag:s9] =	ssyncset.done $0x0  }
0x10: {  	s14 =	simm.s32 $0x0;
	[sflag:s9] =	ssyncadd.s32 $0xFFFFFE00  }
0x11: {  	v1 =	vld [tilespmem:s14+$0x0];
	_ =	sdelay $0x4  }
0x12: {  	(v2sf) =	vpush v1, $0x0  }
0x13: {  	(v2sf) =	vpush v1, $0x1;
	_ =	sdelay $0x1  }
0x14: {  	(v2sf) =	vpush v1, $0x2  }
0x15: {  	(v2sf) =	vpush v1, $0x3  }
0x16: {  	(v2sf) =	vpush v1, $0x4  }
0x17: {  	(v2sf) =	vpush v1, $0x5  }
0x18: {  	(v2sf) =	vpush v1, $0x6  }
0x19: {  	(v2sf) =	vpush v1, $0x7  }
0x1a: {  	(v2sf) =	vpush v1, $0x8  }
0x1b: {  	(v2sf) =	vpush v1, $0x9  }
0x1c: {  	s13 =	simm.s32 $0x10;
	(v2sf) =	vpush v1, $0xA  }
0x1d: {  	v0 =	vld [tilespmem:s13+$0x0];
	(v2sf) =	vpush v1, $0xB  }
0x1e: {  	(v2sf) =	vpush v1, $0xC  }
0x1f: {  	(v2sf) =	vpush v1, $0xD  }
0x20: {  	(v2sf) =	vpush v1, $0xE;
	s15 =	spop (v2sf)  }
0x21: {  	(v2sf) =	vpush v1, $0xF;
	[smem:s14] =	sst s15;
	s31 =	spop (v2sf)  }
0x22: {  	(v2sf) =	vpush v0, $0x0;
	[smem:$0x1] =	sst s31  }
0x23: {  	s15 =	spop (v2sf)  }
0x24: {  	(v2sf) =	vpush v0, $0x1;
	[smem:$0x2] =	sst s15  }
0x25: {  	s15 =	spop (v2sf)  }
0x26: {  	(v2sf) =	vpush v0, $0x2;
	[smem:$0x3] =	sst s15  }
0x27: {  	s15 =	spop (v2sf)  }
0x28: {  	(v2sf) =	vpush v0, $0x3;
	[smem:$0x4] =	sst s15  }
0x29: {  	s15 =	spop (v2sf)  }
0x2a: {  	(v2sf) =	vpush v0, $0x4;
	[smem:$0x5] =	sst s15  }
0x2b: {  	s15 =	spop (v2sf)  }
0x2c: {  	(v2sf) =	vpush v0, $0x5;
	[smem:$0x6] =	sst s15  }
0x2d: {  	s15 =	spop (v2sf)  }
0x2e: {  	(v2sf) =	vpush v0, $0x6;
	[smem:$0x7] =	sst s15  }
0x2f: {  	s15 =	spop (v2sf)  }
0x30: {  	(v2sf) =	vpush v0, $0x7;
	[smem:$0x8] =	sst s15  }
0x31: {  	s15 =	spop (v2sf)  }
0x32: {  	(v2sf) =	vpush v0, $0x8;
	[smem:$0x9] =	sst s15  }
0x33: {  	s15 =	spop (v2sf)  }
0x34: {  	(v2sf) =	vpush v0, $0x9;
	[smem:$0xA] =	sst s15  }
0x35: {  	s15 =	spop (v2sf)  }
0x36: {  	(v2sf) =	vpush v0, $0xA;
	[smem:$0xB] =	sst s15  }
0x37: {  	s16 =	spop (v2sf)  }
0x38: {  	(v2sf) =	vpush v0, $0xB;
	[smem:$0xC] =	sst s16  }
0x39: {  	s15 =	simm.s32 $0x20;
	s16 =	spop (v2sf)  }
0x3a: {  	v1 =	vld [tilespmem:s15+$0x0];
	(v2sf) =	vpush v0, $0xC;
	[smem:$0xD] =	sst s16  }
0x3b: {  	s16 =	spop (v2sf)  }
0x3c: {  	(v2sf) =	vpush v0, $0xD;
	[smem:$0xE] =	sst s16  }
0x3d: {  	s16 =	simm.s32 $0xC0;
	s17 =	spop (v2sf)  }
.LBB2_2:
0x3e: {  	p0 =	sne.s32 s16, $0x7C0;
	[smem:s14+$0xF] =	sst s17;
	s17 =	smov.u32 s16  }
0x3f: {  	(v2sf) =	vpush v0, $0xE;
	s16 =	sadd.s32 $0x40, s16;
	s14 =	smov.u32 s13;
	s13 =	smov.u32 s15  }
0x40: {  	s15 =	spop (v2sf);
	(v2sf) =	vpush v0, $0xF  }
0x41: {  	[smem:s14] =	sst s15;
	s15 =	spop (v2sf)  }
0x42: {  	(v2sf) =	vpush v1, $0x0;
	[smem:s14+$0x1] =	sst s15;
	s15 =	spop (v2sf);
	v0 =	vmov v1  }
0x43: {  	(v2sf) =	vpush v0, $0x1;
	[smem:s14+$0x2] =	sst s15;
	s15 =	spop (v2sf)  }
0x44: {  	(v2sf) =	vpush v0, $0x2;
	[smem:s14+$0x3] =	sst s15;
	s15 =	spop (v2sf)  }
0x45: {  	(v2sf) =	vpush v0, $0x3;
	[smem:s14+$0x4] =	sst s15;
	s15 =	spop (v2sf)  }
0x46: {  	(v2sf) =	vpush v0, $0x4;
	[smem:s14+$0x5] =	sst s15;
	s15 =	spop (v2sf)  }
0x47: {  	(v2sf) =	vpush v0, $0x5;
	[smem:s14+$0x6] =	sst s15;
	s15 =	spop (v2sf)  }
0x48: {  	(v2sf) =	vpush v0, $0x6;
	[smem:s14+$0x7] =	sst s15;
	s15 =	spop (v2sf)  }
0x49: {  	(v2sf) =	vpush v0, $0x7;
	[smem:s14+$0x8] =	sst s15;
	s15 =	spop (v2sf)  }
0x4a: {  	(v2sf) =	vpush v0, $0x8;
	[smem:s14+$0x9] =	sst s15;
	s15 =	spop (v2sf)  }
0x4b: {  	[smem:s14+$0xA] =	sst s15  }
.Ltmp0:
0x4c: {  	(v2sf) =	vpush v0, $0x9;
	s15 =	spop (v2sf);
	(pc) =	sbr.rel @p0 .LBB2_2-.Ltmp0, $4  }
0x4d: {  	(v2sf) =	vpush v0, $0xA;
	[smem:s14+$0xB] =	sst s15;
	s18 =	spop (v2sf)  }
0x4e: {  	s15 =	sshra.s32 s17, $0x2;
	(v2sf) =	vpush v0, $0xB;
	[smem:s14+$0xC] =	sst s18;
	s17 =	spop (v2sf)  }
0x4f: {  	v1 =	vld [tilespmem:s15+$0x0];
	(v2sf) =	vpush v0, $0xC;
	[smem:s14+$0xD] =	sst s17;
	s17 =	spop (v2sf)  }
0x50: {  	(v2sf) =	vpush v0, $0xD;
	[smem:s14+$0xE] =	sst s17;
	s17 =	spop (v2sf)  }
0x51: {  	_ = 	snop  }
0x52: {  	(v2sf) =	vpush v0, $0xE  }
0x53: {  	[smem:s14+$0xF] =	sst s17;
	s23 =	spop (v2sf);
	(v2sf) =	vpush v0, $0xF  }
0x54: {  	[smem:s13] =	sst s23;
	s24 =	spop (v2sf);
	(v2sf) =	vpush v1, $0x0  }
0x55: {  	[smem:s13+$0x1] =	sst s24;
	s25 =	spop (v2sf);
	(v2sf) =	vpush v1, $0x1  }
0x56: {  	[smem:s13+$0x2] =	sst s25;
	s26 =	spop (v2sf);
	(v2sf) =	vpush v1, $0x2  }
0x57: {  	[smem:s13+$0x3] =	sst s26;
	s28 =	spop (v2sf);
	(v2sf) =	vpush v1, $0x3  }
0x58: {  	[smem:s13+$0x4] =	sst s28;
	s29 =	spop (v2sf);
	(v2sf) =	vpush v1, $0x4  }
0x59: {  	[smem:s13+$0x5] =	sst s29;
	s30 =	spop (v2sf);
	(v2sf) =	vpush v1, $0x5  }
0x5a: {  	[smem:s13+$0x6] =	sst s30;
	s31 =	spop (v2sf);
	(v2sf) =	vpush v1, $0x6  }
0x5b: {  	[smem:s13+$0x7] =	sst s31;
	s16 =	spop (v2sf);
	(v2sf) =	vpush v1, $0x7  }
0x5c: {  	[smem:s13+$0x8] =	sst s16;
	s17 =	spop (v2sf);
	(v2sf) =	vpush v1, $0x8  }
0x5d: {  	[smem:s13+$0x9] =	sst s17;
	s18 =	spop (v2sf);
	(v2sf) =	vpush v1, $0x9  }
0x5e: {  	[smem:s13+$0xA] =	sst s18;
	s19 =	spop (v2sf);
	(v2sf) =	vpush v1, $0xA  }
0x5f: {  	[smem:s13+$0xB] =	sst s19;
	s20 =	spop (v2sf);
	(v2sf) =	vpush v1, $0xB  }
0x60: {  	[smem:s13+$0xC] =	sst s20;
	s21 =	spop (v2sf);
	(v2sf) =	vpush v1, $0xC  }
0x61: {  	[smem:s13+$0xD] =	sst s21;
	s22 =	spop (v2sf);
	(v2sf) =	vpush v1, $0xD  }
0x62: {  	[smem:s13+$0xE] =	sst s22;
	s23 =	spop (v2sf);
	(v2sf) =	vpush v1, $0xE  }
0x63: {  	[smem:s13+$0xF] =	sst s23;
	s24 =	spop (v2sf);
	(v2sf) =	vpush v1, $0xF  }
0x64: {  	[smem:s15] =	sst s24;
	s25 =	spop (v2sf)  }
0x65: {  	[smem:s15+$0x1] =	sst s25;
	s26 =	spop (v2sf)  }
0x66: {  	[smem:s15+$0x2] =	sst s26;
	s28 =	spop (v2sf)  }
0x67: {  	[smem:s15+$0x3] =	sst s28;
	s29 =	spop (v2sf)  }
0x68: {  	[smem:s15+$0x4] =	sst s29;
	s30 =	spop (v2sf)  }
0x69: {  	[smem:s15+$0x5] =	sst s30;
	s31 =	spop (v2sf)  }
0x6a: {  	[smem:s15+$0x6] =	sst s31;
	s14 =	spop (v2sf)  }
0x6b: {  	[smem:s15+$0x7] =	sst s14;
	s16 =	spop (v2sf)  }
0x6c: {  	[smem:s15+$0x8] =	sst s16;
	s17 =	spop (v2sf)  }
0x6d: {  	[smem:s15+$0x9] =	sst s17;
	s18 =	spop (v2sf)  }
0x6e: {  	[smem:s15+$0xA] =	sst s18;
	s19 =	spop (v2sf)  }
0x6f: {  	[smem:s15+$0xB] =	sst s19;
	s20 =	spop (v2sf)  }
0x70: {  	[smem:s15+$0xC] =	sst s20;
	s21 =	spop (v2sf)  }
0x71: {  	[smem:s15+$0xD] =	sst s21;
	s22 =	spop (v2sf)  }
0x72: {  	[smem:s15+$0xE] =	sst s22;
	s23 =	spop (v2sf)  }
0x73: {  	[smem:s15+$0xF] =	sst s23  }
0x74: {  	s13 =	sld [smem:$0x0];
	_ =	sdelay $0x1  }
0x75: {  	s24 =	sld [smem:$0x1]  }
0x76: {  	s13 =	sshll.u32 s13, $0x4  }
0x77: {  	s25 =	simm.s32 $0x200;
	s13 =	sand.u32 $0x1FFFFFF0, s13  }
0x78: {  	s16 =	sld [smem:$0x2];
	s14 =	sshll.u32 s24, $0x4;
	s13 =	sadd.s32 s3, s13  }
0x79: {  	[tilespmem:s25], [sflag:$0x1] =	stream.strided.gather [hbm4b:s13+s7], $0x0, s8, s7, $0x38;
	[tilespmem:$0x4200] =	vst v63  }
0x7a: {  	s26 =	simm.s32 $0x220;
	s14 =	sand.u32 $0x1FFFFFF0, s14  }
0x7b: {  	[tilespmem:s25], [sflag:$0x1] =	stream.linear.gather [hbm4b:s13+s2], $0x20, $0x38;
	[tilespmem:$0x4200] =	vst v63  }
0x7c: {  	s29 =	sshll.u32 s16, $0x4;
	s28 =	sadd.s32 s3, s14;
	s15 =	sld [smem:$0x3]  }
0x7d: {  	[tilespmem:s26], [sflag:$0x1] =	stream.strided.gather [hbm4b:s28+s7], $0x0, s8, s7, $0x38;
	[tilespmem:$0x4200] =	vst v63  }
0x7e: {  	s14 =	sand.u32 $0x1FFFFFF0, s29  }
0x7f: {  	[tilespmem:s26], [sflag:$0x1] =	stream.linear.gather [hbm4b:s28+s2], $0x20, $0x38;
	[tilespmem:$0x4200] =	vst v63  }
0x80: {  	s30 =	simm.s32 $0x240;
	s14 =	sadd.s32 s3, s14;
	s15 =	sshll.u32 s15, $0x4  }
0x81: {  	[tilespmem:s30], [sflag:$0x1] =	stream.strided.gather [hbm4b:s14+s7], $0x0, s8, s7, $0x38;
	[tilespmem:$0x4200] =	vst v63  }
0x82: {  	s15 =	sand.u32 $0x1FFFFFF0, s15;
	s31 =	sld [smem:$0x4]  }
0x83: {  	[tilespmem:s30], [sflag:$0x1] =	stream.linear.gather [hbm4b:s14+s2], $0x20, $0x38;
	[tilespmem:$0x4200] =	vst v63  }
0x84: {  	s14 =	simm.s32 $0x260;
	s15 =	sadd.s32 s3, s15  }
0x85: {  	[tilespmem:s14], [sflag:$0x1] =	stream.strided.gather [hbm4b:s15+s7], $0x0, s8, s7, $0x38;
	[tilespmem:$0x4200] =	vst v63  }
0x86: {  	s16 =	sshll.u32 s31, $0x4;
	s17 =	sld [smem:$0x5]  }
0x87: {  	[tilespmem:s14], [sflag:$0x1] =	stream.linear.gather [hbm4b:s15+s2], $0x20, $0x38;
	[tilespmem:$0x4200] =	vst v63  }
0x88: {  	s18 =	sand.u32 $0x1FFFFFF0, s16  }
0x89: {  	s19 =	simm.s32 $0x280;
	s13 =	sadd.s32 s3, s18;
	s20 =	sshll.u32 s17, $0x4  }
0x8a: {  	[tilespmem:s19], [sflag:$0x1] =	stream.strided.gather [hbm4b:s13+s7], $0x0, s8, s7, $0x38;
	[tilespmem:$0x4200] =	vst v63  }
0x8b: {  	s15 =	sand.u32 $0x1FFFFFF0, s20;
	s21 =	sld [smem:$0x6]  }
0x8c: {  	[tilespmem:s19], [sflag:$0x1] =	stream.linear.gather [hbm4b:s13+s2], $0x20, $0x38;
	[tilespmem:$0x4200] =	vst v63  }
0x8d: {  	s22 =	simm.s32 $0x2A0;
	s23 =	sadd.s32 s3, s15  }
0x8e: {  	[tilespmem:s22], [sflag:$0x1] =	stream.strided.gather [hbm4b:s23+s7], $0x0, s8, s7, $0x38;
	[tilespmem:$0x4200] =	vst v63  }
0x8f: {  	s24 =	sshll.u32 s21, $0x4;
	s25 =	sld [smem:$0x7]  }
0x90: {  	[tilespmem:s22], [sflag:$0x1] =	stream.linear.gather [hbm4b:s23+s2], $0x20, $0x38;
	[tilespmem:$0x4200] =	vst v63  }
0x91: {  	s26 =	sand.u32 $0x1FFFFFF0, s24  }
0x92: {  	s28 =	simm.s32 $0x2C0;
	s13 =	sadd.s32 s3, s26;
	s29 =	sshll.u32 s25, $0x4  }
0x93: {  	[tilespmem:s28], [sflag:$0x1] =	stream.strided.gather [hbm4b:s13+s7], $0x0, s8, s7, $0x38;
	[tilespmem:$0x4200] =	vst v63  }
0x94: {  	s15 =	sand.u32 $0x1FFFFFF0, s29  }
0x95: {  	[tilespmem:s28], [sflag:$0x1] =	stream.linear.gather [hbm4b:s13+s2], $0x20, $0x38;
	[tilespmem:$0x4200] =	vst v63  }
0x96: {  	p1 =	por $0x1, $0x1;
	s30 =	simm.s32 $0x2E0;
	s31 =	sadd.s32 s3, s15  }
0x97: {  	[tilespmem:s30], [sflag:$0x1] =	stream.strided.gather [hbm4b:s31+s7], $0x0, s8, s7, $0x38;
	[tilespmem:$0x4200] =	vst v63  }
0x98: {  	s17 =	simm.s32 @!p1 $0x1  }
0x99: {  	[tilespmem:s30], [sflag:$0x1] =	stream.linear.gather [hbm4b:s31+s2], $0x20, $0x38;
	[tilespmem:$0x4200] =	vst v63  }
0x9a: {  	_ =	swait.ge @!p1 [sflag:s17], $0x20  }
0x9b: {  	[sflag:s17] =	ssyncset.done @!p1 $0x0  }
0x9c: {  	[sflag:s17] =	ssyncadd.s32 @!p1 $0xFFFFFFE0  }
0x9d: {  	_ =	swait.ge @!p1 [sflag:s17], $0x20  }
0x9e: {  	[sflag:s17] =	ssyncset.done @!p1 $0x0  }
0x9f: {  	[sflag:s17] =	ssyncadd.s32 @!p1 $0xFFFFFFE0  }
0xa0: {  	_ =	swait.ge @!p1 [sflag:s17], $0x20  }
0xa1: {  	[sflag:s17] =	ssyncset.done @!p1 $0x0  }
0xa2: {  	[sflag:s17] =	ssyncadd.s32 @!p1 $0xFFFFFFE0  }
0xa3: {  	_ =	swait.ge @!p1 [sflag:s17], $0x20  }
0xa4: {  	s14 =	simm.s32 $0x400;
	[sflag:s17] =	ssyncset.done @!p1 $0x0  }
0xa5: {  	s13 =	simm.s32 $0x0;
	s15 =	simm.s32 $0xC;
	[sflag:s17] =	ssyncadd.s32 @!p1 $0xFFFFFFE0  }
.LBB2_4:
0xa6: {  	_ =	swait.ge @!p1 [sflag:s17], $0x20  }
0xa7: {  	s13 =	sadd.s32 $0x1, s13;
	s16 =	smov.u32 s14;
	s14 =	sadd.s32 $0x400, s14  }
0xa8: {  	p0 =	sne.s32 s14, $0x10000;
	[sflag:s17] =	ssyncset.done @!p1 $0x0  }
0xa9: {  	[sflag:s17] =	ssyncadd.s32 @!p1 $0xFFFFFFE0  }
0xaa: {  	_ =	swait.ge @!p1 [sflag:s17], $0x20  }
0xab: {  	[sflag:s17] =	ssyncset.done @!p1 $0x0  }
0xac: {  	[sflag:s17] =	ssyncadd.s32 @!p1 $0xFFFFFFE0  }
0xad: {  	_ =	swait.ge @!p1 [sflag:s17], $0x20  }
0xae: {  	s16 =	sshra.s32 s16, $0x2;
	[sflag:s17] =	ssyncset.done @!p1 $0x0  }
0xaf: {  	s18 =	sadd.s32 $0x200, s16;
	[sflag:s17] =	ssyncadd.s32 @!p1 $0xFFFFFFE0  }
0xb0: {  	_ =	swait.ge @!p1 [sflag:s17], $0x20  }
0xb1: {  	[sflag:s17] =	ssyncset.done @!p1 $0x0  }
0xb2: {  	[sflag:s17] =	ssyncadd.s32 @!p1 $0xFFFFFFE0  }
0xb3: {  	s17 =	sld [smem:s15+$0xFFFFFFFC];
	_ =	sdelay $0x1  }
0xb4: {  	s19 =	sld [smem:s15+$0xFFFFFFFD]  }
0xb5: {  	s17 =	sshll.u32 s17, $0x4  }
0xb6: {  	s17 =	sand.u32 $0x1FFFFFF0, s17  }
0xb7: {  	s17 =	sadd.s32 s3, s17;
	s19 =	sshll.u32 s19, $0x4;
	s20 =	sld [smem:s15+$0xFFFFFFFE]  }
0xb8: {  	[tilespmem:s18], [sflag:$0x1] =	stream.strided.gather [hbm4b:s17+s7], $0x0, s8, s7, $0x38;
	[tilespmem:$0x4200] =	vst v63  }
0xb9: {  	s21 =	sadd.s32 $0x220, s16;
	s19 =	sand.u32 $0x1FFFFFF0, s19  }
0xba: {  	[tilespmem:s18], [sflag:$0x1] =	stream.linear.gather [hbm4b:s17+s2], $0x20, $0x38;
	[tilespmem:$0x4200] =	vst v63  }
0xbb: {  	s17 =	sadd.s32 s3, s19;
	s18 =	sshll.u32 s20, $0x4;
	s19 =	sld [smem:s15+$0xFFFFFFFF]  }
0xbc: {  	[tilespmem:s21], [sflag:$0x1] =	stream.strided.gather [hbm4b:s17+s7], $0x0, s8, s7, $0x38;
	[tilespmem:$0x4200] =	vst v63  }
0xbd: {  	s18 =	sand.u32 $0x1FFFFFF0, s18  }
0xbe: {  	[tilespmem:s21], [sflag:$0x1] =	stream.linear.gather [hbm4b:s17+s2], $0x20, $0x38;
	[tilespmem:$0x4200] =	vst v63  }
0xbf: {  	s18 =	sadd.s32 s3, s18;
	s17 =	sadd.s32 $0x240, s16;
	s19 =	sshll.u32 s19, $0x4  }
0xc0: {  	[tilespmem:s17], [sflag:$0x1] =	stream.strided.gather [hbm4b:s18+s7], $0x0, s8, s7, $0x38;
	[tilespmem:$0x4200] =	vst v63  }
0xc1: {  	s19 =	sand.u32 $0x1FFFFFF0, s19;
	s20 =	sld [smem:s15+$0x0]  }
0xc2: {  	[tilespmem:s17], [sflag:$0x1] =	stream.linear.gather [hbm4b:s18+s2], $0x20, $0x38;
	[tilespmem:$0x4200] =	vst v63  }
0xc3: {  	s17 =	sadd.s32 $0x260, s16;
	s18 =	sadd.s32 s3, s19  }
0xc4: {  	[tilespmem:s17], [sflag:$0x1] =	stream.strided.gather [hbm4b:s18+s7], $0x0, s8, s7, $0x38;
	[tilespmem:$0x4200] =	vst v63  }
0xc5: {  	s19 =	sshll.u32 s20, $0x4;
	s20 =	sld [smem:s15+$0x1]  }
0xc6: {  	[tilespmem:s17], [sflag:$0x1] =	stream.linear.gather [hbm4b:s18+s2], $0x20, $0x38;
	[tilespmem:$0x4200] =	vst v63  }
0xc7: {  	s17 =	sand.u32 $0x1FFFFFF0, s19  }
0xc8: {  	s18 =	sadd.s32 $0x280, s16;
	s17 =	sadd.s32 s3, s17;
	s19 =	sshll.u32 s20, $0x4  }
0xc9: {  	[tilespmem:s18], [sflag:$0x1] =	stream.strided.gather [hbm4b:s17+s7], $0x0, s8, s7, $0x38;
	[tilespmem:$0x4200] =	vst v63  }
0xca: {  	s19 =	sand.u32 $0x1FFFFFF0, s19;
	s20 =	sld [smem:s15+$0x2]  }
0xcb: {  	[tilespmem:s18], [sflag:$0x1] =	stream.linear.gather [hbm4b:s17+s2], $0x20, $0x38;
	[tilespmem:$0x4200] =	vst v63  }
0xcc: {  	s17 =	sadd.s32 $0x2A0, s16;
	s18 =	sadd.s32 s3, s19  }
0xcd: {  	[tilespmem:s17], [sflag:$0x1] =	stream.strided.gather [hbm4b:s18+s7], $0x0, s8, s7, $0x38;
	[tilespmem:$0x4200] =	vst v63  }
0xce: {  	s19 =	sshll.u32 s20, $0x4;
	s20 =	sld [smem:s15+$0x3]  }
0xcf: {  	[tilespmem:s17], [sflag:$0x1] =	stream.linear.gather [hbm4b:s18+s2], $0x20, $0x38;
	[tilespmem:$0x4200] =	vst v63  }
0xd0: {  	s17 =	sand.u32 $0x1FFFFFF0, s19  }
0xd1: {  	s18 =	sadd.s32 $0x2C0, s16;
	s17 =	sadd.s32 s3, s17;
	s19 =	sshll.u32 s20, $0x4  }
0xd2: {  	[tilespmem:s18], [sflag:$0x1] =	stream.strided.gather [hbm4b:s17+s7], $0x0, s8, s7, $0x38;
	[tilespmem:$0x4200] =	vst v63  }
0xd3: {  	s16 =	sadd.s32 $0x2E0, s16;
	s19 =	sand.u32 $0x1FFFFFF0, s19  }
0xd4: {  	[tilespmem:s18], [sflag:$0x1] =	stream.linear.gather [hbm4b:s17+s2], $0x20, $0x38;
	[tilespmem:$0x4200] =	vst v63  }
0xd5: {  	p1 =	slt.u32 s13, $0x8;
	s18 =	sadd.s32 s3, s19  }
0xd6: {  	[tilespmem:s16], [sflag:$0x1] =	stream.strided.gather [hbm4b:s18+s7], $0x0, s8, s7, $0x38;
	[tilespmem:$0x4200] =	vst v63  }
0xd7: {  	s17 =	simm.s32 @!p1 $0x1  }
0xd8: {  	[tilespmem:s16], [sflag:$0x1] =	stream.linear.gather [hbm4b:s18+s2], $0x20, $0x38;
	[tilespmem:$0x4200] =	vst v63  }
0xd9: {  	_ =	swait.ge @!p1 [sflag:s17], $0x20  }
0xda: {  	[sflag:s17] =	ssyncset.done @!p1 $0x0  }
0xdb: {  	[sflag:s17] =	ssyncadd.s32 @!p1 $0xFFFFFFE0  }
0xdc: {  	_ =	swait.ge @!p1 [sflag:s17], $0x20  }
0xdd: {  	[sflag:s17] =	ssyncset.done @!p1 $0x0  }
0xde: {  	[sflag:s17] =	ssyncadd.s32 @!p1 $0xFFFFFFE0  }
0xdf: {  	_ =	swait.ge @!p1 [sflag:s17], $0x20  }
.Ltmp1:
0xe0: {  	[sflag:s17] =	ssyncset.done @!p1 $0x0;
	(pc) =	sbr.rel @p0 .LBB2_4-.Ltmp1, $4  }
0xe1: {  	[sflag:s17] =	ssyncadd.s32 @!p1 $0xFFFFFFE0  }
0xe2: {  	_ =	swait.ge @!p1 [sflag:s17], $0x20  }
0xe3: {  	[sflag:s17] =	ssyncset.done @!p1 $0x0  }
0xe4: {  	s15 =	sadd.s32 $0x8, s15;
	[sflag:s17] =	ssyncadd.s32 @!p1 $0xFFFFFFE0  }
0xe5: {  	_ =	swait.ge @!p1 [sflag:s17], $0x20  }
0xe6: {  	[sflag:s17] =	ssyncset.done @!p1 $0x0  }
0xe7: {  	[sflag:s17] =	ssyncadd.s32 @!p1 $0xFFFFFFE0  }
0xe8: {  	_ =	swait.ge @!p1 [sflag:s17], $0x20  }
0xe9: {  	[sflag:s17] =	ssyncset.done @!p1 $0x0  }
0xea: {  	[sflag:s17] =	ssyncadd.s32 @!p1 $0xFFFFFFE0  }
0xeb: {  	_ =	swait.ge @!p1 [sflag:s17], $0x20  }
0xec: {  	[sflag:s17] =	ssyncset.done @!p1 $0x0  }
0xed: {  	[sflag:s17] =	ssyncadd.s32 @!p1 $0xFFFFFFE0  }
0xee: {  	_ =	swait.ge @!p1 [sflag:s17], $0x20  }
0xef: {  	[sflag:s17] =	ssyncset.done @!p1 $0x0  }
0xf0: {  	[sflag:s17] =	ssyncadd.s32 @!p1 $0xFFFFFFE0  }
0xf1: {  	_ =	swait.ge [sflag:s10], $0x20  }
0xf2: {  	[sflag:s10] =	ssyncset.done $0x0  }
0xf3: {  	[sflag:s10] =	ssyncadd.s32 $0xFFFFFFE0  }
0xf4: {  	_ =	swait.ge [sflag:s10], $0x20  }
0xf5: {  	[sflag:s10] =	ssyncset.done $0x0  }
0xf6: {  	[sflag:s10] =	ssyncadd.s32 $0xFFFFFFE0  }
0xf7: {  	_ =	swait.ge [sflag:s10], $0x20  }
0xf8: {  	[sflag:s10] =	ssyncset.done $0x0  }
0xf9: {  	[sflag:s10] =	ssyncadd.s32 $0xFFFFFFE0  }
0xfa: {  	_ =	swait.ge [sflag:s10], $0x20  }
0xfb: {  	[sflag:s10] =	ssyncset.done $0x0  }
0xfc: {  	[sflag:s10] =	ssyncadd.s32 $0xFFFFFFE0  }
0xfd: {  	_ =	swait.ge [sflag:s10], $0x20  }
0xfe: {  	[sflag:s10] =	ssyncset.done $0x0  }
0xff: {  	[sflag:s10] =	ssyncadd.s32 $0xFFFFFFE0  }
0x100: {  	_ =	swait.ge [sflag:s10], $0x20  }
0x101: {  	[sflag:s10] =	ssyncset.done $0x0  }
0x102: {  	[sflag:s10] =	ssyncadd.s32 $0xFFFFFFE0  }
0x103: {  	_ =	swait.ge [sflag:s10], $0x20  }
0x104: {  	[sflag:s10] =	ssyncset.done $0x0  }
0x105: {  	[sflag:s10] =	ssyncadd.s32 $0xFFFFFFE0  }
0x106: {  	_ =	swait.ge [sflag:s10], $0x20  }
0x107: {  	[sflag:s10] =	ssyncset.done $0x0  }
0x108: {  	[sflag:s10] =	ssyncadd.s32 $0xFFFFFFE0  }
0x109: {  	_ =	swait.ge [sflag:s10], $0x20  }
0x10a: {  	[sflag:s10] =	ssyncset.done $0x0  }
0x10b: {  	[sflag:s10] =	ssyncadd.s32 $0xFFFFFFE0  }
0x10c: {  	_ =	swait.ge [sflag:s10], $0x20  }
0x10d: {  	[sflag:s10] =	ssyncset.done $0x0  }
0x10e: {  	[sflag:s10] =	ssyncadd.s32 $0xFFFFFFE0  }
0x10f: {  	_ =	swait.ge [sflag:s10], $0x20  }
0x110: {  	[sflag:s10] =	ssyncset.done $0x0  }
0x111: {  	[sflag:s10] =	ssyncadd.s32 $0xFFFFFFE0  }
0x112: {  	_ =	swait.ge [sflag:s10], $0x20  }
0x113: {  	[sflag:s10] =	ssyncset.done $0x0  }
0x114: {  	[sflag:s10] =	ssyncadd.s32 $0xFFFFFFE0  }
0x115: {  	_ =	swait.ge [sflag:s10], $0x20  }
0x116: {  	[sflag:s10] =	ssyncset.done $0x0  }
0x117: {  	[sflag:s10] =	ssyncadd.s32 $0xFFFFFFE0  }
0x118: {  	_ =	swait.ge [sflag:s10], $0x20  }
0x119: {  	[sflag:s10] =	ssyncset.done $0x0  }
0x11a: {  	[sflag:s10] =	ssyncadd.s32 $0xFFFFFFE0  }
0x11b: {  	_ =	swait.ge [sflag:s10], $0x20  }
0x11c: {  	[sflag:s10] =	ssyncset.done $0x0  }
0x11d: {  	[sflag:s10] =	ssyncadd.s32 $0xFFFFFFE0  }
0x11e: {  	_ =	swait.ge [sflag:s10], $0x20  }
0x11f: {  	[sflag:s10] =	ssyncset.done $0x0  }
0x120: {  	[sflag:s10] =	ssyncadd.s32 $0xFFFFFFE0  }
0x121: {  	_ =	swait.ge [sflag:s10], $0x20  }
0x122: {  	[sflag:s10] =	ssyncset.done $0x0  }
0x123: {  	[sflag:s10] =	ssyncadd.s32 $0xFFFFFFE0  }
0x124: {  	_ =	swait.ge [sflag:s10], $0x20  }
0x125: {  	[sflag:s10] =	ssyncset.done $0x0  }
0x126: {  	[sflag:s10] =	ssyncadd.s32 $0xFFFFFFE0  }
0x127: {  	_ =	swait.ge [sflag:s10], $0x20  }
0x128: {  	[sflag:s10] =	ssyncset.done $0x0  }
0x129: {  	[sflag:s10] =	ssyncadd.s32 $0xFFFFFFE0  }
0x12a: {  	_ =	swait.ge [sflag:s10], $0x20  }
0x12b: {  	[sflag:s10] =	ssyncset.done $0x0  }
0x12c: {  	[sflag:s10] =	ssyncadd.s32 $0xFFFFFFE0  }
0x12d: {  	_ =	swait.ge [sflag:s10], $0x20  }
0x12e: {  	[sflag:s10] =	ssyncset.done $0x0  }
0x12f: {  	[sflag:s10] =	ssyncadd.s32 $0xFFFFFFE0  }
0x130: {  	_ =	swait.ge [sflag:s10], $0x20  }
0x131: {  	[sflag:s10] =	ssyncset.done $0x0  }
0x132: {  	[sflag:s10] =	ssyncadd.s32 $0xFFFFFFE0  }
0x133: {  	_ =	swait.ge [sflag:s10], $0x20  }
0x134: {  	[sflag:s10] =	ssyncset.done $0x0  }
0x135: {  	[sflag:s10] =	ssyncadd.s32 $0xFFFFFFE0  }
0x136: {  	_ =	swait.ge [sflag:s10], $0x20  }
0x137: {  	[sflag:s10] =	ssyncset.done $0x0  }
0x138: {  	[sflag:s10] =	ssyncadd.s32 $0xFFFFFFE0  }
0x139: {  	_ =	swait.ge [sflag:s10], $0x20  }
0x13a: {  	[sflag:s10] =	ssyncset.done $0x0  }
0x13b: {  	[sflag:s10] =	ssyncadd.s32 $0xFFFFFFE0  }
0x13c: {  	_ =	swait.ge [sflag:s10], $0x20  }
0x13d: {  	[sflag:s10] =	ssyncset.done $0x0  }
0x13e: {  	[sflag:s10] =	ssyncadd.s32 $0xFFFFFFE0  }
0x13f: {  	_ =	swait.ge [sflag:s10], $0x20  }
0x140: {  	[sflag:s10] =	ssyncset.done $0x0  }
0x141: {  	[sflag:s10] =	ssyncadd.s32 $0xFFFFFFE0  }
0x142: {  	_ =	swait.ge [sflag:s10], $0x20  }
0x143: {  	[sflag:s10] =	ssyncset.done $0x0  }
0x144: {  	[sflag:s10] =	ssyncadd.s32 $0xFFFFFFE0  }
0x145: {  	_ =	swait.ge [sflag:s10], $0x20  }
0x146: {  	[sflag:s10] =	ssyncset.done $0x0  }
0x147: {  	[sflag:s10] =	ssyncadd.s32 $0xFFFFFFE0  }
0x148: {  	_ =	swait.ge [sflag:s10], $0x20  }
0x149: {  	[sflag:s10] =	ssyncset.done $0x0  }
0x14a: {  	[sflag:s10] =	ssyncadd.s32 $0xFFFFFFE0  }
0x14b: {  	_ =	swait.ge [sflag:s10], $0x20  }
0x14c: {  	[sflag:s10] =	ssyncset.done $0x0  }
0x14d: {  	[sflag:s10] =	ssyncadd.s32 $0xFFFFFFE0  }
0x14e: {  	_ =	swait.ge [sflag:s10], $0x20  }
0x14f: {  	[sflag:s10] =	ssyncset.done $0x0  }
0x150: {  	[sflag:s10] =	ssyncadd.s32 $0xFFFFFFE0  }
0x151: {  	_ =	swait.ge [sflag:s10], $0x20  }
0x152: {  	[sflag:s10] =	ssyncset.done $0x0  }
0x153: {  	[sflag:s10] =	ssyncadd.s32 $0xFFFFFFE0  }
0x154: {  	_ =	swait.ge [sflag:s10], $0x20  }
0x155: {  	[sflag:s10] =	ssyncset.done $0x0  }
0x156: {  	[sflag:s10] =	ssyncadd.s32 $0xFFFFFFE0  }
0x157: {  	_ =	swait.ge [sflag:s10], $0x20  }
0x158: {  	[sflag:s10] =	ssyncset.done $0x0  }
0x159: {  	[sflag:s10] =	ssyncadd.s32 $0xFFFFFFE0  }
0x15a: {  	_ =	swait.ge [sflag:s10], $0x20  }
0x15b: {  	[sflag:s10] =	ssyncset.done $0x0  }
0x15c: {  	[sflag:s10] =	ssyncadd.s32 $0xFFFFFFE0  }
0x15d: {  	_ =	swait.ge [sflag:s10], $0x20  }
0x15e: {  	[sflag:s10] =	ssyncset.done $0x0  }
0x15f: {  	[sflag:s10] =	ssyncadd.s32 $0xFFFFFFE0  }
0x160: {  	_ =	swait.ge [sflag:s10], $0x20  }
0x161: {  	[sflag:s10] =	ssyncset.done $0x0  }
0x162: {  	[sflag:s10] =	ssyncadd.s32 $0xFFFFFFE0  }
0x163: {  	_ =	swait.ge [sflag:s10], $0x20  }
0x164: {  	[sflag:s10] =	ssyncset.done $0x0  }
0x165: {  	[sflag:s10] =	ssyncadd.s32 $0xFFFFFFE0  }
0x166: {  	_ =	swait.ge [sflag:s10], $0x20  }
0x167: {  	[sflag:s10] =	ssyncset.done $0x0  }
0x168: {  	[sflag:s10] =	ssyncadd.s32 $0xFFFFFFE0  }
0x169: {  	_ =	swait.ge [sflag:s10], $0x20  }
0x16a: {  	[sflag:s10] =	ssyncset.done $0x0  }
0x16b: {  	[sflag:s10] =	ssyncadd.s32 $0xFFFFFFE0  }
0x16c: {  	_ =	swait.ge [sflag:s10], $0x20  }
0x16d: {  	[sflag:s10] =	ssyncset.done $0x0  }
0x16e: {  	[sflag:s10] =	ssyncadd.s32 $0xFFFFFFE0  }
0x16f: {  	_ =	swait.ge [sflag:s10], $0x20  }
0x170: {  	[sflag:s10] =	ssyncset.done $0x0  }
0x171: {  	[sflag:s10] =	ssyncadd.s32 $0xFFFFFFE0  }
0x172: {  	_ =	swait.ge [sflag:s10], $0x20  }
0x173: {  	[sflag:s10] =	ssyncset.done $0x0  }
0x174: {  	[sflag:s10] =	ssyncadd.s32 $0xFFFFFFE0  }
0x175: {  	_ =	swait.ge [sflag:s10], $0x20  }
0x176: {  	[sflag:s10] =	ssyncset.done $0x0  }
0x177: {  	[sflag:s10] =	ssyncadd.s32 $0xFFFFFFE0  }
0x178: {  	_ =	swait.ge [sflag:s10], $0x20  }
0x179: {  	[sflag:s10] =	ssyncset.done $0x0  }
0x17a: {  	[sflag:s10] =	ssyncadd.s32 $0xFFFFFFE0  }
0x17b: {  	_ =	swait.ge [sflag:s10], $0x20  }
0x17c: {  	[sflag:s10] =	ssyncset.done $0x0  }
0x17d: {  	[sflag:s10] =	ssyncadd.s32 $0xFFFFFFE0  }
0x17e: {  	_ =	swait.ge [sflag:s10], $0x20  }
0x17f: {  	[sflag:s10] =	ssyncset.done $0x0  }
0x180: {  	[sflag:s10] =	ssyncadd.s32 $0xFFFFFFE0  }
0x181: {  	_ =	swait.ge [sflag:s10], $0x20  }
0x182: {  	[sflag:s10] =	ssyncset.done $0x0  }
0x183: {  	[sflag:s10] =	ssyncadd.s32 $0xFFFFFFE0  }
0x184: {  	_ =	swait.ge [sflag:s10], $0x20  }
0x185: {  	[sflag:s10] =	ssyncset.done $0x0  }
0x186: {  	[sflag:s10] =	ssyncadd.s32 $0xFFFFFFE0  }
0x187: {  	_ =	swait.ge [sflag:s10], $0x20  }
0x188: {  	[sflag:s10] =	ssyncset.done $0x0  }
0x189: {  	[sflag:s10] =	ssyncadd.s32 $0xFFFFFFE0  }
0x18a: {  	_ =	swait.ge [sflag:s10], $0x20  }
0x18b: {  	[sflag:s10] =	ssyncset.done $0x0  }
0x18c: {  	[sflag:s10] =	ssyncadd.s32 $0xFFFFFFE0  }
0x18d: {  	_ =	swait.ge [sflag:s10], $0x20  }
0x18e: {  	[sflag:s10] =	ssyncset.done $0x0  }
0x18f: {  	[sflag:s10] =	ssyncadd.s32 $0xFFFFFFE0  }
0x190: {  	_ =	swait.ge [sflag:s10], $0x20  }
0x191: {  	[sflag:s10] =	ssyncset.done $0x0  }
0x192: {  	[sflag:s10] =	ssyncadd.s32 $0xFFFFFFE0  }
0x193: {  	_ =	swait.ge [sflag:s10], $0x20  }
0x194: {  	[sflag:s10] =	ssyncset.done $0x0  }
0x195: {  	[sflag:s10] =	ssyncadd.s32 $0xFFFFFFE0  }
0x196: {  	_ =	swait.ge [sflag:s10], $0x20  }
0x197: {  	[sflag:s10] =	ssyncset.done $0x0  }
0x198: {  	[sflag:s10] =	ssyncadd.s32 $0xFFFFFFE0  }
0x199: {  	_ =	swait.ge [sflag:s10], $0x20  }
0x19a: {  	[sflag:s10] =	ssyncset.done $0x0  }
0x19b: {  	[sflag:s10] =	ssyncadd.s32 $0xFFFFFFE0  }
0x19c: {  	_ =	swait.ge [sflag:s10], $0x20  }
0x19d: {  	[sflag:s10] =	ssyncset.done $0x0  }
0x19e: {  	[sflag:s10] =	ssyncadd.s32 $0xFFFFFFE0  }
0x19f: {  	_ =	swait.ge [sflag:s10], $0x20  }
0x1a0: {  	[sflag:s10] =	ssyncset.done $0x0  }
0x1a1: {  	[sflag:s10] =	ssyncadd.s32 $0xFFFFFFE0  }
0x1a2: {  	_ =	swait.ge [sflag:s10], $0x20  }
0x1a3: {  	[sflag:s10] =	ssyncset.done $0x0  }
0x1a4: {  	[sflag:s10] =	ssyncadd.s32 $0xFFFFFFE0  }
0x1a5: {  	_ =	swait.ge [sflag:s10], $0x20  }
0x1a6: {  	[sflag:s10] =	ssyncset.done $0x0  }
0x1a7: {  	[sflag:s10] =	ssyncadd.s32 $0xFFFFFFE0  }
0x1a8: {  	_ =	swait.ge [sflag:s10], $0x20  }
0x1a9: {  	[sflag:s10] =	ssyncset.done $0x0  }
0x1aa: {  	[sflag:s10] =	ssyncadd.s32 $0xFFFFFFE0  }
0x1ab: {  	_ =	swait.ge [sflag:s10], $0x20  }
0x1ac: {  	[sflag:s10] =	ssyncset.done $0x0  }
0x1ad: {  	[sflag:s10] =	ssyncadd.s32 $0xFFFFFFE0  }
0x1ae: {  	s12 =	sadd.s32 $0x1, s12;
	_ =	swait.ge [sflag:s10], $0x20  }
0x1af: {  	p0 =	sne.s32 s12, s6;
	[sflag:s10] =	ssyncset.done $0x0  }
.Ltmp2:
0x1b0: {  	[sflag:s10] =	ssyncadd.s32 $0xFFFFFFE0;
	(pc) =	sbr.rel @p0 .LBB2_1-.Ltmp2, $4  }
0x1b1: {  	[hbm4b:s5+s2] =	stream.linear.scatter [tilespmem:s11], [sflag:$0x2], $0x4000, $0x38;
	[tilespmem:$0x4200] =	vst v63  }
0x1b2: {  	_ =	swait.ge [sflag:s9], $0x4000  }
0x1b3: {  	[sflag:s9] =	ssyncset.done $0x0  }
0x1b4: {  	[sflag:s9] =	ssyncadd.s32 $0xFFFFC000  }
0x1b5: {  	_ =	sfence.sel $0x180000  }
0x1b6: {  	[bflag:$0x0] =	sbarrier.arrive $0xFFFF  }
0x1b7: {  	p0 =	sne.s32 s1, $0x0;
	_ =	strace $0x90000047  }
0x1b8: {  	s0 =	sadd.s32 @!p0 $0x100000, s0;
	[bflag:$0x2] =	sbarrier.arrive $0xFFFF  }
0x1b9: {  	[sflag:s0] =	ssyncadd.tile.s32 @!p0 $0x1;
	_ =	shalt  }
.Lfunc_end2:
_tile_overlayer_lowered:
.L_overlay_start_2:
0x1ba: {  	(tag) =	ssettag $0x2  }
0x1bb: {  	s0 =	rddreg [dreg:$0x0];
	s2 =	stileid.u32  }
0x1bc: {  	s1 =	rddreg [dreg:$0x1];
	p0 =	sne.s32 s2, $0x0  }
0x1bd: {  	s3 =	rddreg [dreg:$0x2];
	[bflag:$0x3] =	sbarrier.arrive $0xFFFF;
	s2 =	simm.s32 @!p0 $0x1C02  }
0x1be: {  	[timem:s3], [sflag:s2] =	dma.local @!p0 [hbm:s0], s1  }
0x1bf: {  	s0 =	simm.s32 @!p0 $0x2  }
0x1c0: {  	_ =	swait.ge @!p0 [sflag:s0], s1  }
0x1c1: {  	s1 =	ssub.s32 @!p0 $0x0, s1;
	[sflag:s0] =	ssyncset.done @!p0 $0x0  }
0x1c2: {  	[sflag:s0] =	ssyncadd.s32 @!p0 s1  }
0x1c3: {  	[bflag:$0x3] =	sbarrier.arrive $0xFFFF  }
0x1c4: {  	_ =	shalt  }

</sc_bundles>
